<compile_context>
chip_gen: v7x
topology: tpu7x:2x2x1
jax: 0.10.2.dev20260603
libtpu: 0.0.44.dev20260713+nightly
codegen_flags: <defaults>
</compile_context>

<pallas_src>
import functools

import jax
import jax.numpy as jnp
from jax import lax
from jax.experimental import pallas as pl
from jax.experimental.pallas import tpu as pltpu
from jax.experimental.pallas import tpu_sc as plsc

SOURCE_SIZE = 1000000
COORDS = 64
CHANNELS = 32
N = 16384

NC, NS = 2, 16
NW = NC * NS
LANES = 16

NTILES = (SOURCE_SIZE + 127) // 128
NFULL = SOURCE_SIZE // 128
TAIL_BASE = NFULL * 128
TAIL_W = SOURCE_SIZE - TAIL_BASE
GW = 256
TPW = 246
NSTEP = TPW // 2
OUT_ROWS = N + NW
BATCH = 112

_mesh = plsc.VectorSubcoreMesh(core_axis_name="c", subcore_axis_name="s")


@functools.partial(
    pl.kernel,
    mesh=_mesh,
    out_type=jax.ShapeDtypeStruct((OUT_ROWS, 128), jnp.float32),
    scratch_types=[
        pltpu.VMEM((N + LANES,), jnp.int32),
        pltpu.VMEM((COORDS, GW), jnp.float32),
        pltpu.VMEM((COORDS, GW), jnp.float32),
        pltpu.VMEM((COORDS, GW), jnp.float32),
        pltpu.VMEM((COORDS, GW), jnp.float32),
        pltpu.VMEM((CHANNELS, GW), jnp.float32),
        pltpu.VMEM((CHANNELS, GW), jnp.float32),
        pltpu.VMEM((CHANNELS, GW), jnp.float32),
        pltpu.VMEM((CHANNELS, GW), jnp.float32),
        pltpu.VMEM((BATCH, 128), jnp.float32),
        pltpu.VMEM((BATCH,), jnp.int32),
        pltpu.SemaphoreType.DMA,
        pltpu.SemaphoreType.DMA,
        pltpu.SemaphoreType.DMA,
        pltpu.SemaphoreType.DMA,
        pltpu.SemaphoreType.DMA,
    ],
    compiler_params=pltpu.CompilerParams(
        use_tc_tiling_on_sc=True, needs_layout_passes=False),
)
def _scan_gather(xT_hbm, yT_hbm, xtail_hbm, ytail_hbm, idx_hbm, out_hbm,
                 idx_v, sx0, sx1, sx2, sx3, sy0, sy1, sy2, sy3, obatch, obidx,
                 sem0, sem1, sem2, sem3, ssem):
    wid = lax.axis_index("s") * NC + lax.axis_index("c")
    lo = wid * TPW
    hi = jnp.minimum(lo + TPW, NFULL)
    nstep = lax.max((hi - lo) // 2, 0)
    is_last = wid == NW - 1
    fhi = jnp.where(is_last, NTILES, hi)
    dump = N + wid
    iota = lax.iota(jnp.int32, LANES)
    bufs = ((sx0, sy0, sem0), (sx1, sy1, sem1), (sx2, sy2, sem2),
            (sx3, sy3, sem3))

    pltpu.sync_copy(idx_hbm, idx_v.at[pl.ds(0, N)])

    def filt(k, cnt):
        iv = idx_v[pl.ds(pl.multiple_of(k * LANES, LANES), LANES)]
        t = lax.shift_right_logical(iv, 7)
        m = (t >= lo) & (t < fhi)
        mi = m.astype(jnp.int32)
        pos = cnt + plsc.cumsum(mi) - 1
        ent = (lax.shift_left(t - lo, 21)
               | lax.shift_left(iv & 127, 14)
               | (iota + k * LANES))
        plsc.store_scatter(idx_v, [pos], ent, mask=m)
        return cnt + jnp.sum(mi)

    cnt = lax.fori_loop(0, N // LANES, filt, jnp.int32(0))
    plsc.store_scatter(idx_v, [cnt + iota],
                       jnp.full((LANES,), -1, jnp.int32))
    nvec = (cnt + LANES - 1) // LANES

    for k in range(BATCH // LANES):
        obidx[pl.ds(k * LANES, LANES)] = jnp.full((LANES,), dump, jnp.int32)

    def issue(r, bufi):
        sx, sy, sem = bufs[bufi]
        off = pl.multiple_of((lo + 2 * r) * 128, GW)
        pltpu.async_copy(xT_hbm.at[:, pl.ds(off, GW)], sx, sem)
        pltpu.async_copy(yT_hbm.at[:, pl.ds(off, GW)], sy, sem)

    def wait_fetch(bufi):
        sx, sy, sem = bufs[bufi]
        pltpu.make_async_copy(xT_hbm.at[:, pl.ds(0, GW)], sx, sem).wait()
        pltpu.make_async_copy(yT_hbm.at[:, pl.ds(0, GW)], sy, sem).wait()

    def extract_sample(sx, sy, e_i, sel, slot):
        l_s = jnp.sum(jnp.where(sel, lax.shift_right_logical(e_i, 14) & 255, 0))
        p_s = jnp.sum(jnp.where(sel, e_i & 0x3FFF, 0))
        l_vec = jnp.zeros((LANES,), jnp.int32) + l_s
        slot_vec = jnp.zeros((LANES,), jnp.int32) + slot
        for k in range(COORDS // LANES):
            vals = plsc.load_gather(sx, [iota + k * LANES, l_vec])
            plsc.store_scatter(obatch, [slot_vec, iota + k * LANES], vals)
        for k in range(CHANNELS // LANES):
            vals = plsc.load_gather(sy, [iota + k * LANES, l_vec])
            plsc.store_scatter(obatch, [slot_vec, iota + (COORDS + k * LANES)],
                               vals)
        plsc.store_scatter(obidx, [slot_vec],
                           jnp.zeros((LANES,), jnp.int32) + p_s,
                           mask=iota == 0)
        slot = slot + 1

        @pl.when(slot == BATCH)
        def _flush():
            pltpu.async_copy(obatch, out_hbm.at[obidx], ssem).wait()
            for k in range(BATCH // LANES):
                obidx[pl.ds(k * LANES, LANES)] = jnp.full(
                    (LANES,), dump, jnp.int32)

        return jnp.where(slot == BATCH, 0, slot)

    def scan_block(grp, sx, sy, slot):
        def scan_vec(j, slot):
            base = pl.multiple_of(j * LANES, LANES)
            e_i = idx_v[pl.ds(base, LANES)]
            m = lax.shift_right_logical(e_i, 22) == grp

            def any_left(c):
                me, _ = c
                return jnp.any(me)

            def pull_one(c):
                me, slot = c
                sel = iota == plsc.all_reduce_ffs(me)
                slot = extract_sample(sx, sy, e_i, sel, slot)
                return me & jnp.logical_not(sel), slot

            _, slot = lax.while_loop(any_left, pull_one, (m, slot))
            return slot

        return lax.fori_loop(0, nvec, scan_vec, slot)

    for pr in range(3):
        @pl.when(nstep > pr)
        def _prologue(pr=pr):
            issue(pr, pr)

    def step(r, bufi, slot):
        def active(slot):
            wait_fetch(bufi)

            @pl.when(r + 3 < nstep)
            def _prefetch():
                issue(r + 3, (bufi + 3) % 4)

            sx, sy, _ = bufs[bufi]
            return scan_block(r, sx, sy, slot)

        return lax.cond(r < nstep, active, lambda s: s, slot)

    slot = jnp.int32(0)

    def quad(r4, slot):
        for b in range(4):
            slot = step(r4 * 4 + b, b, slot)
        return slot

    slot = lax.fori_loop(0, (NSTEP + 3) // 4, quad, slot)

    def tail(slot):
        pltpu.sync_copy(xtail_hbm, sx0.at[:, pl.ds(0, 128)])
        pltpu.sync_copy(ytail_hbm, sy0.at[:, pl.ds(0, 128)])
        return scan_block((jnp.int32(NFULL) - lo) >> 1, sx0, sy0, slot)

    slot = lax.cond(is_last, tail, lambda s: s, slot)

    pltpu.async_copy(obatch, out_hbm.at[obidx], ssem).wait()
    del slot


def kernel(source_X, source_Y, indices):
    xtail = jnp.zeros((COORDS, 128), jnp.float32)
    xtail = xtail.at[:, :TAIL_W].set(source_X[TAIL_BASE:].T)
    ytail = jnp.zeros((CHANNELS, 128), jnp.float32)
    ytail = ytail.at[:, :TAIL_W].set(source_Y[TAIL_BASE:].T)
    out2 = _scan_gather(source_X.T, source_Y.T, xtail, ytail, indices)
    return out2[:N, :COORDS], out2[:N, COORDS:COORDS + CHANNELS]

# --- scband reference (transcript-rebuilt; emitter-appended) ---
"""Pipeline reference for scband-minibatch-sampler-54460185313783 (READ-ONLY COPY).

The authoritative reference and input builder live on the scoring server;
editing this copy changes nothing except your own understanding.
"""

import jax, jax.numpy as jnp
import numpy as np

SOURCE_SIZE = 1000000
COORDS = 64
CHANNELS = 32
N = 16384


def setup_inputs(seed: int = 0) -> dict:
    key = jax.random.key(seed)
    k1, k2, k3 = jax.random.split(key, 3)
    # Buffers produced by the wrapped source_sampler on the first call;
    # materialized here as plain arrays (the source pool is cached, so the
    # steady-state forward is just the random gather below).
    source_X = jax.random.normal(k1, (SOURCE_SIZE, COORDS), dtype=jnp.float32)
    source_Y = jax.random.normal(k2, (SOURCE_SIZE, CHANNELS), dtype=jnp.float32)
    # torch.randint(source_X.shape[0], (n,)) equivalent, made explicit/deterministic
    indices = jax.random.randint(k3, (N,), 0, SOURCE_SIZE, dtype=jnp.int32)
    return {"source_X": source_X, "source_Y": source_Y, "indices": indices}


def reference(source_X, source_Y, indices):
    # MinibatchSampler.forward steady state (remaining_source_lifetime != 0):
    # indices = randint(source_size, (n,)); return source_X[indices], source_Y[indices]
    x = jnp.take(source_X, indices, axis=0)
    y = jnp.take(source_Y, indices, axis=0)
    return (x, y)

if __name__ == "__main__":
    import jax
    _d = setup_inputs()
    print(jax.jit(kernel)(*tuple(_d.values())))

</pallas_src>

<mosaic_0001>
#map = affine_map<(d0, d1) -> (0, 0)>
#map1 = affine_map<(d0, d1) -> (0)>
module attributes {stable_mosaic.version = 14 : i64} {
  func.func @_scan_gather(%arg0: i32, %arg1: i32, %arg2: memref<64x1000000xf32, #tpu.memory_space<hbm>>, %arg3: memref<32x1000000xf32, #tpu.memory_space<hbm>>, %arg4: memref<64x128xf32, #tpu.memory_space<hbm>>, %arg5: memref<32x128xf32, #tpu.memory_space<hbm>>, %arg6: memref<16384xi32, #tpu.memory_space<hbm>>, %arg7: memref<16416x128xf32, #tpu.memory_space<hbm>>, %arg8: memref<16400xi32, #tpu.memory_space<vmem>>, %arg9: memref<64x256xf32, #tpu.memory_space<vmem>>, %arg10: memref<64x256xf32, #tpu.memory_space<vmem>>, %arg11: memref<64x256xf32, #tpu.memory_space<vmem>>, %arg12: memref<64x256xf32, #tpu.memory_space<vmem>>, %arg13: memref<32x256xf32, #tpu.memory_space<vmem>>, %arg14: memref<32x256xf32, #tpu.memory_space<vmem>>, %arg15: memref<32x256xf32, #tpu.memory_space<vmem>>, %arg16: memref<32x256xf32, #tpu.memory_space<vmem>>, %arg17: memref<112x128xf32, #tpu.memory_space<vmem>>, %arg18: memref<112xi32, #tpu.memory_space<vmem>>, %arg19: memref<!tpu.dma_semaphore, #tpu.memory_space<semaphore_mem>>, %arg20: memref<!tpu.dma_semaphore, #tpu.memory_space<semaphore_mem>>, %arg21: memref<!tpu.dma_semaphore, #tpu.memory_space<semaphore_mem>>, %arg22: memref<!tpu.dma_semaphore, #tpu.memory_space<semaphore_mem>>, %arg23: memref<!tpu.dma_semaphore, #tpu.memory_space<semaphore_mem>>) attributes {dimension_semantics = [#tpu.dimension_semantics<core_parallel>, #tpu.dimension_semantics<subcore_parallel>], iteration_bounds = array<i64: 2, 16>, scalar_prefetch = 0 : i64, scratch_operands = 16 : i64, tpu.core_type = #tpu.core_type<sc_vector_subcore>, window_params = [{transform_indices = #map}, {transform_indices = #map}, {transform_indices = #map}, {transform_indices = #map}, {transform_indices = #map1}, {transform_indices = #map}]} {
    %mul3A = arith.constant 2 : i32
    %mul3A_0 = arith.muli %arg1, %mul3A : i32
    %add3A = arith.addi %mul3A_0, %arg0 : i32
    %mul3A_1 = arith.constant 246 : i32
    %mul3A_2 = arith.muli %add3A, %mul3A_1 : i32
    %add3A_3 = arith.constant 246 : i32
    %add3A_4 = arith.addi %mul3A_2, %add3A_3 : i32
    %min3A = arith.constant 7812 : i32
    %min3A_5 = arith.minsi %add3A_4, %min3A : i32
    %sub3A = arith.subi %min3A_5, %mul3A_2 : i32
    %jit3A = arith.constant 2 : i32
    %div3A = arith.divsi %sub3A, %jit3A : i32
    %sign3A = arith.constant 0 : i32
    %sign3A_6 = arith.cmpi sgt, %sub3A, %sign3A : i32
    %sign3A_7 = arith.extui %sign3A_6 : i1 to i32
    %sign3A_8 = arith.constant 0 : i32
    %sign3A_9 = arith.cmpi slt, %sub3A, %sign3A_8 : i32
    %sign3A_10 = arith.extui %sign3A_9 : i1 to i32
    %sign3A_11 = arith.subi %sign3A_7, %sign3A_10 : i32
    %sign3A_12 = arith.constant 0 : i32
    %sign3A_13 = arith.cmpi sgt, %jit3A, %sign3A_12 : i32
    %sign3A_14 = arith.extui %sign3A_13 : i1 to i32
    %sign3A_15 = arith.constant 0 : i32
    %sign3A_16 = arith.cmpi slt, %jit3A, %sign3A_15 : i32
    %sign3A_17 = arith.extui %sign3A_16 : i1 to i32
    %sign3A_18 = arith.subi %sign3A_14, %sign3A_17 : i32
    %ne3A = arith.cmpi ne, %sign3A_11, %sign3A_18 : i32
    %rem3A = arith.remsi %sub3A, %jit3A : i32
    %ne3A_19 = arith.constant 0 : i32
    %ne3A_20 = arith.cmpi ne, %rem3A, %ne3A_19 : i32
    %and3A = arith.andi %ne3A, %ne3A_20 : i1
    %sub3A_21 = arith.constant 1 : i32
    %sub3A_22 = arith.subi %div3A, %sub3A_21 : i32
    %select_n3A = arith.select %and3A, %sub3A_22, %div3A : i32
    %max3A = arith.constant 0 : i32
    %max3A_23 = arith.maxsi %select_n3A, %max3A : i32
    %eq3A = arith.constant 31 : i32
    %eq3A_24 = arith.cmpi eq, %add3A, %eq3A : i32
    %jit3A_25 = arith.constant 7813 : i32
    %select_n3A_26 = arith.select %eq3A_24, %jit3A_25, %min3A_5 : i32
    %add3A_27 = arith.constant 16384 : i32
    %add3A_28 = arith.addi %add3A_27, %add3A : i32
    %iota3A = tpu.iota {dimensions = array<i32: 0>} : vector<16xi32>
    "tpu.region"() ({
      %run_scoped3A = tpu.sem_alloc : memref<!tpu.dma_semaphore, #tpu.memory_space<semaphore_mem>>
      %dma_start3A_113 = arith.constant 0 : i32
      %dma_start3A_114 = tpu.memref_slice %arg8[%dma_start3A_113] : memref<16400xi32, #tpu.memory_space<vmem>> -> memref<16384xi32, #tpu.memory_space<vmem>>
      %dma_start3A_115 = arith.constant 0 : i32
      %dma_start3A_116 = tpu.memref_slice %arg8[%dma_start3A_115] : memref<16400xi32, #tpu.memory_space<vmem>> -> memref<16384xi32, #tpu.memory_space<vmem>>
      tpu.enqueue_dma source(%arg6 : memref<16384xi32, #tpu.memory_space<hbm>>) target(%dma_start3A_116 : memref<16384xi32, #tpu.memory_space<vmem>>) target_semaphore(%run_scoped3A : memref<!tpu.dma_semaphore, #tpu.memory_space<semaphore_mem>>)
      %dma_wait3A_117 = arith.constant 0 : i32
      %dma_wait3A_118 = tpu.memref_slice %arg8[%dma_wait3A_117] : memref<16400xi32, #tpu.memory_space<vmem>> -> memref<16384xi32, #tpu.memory_space<vmem>>
      %dma_wait3A_119 = arith.constant 0 : i32
      %dma_wait3A_120 = tpu.memref_slice %arg8[%dma_wait3A_119] : memref<16400xi32, #tpu.memory_space<vmem>> -> memref<16384xi32, #tpu.memory_space<vmem>>
      tpu.wait_dma2 semaphore(%run_scoped3A : memref<!tpu.dma_semaphore, #tpu.memory_space<semaphore_mem>>) src(%arg6 : memref<16384xi32, #tpu.memory_space<hbm>>) dst(%dma_wait3A_120 : memref<16384xi32, #tpu.memory_space<vmem>>)
      tpu.yield
    }) : () -> ()
    %scan3A = arith.constant 0 : i32
    %scan3A_29 = arith.constant 0 : i32
    %scan3A_30 = arith.constant 1024 : i32
    %scan3A_31 = arith.addi %scan3A_29, %scan3A_30 : i32
    %scan3A_32 = arith.constant 1 : i32
    %scan3A_33 = scf.for %scan3A_113 = %scan3A_29 to %scan3A_31 step %scan3A_32 iter_args(%scan3A_114 = %scan3A) -> (i32)  : i32 {
      %mul3A_115 = arith.constant 16 : i32
      %mul3A_116 = arith.muli %scan3A_113, %mul3A_115 : i32
      %multiple_of3A = tpu.assume_multiple %mul3A_116, 16 : i32
      %get3A = arith.index_cast %multiple_of3A : i32 to index
      %get3A_117 = tpu.vector_load %arg8[%get3A] {strides = array<i32>} : memref<16400xi32, #tpu.memory_space<vmem>>, vector<16xi32>,
      %shift_right_logical3A = arith.constant 7 : i32
      %shift_right_logical3A_118 = vector.broadcast %shift_right_logical3A : i32 to vector<16xi32>
      %shift_right_logical3A_119 = arith.shrui %get3A_117, %shift_right_logical3A_118 : vector<16xi32>
      %ge3A = vector.broadcast %mul3A_2 : i32 to vector<16xi32>
      %ge3A_120 = arith.cmpi sge, %shift_right_logical3A_119, %ge3A : vector<16xi32>
      %lt3A = vector.broadcast %select_n3A_26 : i32 to vector<16xi32>
      %lt3A_121 = arith.cmpi slt, %shift_right_logical3A_119, %lt3A : vector<16xi32>
      %and3A_122 = arith.andi %ge3A_120, %lt3A_121 : vector<16xi1>
      %convert_element_type3A_123 = arith.extui %and3A_122 : vector<16xi1> to vector<16xi32>
      %broadcast_in_dim3A_124 = arith.constant true
      %broadcast_in_dim3A_125 = vector.broadcast %broadcast_in_dim3A_124 : i1 to vector<16xi1>
      %masked_cumsum3A = tpu.scan <sum>, %convert_element_type3A_123 masked %broadcast_in_dim3A_125 : vector<16xi32>, vector<16xi1> -> vector<16xi32>
      %add3A_126 = vector.broadcast %scan3A_114 : i32 to vector<16xi32>
      %add3A_127 = arith.addi %add3A_126, %masked_cumsum3A : vector<16xi32>
      %sub3A_128 = arith.constant 1 : i32
      %sub3A_129 = vector.broadcast %sub3A_128 : i32 to vector<16xi32>
      %sub3A_130 = arith.subi %add3A_127, %sub3A_129 : vector<16xi32>
      %sub3A_131 = vector.broadcast %mul3A_2 : i32 to vector<16xi32>
      %sub3A_132 = arith.subi %shift_right_logical3A_119, %sub3A_131 : vector<16xi32>
      %shift_left3A = arith.constant 21 : i32
      %shift_left3A_133 = vector.broadcast %shift_left3A : i32 to vector<16xi32>
      %shift_left3A_134 = arith.shli %sub3A_132, %shift_left3A_133 : vector<16xi32>
      %and3A_135 = arith.constant 127 : i32
      %and3A_136 = vector.broadcast %and3A_135 : i32 to vector<16xi32>
      %and3A_137 = arith.andi %get3A_117, %and3A_136 : vector<16xi32>
      %shift_left3A_138 = arith.constant 14 : i32
      %shift_left3A_139 = vector.broadcast %shift_left3A_138 : i32 to vector<16xi32>
      %shift_left3A_140 = arith.shli %and3A_137, %shift_left3A_139 : vector<16xi32>
      %or3A = arith.ori %shift_left3A_134, %shift_left3A_140 : vector<16xi32>
      %mul3A_141 = arith.constant 16 : i32
      %mul3A_142 = arith.muli %scan3A_113, %mul3A_141 : i32
      %add3A_143 = vector.broadcast %mul3A_142 : i32 to vector<16xi32>
      %add3A_144 = arith.addi %iota3A, %add3A_143 : vector<16xi32>
      %or3A_145 = arith.ori %or3A, %add3A_144 : vector<16xi32>
      tpu.vector_store_idx %arg8[%sub3A_130], %or3A_145 masked %and3A_122 : memref<16400xi32, #tpu.memory_space<vmem>>[vector<16xi32>], vector<16xi32>, vector<16xi1>
      %reduce_sum3A = arith.constant true
      %reduce_sum3A_146 = vector.broadcast %reduce_sum3A : i1 to vector<16xi1>
      %reduce_sum3A_147 = tpu.scan <sum>, %convert_element_type3A_123 masked %reduce_sum3A_146 : vector<16xi32>, vector<16xi1> -> vector<16xi32>
      %reduce_sum3A_148 = vector.extract %reduce_sum3A_147[15] : i32 from vector<16xi32>
      %add3A_149 = arith.addi %scan3A_114, %reduce_sum3A_148 : i32
      scf.yield %add3A_149 : i32
    }
    %scan3A_34 = arith.constant 1024 : i32
    %add3A_35 = vector.broadcast %scan3A_33 : i32 to vector<16xi32>
    %add3A_36 = arith.addi %add3A_35, %iota3A : vector<16xi32>
    %broadcast_in_dim3A = arith.constant -1 : i32
    %broadcast_in_dim3A_37 = vector.broadcast %broadcast_in_dim3A : i32 to vector<16xi32>
    tpu.vector_store_idx %arg8[%add3A_36], %broadcast_in_dim3A_37 : memref<16400xi32, #tpu.memory_space<vmem>>[vector<16xi32>], vector<16xi32>,
    %add3A_38 = arith.constant 16 : i32
    %add3A_39 = arith.addi %scan3A_33, %add3A_38 : i32
    %sub3A_40 = arith.constant 1 : i32
    %sub3A_41 = arith.subi %add3A_39, %sub3A_40 : i32
    %jit3A_42 = arith.constant 16 : i32
    %div3A_43 = arith.divsi %sub3A_41, %jit3A_42 : i32
    %sign3A_44 = arith.constant 0 : i32
    %sign3A_45 = arith.cmpi sgt, %sub3A_41, %sign3A_44 : i32
    %sign3A_46 = arith.extui %sign3A_45 : i1 to i32
    %sign3A_47 = arith.constant 0 : i32
    %sign3A_48 = arith.cmpi slt, %sub3A_41, %sign3A_47 : i32
    %sign3A_49 = arith.extui %sign3A_48 : i1 to i32
    %sign3A_50 = arith.subi %sign3A_46, %sign3A_49 : i32
    %sign3A_51 = arith.constant 0 : i32
    %sign3A_52 = arith.cmpi sgt, %jit3A_42, %sign3A_51 : i32
    %sign3A_53 = arith.extui %sign3A_52 : i1 to i32
    %sign3A_54 = arith.constant 0 : i32
    %sign3A_55 = arith.cmpi slt, %jit3A_42, %sign3A_54 : i32
    %sign3A_56 = arith.extui %sign3A_55 : i1 to i32
    %sign3A_57 = arith.subi %sign3A_53, %sign3A_56 : i32
    %ne3A_58 = arith.cmpi ne, %sign3A_50, %sign3A_57 : i32
    %rem3A_59 = arith.remsi %sub3A_41, %jit3A_42 : i32
    %ne3A_60 = arith.constant 0 : i32
    %ne3A_61 = arith.cmpi ne, %rem3A_59, %ne3A_60 : i32
    %and3A_62 = arith.andi %ne3A_58, %ne3A_61 : i1
    %sub3A_63 = arith.constant 1 : i32
    %sub3A_64 = arith.subi %div3A_43, %sub3A_63 : i32
    %select_n3A_65 = arith.select %and3A_62, %sub3A_64, %div3A_43 : i32
    %broadcast_in_dim3A_66 = vector.broadcast %add3A_28 : i32 to vector<16xi32>
    %swap3A = arith.constant 0 : index
    %swap3A_67 = tpu.vector_load %arg18[%swap3A] {strides = array<i32>} : memref<112xi32, #tpu.memory_space<vmem>>, vector<16xi32>,
    tpu.vector_store %arg18[%swap3A], %broadcast_in_dim3A_66 {strides = array<i32>} : memref<112xi32, #tpu.memory_space<vmem>>, vector<16xi32>,
    %broadcast_in_dim3A_68 = vector.broadcast %add3A_28 : i32 to vector<16xi32>
    %swap3A_69 = arith.constant 16 : index
    %swap3A_70 = tpu.vector_load %arg18[%swap3A_69] {strides = array<i32>} : memref<112xi32, #tpu.memory_space<vmem>>, vector<16xi32>,
    tpu.vector_store %arg18[%swap3A_69], %broadcast_in_dim3A_68 {strides = array<i32>} : memref<112xi32, #tpu.memory_space<vmem>>, vector<16xi32>,
    %broadcast_in_dim3A_71 = vector.broadcast %add3A_28 : i32 to vector<16xi32>
    %swap3A_72 = arith.constant 32 : index
    %swap3A_73 = tpu.vector_load %arg18[%swap3A_72] {strides = array<i32>} : memref<112xi32, #tpu.memory_space<vmem>>, vector<16xi32>,
    tpu.vector_store %arg18[%swap3A_72], %broadcast_in_dim3A_71 {strides = array<i32>} : memref<112xi32, #tpu.memory_space<vmem>>, vector<16xi32>,
    %broadcast_in_dim3A_74 = vector.broadcast %add3A_28 : i32 to vector<16xi32>
    %swap3A_75 = arith.constant 48 : index
    %swap3A_76 = tpu.vector_load %arg18[%swap3A_75] {strides = array<i32>} : memref<112xi32, #tpu.memory_space<vmem>>, vector<16xi32>,
    tpu.vector_store %arg18[%swap3A_75], %broadcast_in_dim3A_74 {strides = array<i32>} : memref<112xi32, #tpu.memory_space<vmem>>, vector<16xi32>,
    %broadcast_in_dim3A_77 = vector.broadcast %add3A_28 : i32 to vector<16xi32>
    %swap3A_78 = arith.constant 64 : index
    %swap3A_79 = tpu.vector_load %arg18[%swap3A_78] {strides = array<i32>} : memref<112xi32, #tpu.memory_space<vmem>>, vector<16xi32>,
    tpu.vector_store %arg18[%swap3A_78], %broadcast_in_dim3A_77 {strides = array<i32>} : memref<112xi32, #tpu.memory_space<vmem>>, vector<16xi32>,
    %broadcast_in_dim3A_80 = vector.broadcast %add3A_28 : i32 to vector<16xi32>
    %swap3A_81 = arith.constant 80 : index
    %swap3A_82 = tpu.vector_load %arg18[%swap3A_81] {strides = array<i32>} : memref<112xi32, #tpu.memory_space<vmem>>, vector<16xi32>,
    tpu.vector_store %arg18[%swap3A_81], %broadcast_in_dim3A_80 {strides = array<i32>} : memref<112xi32, #tpu.memory_space<vmem>>, vector<16xi32>,
    %broadcast_in_dim3A_83 = vector.broadcast %add3A_28 : i32 to vector<16xi32>
    %swap3A_84 = arith.constant 96 : index
    %swap3A_85 = tpu.vector_load %arg18[%swap3A_84] {strides = array<i32>} : memref<112xi32, #tpu.memory_space<vmem>>, vector<16xi32>,
    tpu.vector_store %arg18[%swap3A_84], %broadcast_in_dim3A_83 {strides = array<i32>} : memref<112xi32, #tpu.memory_space<vmem>>, vector<16xi32>,
    %gt3A = arith.constant 0 : i32
    %gt3A_86 = arith.cmpi sgt, %max3A_23, %gt3A : i32
    %convert_element_type3A = arith.extui %gt3A_86 : i1 to i32
    %cond3A = arith.constant 0 : i32
    %cond3A_87 = arith.cmpi ne, %convert_element_type3A, %cond3A : i32
    scf.if %cond3A_87 {
      %add3A_113 = arith.constant 0 : i32
      %add3A_114 = arith.addi %mul3A_2, %add3A_113 : i32
      %mul3A_115 = arith.constant 128 : i32
      %mul3A_116 = arith.muli %add3A_114, %mul3A_115 : i32
      %multiple_of3A = tpu.assume_multiple %mul3A_116, 256 : i32
      %dma_start3A_117 = arith.constant 0 : i32
      %dma_start3A_118 = tpu.memref_slice %arg2[%dma_start3A_117, %multiple_of3A] : memref<64x1000000xf32, #tpu.memory_space<hbm>> -> memref<64x256xf32, #tpu.memory_space<hbm>>
      %dma_start3A_119 = arith.constant 0 : i32
      %dma_start3A_120 = tpu.memref_slice %arg2[%dma_start3A_119, %multiple_of3A] : memref<64x1000000xf32, #tpu.memory_space<hbm>> -> memref<64x256xf32, #tpu.memory_space<hbm>>
      tpu.enqueue_dma source(%dma_start3A_120 : memref<64x256xf32, #tpu.memory_space<hbm>>) target(%arg9 : memref<64x256xf32, #tpu.memory_space<vmem>>) target_semaphore(%arg19 : memref<!tpu.dma_semaphore, #tpu.memory_space<semaphore_mem>>)
      %dma_start3A_121 = arith.constant 0 : i32
      %dma_start3A_122 = tpu.memref_slice %arg3[%dma_start3A_121, %multiple_of3A] : memref<32x1000000xf32, #tpu.memory_space<hbm>> -> memref<32x256xf32, #tpu.memory_space<hbm>>
      %dma_start3A_123 = arith.constant 0 : i32
      %dma_start3A_124 = tpu.memref_slice %arg3[%dma_start3A_123, %multiple_of3A] : memref<32x1000000xf32, #tpu.memory_space<hbm>> -> memref<32x256xf32, #tpu.memory_space<hbm>>
      tpu.enqueue_dma source(%dma_start3A_124 : memref<32x256xf32, #tpu.memory_space<hbm>>) target(%arg13 : memref<32x256xf32, #tpu.memory_space<vmem>>) target_semaphore(%arg19 : memref<!tpu.dma_semaphore, #tpu.memory_space<semaphore_mem>>)
    } else {
    }
    %gt3A_88 = arith.constant 1 : i32
    %gt3A_89 = arith.cmpi sgt, %max3A_23, %gt3A_88 : i32
    %convert_element_type3A_90 = arith.extui %gt3A_89 : i1 to i32
    %cond3A_91 = arith.constant 0 : i32
    %cond3A_92 = arith.cmpi ne, %convert_element_type3A_90, %cond3A_91 : i32
    scf.if %cond3A_92 {
      %add3A_113 = arith.constant 2 : i32
      %add3A_114 = arith.addi %mul3A_2, %add3A_113 : i32
      %mul3A_115 = arith.constant 128 : i32
      %mul3A_116 = arith.muli %add3A_114, %mul3A_115 : i32
      %multiple_of3A = tpu.assume_multiple %mul3A_116, 256 : i32
      %dma_start3A_117 = arith.constant 0 : i32
      %dma_start3A_118 = tpu.memref_slice %arg2[%dma_start3A_117, %multiple_of3A] : memref<64x1000000xf32, #tpu.memory_space<hbm>> -> memref<64x256xf32, #tpu.memory_space<hbm>>
      %dma_start3A_119 = arith.constant 0 : i32
      %dma_start3A_120 = tpu.memref_slice %arg2[%dma_start3A_119, %multiple_of3A] : memref<64x1000000xf32, #tpu.memory_space<hbm>> -> memref<64x256xf32, #tpu.memory_space<hbm>>
      tpu.enqueue_dma source(%dma_start3A_120 : memref<64x256xf32, #tpu.memory_space<hbm>>) target(%arg10 : memref<64x256xf32, #tpu.memory_space<vmem>>) target_semaphore(%arg20 : memref<!tpu.dma_semaphore, #tpu.memory_space<semaphore_mem>>)
      %dma_start3A_121 = arith.constant 0 : i32
      %dma_start3A_122 = tpu.memref_slice %arg3[%dma_start3A_121, %multiple_of3A] : memref<32x1000000xf32, #tpu.memory_space<hbm>> -> memref<32x256xf32, #tpu.memory_space<hbm>>
      %dma_start3A_123 = arith.constant 0 : i32
      %dma_start3A_124 = tpu.memref_slice %arg3[%dma_start3A_123, %multiple_of3A] : memref<32x1000000xf32, #tpu.memory_space<hbm>> -> memref<32x256xf32, #tpu.memory_space<hbm>>
      tpu.enqueue_dma source(%dma_start3A_124 : memref<32x256xf32, #tpu.memory_space<hbm>>) target(%arg14 : memref<32x256xf32, #tpu.memory_space<vmem>>) target_semaphore(%arg20 : memref<!tpu.dma_semaphore, #tpu.memory_space<semaphore_mem>>)
    } else {
    }
    %gt3A_93 = arith.constant 2 : i32
    %gt3A_94 = arith.cmpi sgt, %max3A_23, %gt3A_93 : i32
    %convert_element_type3A_95 = arith.extui %gt3A_94 : i1 to i32
    %cond3A_96 = arith.constant 0 : i32
    %cond3A_97 = arith.cmpi ne, %convert_element_type3A_95, %cond3A_96 : i32
    scf.if %cond3A_97 {
      %add3A_113 = arith.constant 4 : i32
      %add3A_114 = arith.addi %mul3A_2, %add3A_113 : i32
      %mul3A_115 = arith.constant 128 : i32
      %mul3A_116 = arith.muli %add3A_114, %mul3A_115 : i32
      %multiple_of3A = tpu.assume_multiple %mul3A_116, 256 : i32
      %dma_start3A_117 = arith.constant 0 : i32
      %dma_start3A_118 = tpu.memref_slice %arg2[%dma_start3A_117, %multiple_of3A] : memref<64x1000000xf32, #tpu.memory_space<hbm>> -> memref<64x256xf32, #tpu.memory_space<hbm>>
      %dma_start3A_119 = arith.constant 0 : i32
      %dma_start3A_120 = tpu.memref_slice %arg2[%dma_start3A_119, %multiple_of3A] : memref<64x1000000xf32, #tpu.memory_space<hbm>> -> memref<64x256xf32, #tpu.memory_space<hbm>>
      tpu.enqueue_dma source(%dma_start3A_120 : memref<64x256xf32, #tpu.memory_space<hbm>>) target(%arg11 : memref<64x256xf32, #tpu.memory_space<vmem>>) target_semaphore(%arg21 : memref<!tpu.dma_semaphore, #tpu.memory_space<semaphore_mem>>)
      %dma_start3A_121 = arith.constant 0 : i32
      %dma_start3A_122 = tpu.memref_slice %arg3[%dma_start3A_121, %multiple_of3A] : memref<32x1000000xf32, #tpu.memory_space<hbm>> -> memref<32x256xf32, #tpu.memory_space<hbm>>
      %dma_start3A_123 = arith.constant 0 : i32
      %dma_start3A_124 = tpu.memref_slice %arg3[%dma_start3A_123, %multiple_of3A] : memref<32x1000000xf32, #tpu.memory_space<hbm>> -> memref<32x256xf32, #tpu.memory_space<hbm>>
      tpu.enqueue_dma source(%dma_start3A_124 : memref<32x256xf32, #tpu.memory_space<hbm>>) target(%arg15 : memref<32x256xf32, #tpu.memory_space<vmem>>) target_semaphore(%arg21 : memref<!tpu.dma_semaphore, #tpu.memory_space<semaphore_mem>>)
    } else {
    }
    %scan3A_98 = arith.constant 0 : i32
    %scan3A_99 = arith.constant 0 : i32
    %scan3A_100 = arith.constant 31 : i32
    %scan3A_101 = arith.addi %scan3A_99, %scan3A_100 : i32
    %scan3A_102 = arith.constant 1 : i32
    %scan3A_103 = scf.for %scan3A_113 = %scan3A_99 to %scan3A_101 step %scan3A_102 iter_args(%scan3A_114 = %scan3A_98) -> (i32)  : i32 {
      %mul3A_115 = arith.constant 4 : i32
      %mul3A_116 = arith.muli %scan3A_113, %mul3A_115 : i32
      %add3A_117 = arith.constant 0 : i32
      %add3A_118 = arith.addi %mul3A_116, %add3A_117 : i32
      %lt3A = arith.cmpi slt, %add3A_118, %max3A_23 : i32
      %convert_element_type3A_119 = arith.extui %lt3A : i1 to i32
      %cond3A_120 = arith.constant 0 : i32
      %cond3A_121 = arith.cmpi ne, %convert_element_type3A_119, %cond3A_120 : i32
      %cond3A_122 = scf.if %cond3A_121 -> (i32) {
        %dma_wait3A_150 = arith.constant 0 : i32
        %dma_wait3A_151 = arith.constant 0 : i32
        %dma_wait3A_152 = tpu.memref_slice %arg2[%dma_wait3A_150, %dma_wait3A_151] : memref<64x1000000xf32, #tpu.memory_space<hbm>> -> memref<64x256xf32, #tpu.memory_space<hbm>>
        %dma_wait3A_153 = arith.constant 0 : i32
        %dma_wait3A_154 = arith.constant 0 : i32
        %dma_wait3A_155 = tpu.memref_slice %arg2[%dma_wait3A_153, %dma_wait3A_154] : memref<64x1000000xf32, #tpu.memory_space<hbm>> -> memref<64x256xf32, #tpu.memory_space<hbm>>
        tpu.wait_dma2 semaphore(%arg19 : memref<!tpu.dma_semaphore, #tpu.memory_space<semaphore_mem>>) src(%dma_wait3A_155 : memref<64x256xf32, #tpu.memory_space<hbm>>) dst(%arg9 : memref<64x256xf32, #tpu.memory_space<vmem>>)
        %dma_wait3A_156 = arith.constant 0 : i32
        %dma_wait3A_157 = arith.constant 0 : i32
        %dma_wait3A_158 = tpu.memref_slice %arg3[%dma_wait3A_156, %dma_wait3A_157] : memref<32x1000000xf32, #tpu.memory_space<hbm>> -> memref<32x256xf32, #tpu.memory_space<hbm>>
        %dma_wait3A_159 = arith.constant 0 : i32
        %dma_wait3A_160 = arith.constant 0 : i32
        %dma_wait3A_161 = tpu.memref_slice %arg3[%dma_wait3A_159, %dma_wait3A_160] : memref<32x1000000xf32, #tpu.memory_space<hbm>> -> memref<32x256xf32, #tpu.memory_space<hbm>>
        tpu.wait_dma2 semaphore(%arg19 : memref<!tpu.dma_semaphore, #tpu.memory_space<semaphore_mem>>) src(%dma_wait3A_161 : memref<32x256xf32, #tpu.memory_space<hbm>>) dst(%arg13 : memref<32x256xf32, #tpu.memory_space<vmem>>)
        %add3A_162 = arith.constant 3 : i32
        %add3A_163 = arith.addi %add3A_118, %add3A_162 : i32
        %lt3A_164 = arith.cmpi slt, %add3A_163, %max3A_23 : i32
        %convert_element_type3A_165 = arith.extui %lt3A_164 : i1 to i32
        %cond3A_166 = arith.constant 0 : i32
        %cond3A_167 = arith.cmpi ne, %convert_element_type3A_165, %cond3A_166 : i32
        scf.if %cond3A_167 {
          %add3A_178 = arith.constant 3 : i32
          %add3A_179 = arith.addi %add3A_118, %add3A_178 : i32
          %mul3A_180 = arith.constant 2 : i32
          %mul3A_181 = arith.muli %mul3A_180, %add3A_179 : i32
          %add3A_182 = arith.addi %mul3A_2, %mul3A_181 : i32
          %mul3A_183 = arith.constant 128 : i32
          %mul3A_184 = arith.muli %add3A_182, %mul3A_183 : i32
          %multiple_of3A = tpu.assume_multiple %mul3A_184, 256 : i32
          %dma_start3A_185 = arith.constant 0 : i32
          %dma_start3A_186 = tpu.memref_slice %arg2[%dma_start3A_185, %multiple_of3A] : memref<64x1000000xf32, #tpu.memory_space<hbm>> -> memref<64x256xf32, #tpu.memory_space<hbm>>
          %dma_start3A_187 = arith.constant 0 : i32
          %dma_start3A_188 = tpu.memref_slice %arg2[%dma_start3A_187, %multiple_of3A] : memref<64x1000000xf32, #tpu.memory_space<hbm>> -> memref<64x256xf32, #tpu.memory_space<hbm>>
          tpu.enqueue_dma source(%dma_start3A_188 : memref<64x256xf32, #tpu.memory_space<hbm>>) target(%arg12 : memref<64x256xf32, #tpu.memory_space<vmem>>) target_semaphore(%arg22 : memref<!tpu.dma_semaphore, #tpu.memory_space<semaphore_mem>>)
          %dma_start3A_189 = arith.constant 0 : i32
          %dma_start3A_190 = tpu.memref_slice %arg3[%dma_start3A_189, %multiple_of3A] : memref<32x1000000xf32, #tpu.memory_space<hbm>> -> memref<32x256xf32, #tpu.memory_space<hbm>>
          %dma_start3A_191 = arith.constant 0 : i32
          %dma_start3A_192 = tpu.memref_slice %arg3[%dma_start3A_191, %multiple_of3A] : memref<32x1000000xf32, #tpu.memory_space<hbm>> -> memref<32x256xf32, #tpu.memory_space<hbm>>
          tpu.enqueue_dma source(%dma_start3A_192 : memref<32x256xf32, #tpu.memory_space<hbm>>) target(%arg16 : memref<32x256xf32, #tpu.memory_space<vmem>>) target_semaphore(%arg22 : memref<!tpu.dma_semaphore, #tpu.memory_space<semaphore_mem>>)
        } else {
        }
        %while3A = arith.constant 0 : i32
        %while3A_168 = arith.subi %select_n3A_65, %while3A : i32
        %while3A_169 = arith.addi %while3A, %while3A_168 : i32
        %while3A_170 = arith.constant 1 : i32
        %while3A_171 = arith.divsi %while3A_168, %while3A_170 : i32
        %while3A_172 = arith.muli %while3A_171, %while3A_170 : i32
        %while3A_173 = arith.addi %while3A, %while3A_172 : i32
        %while3A_174 = arith.constant 1 : i32
        %while3A_175 = scf.for %while3A_178 = %while3A to %while3A_173 step %while3A_174 iter_args(%while3A_179 = %scan3A_114) -> (i32)  : i32 {
          %mul3A_180 = arith.constant 16 : i32
          %mul3A_181 = arith.muli %while3A_178, %mul3A_180 : i32
          %multiple_of3A = tpu.assume_multiple %mul3A_181, 16 : i32
          %get3A = arith.index_cast %multiple_of3A : i32 to index
          %get3A_182 = tpu.vector_load %arg8[%get3A] {strides = array<i32>} : memref<16400xi32, #tpu.memory_space<vmem>>, vector<16xi32>,
          %shift_right_logical3A = arith.constant 22 : i32
          %shift_right_logical3A_183 = vector.broadcast %shift_right_logical3A : i32 to vector<16xi32>
          %shift_right_logical3A_184 = arith.shrui %get3A_182, %shift_right_logical3A_183 : vector<16xi32>
          %eq3A_185 = vector.broadcast %add3A_118 : i32 to vector<16xi32>
          %eq3A_186 = arith.cmpi eq, %shift_right_logical3A_184, %eq3A_185 : vector<16xi32>
          %while3A_187:2 = scf.while (%while3A_188 = %eq3A_186, %while3A_189 = %while3A_179) : (vector<16xi1>, i32) -> (vector<16xi1>, i32) {
            %reduce_or3A = arith.constant 1.000000e+00 : f32
            %reduce_or3A_190 = arith.constant 0.000000e+00 : f32
            %reduce_or3A_191 = vector.broadcast %reduce_or3A : f32 to vector<16xf32>
            %reduce_or3A_192 = vector.broadcast %reduce_or3A_190 : f32 to vector<16xf32>
            %reduce_or3A_193 = arith.select %while3A_188, %reduce_or3A_191, %reduce_or3A_192 : vector<16xi1>, vector<16xf32>
            %reduce_or3A_194 = arith.constant true
            %reduce_or3A_195 = vector.broadcast %reduce_or3A_194 : i1 to vector<16xi1>
            %reduce_or3A_196 = tpu.scan <max>, %reduce_or3A_193 masked %reduce_or3A_195 : vector<16xf32>, vector<16xi1> -> vector<16xf32>
            %reduce_or3A_197 = vector.extract %reduce_or3A_196[15] : f32 from vector<16xf32>
            %reduce_or3A_198 = arith.constant 0.000000e+00 : f32
            %reduce_or3A_199 = arith.cmpf ogt, %reduce_or3A_197, %reduce_or3A_198 : f32
            scf.condition(%reduce_or3A_199) %while3A_188, %while3A_189 : vector<16xi1>, i32
          } do {
          ^bb0(%while3A_188: vector<16xi1>, %while3A_189: i32):
            %all_reduce_ffs3A = tpu.all_reduce %while3A_188 {dim = 0 : i64, kind = #tpu.reduction_kind<find_first_set>} : vector<16xi1> -> vector<16xi32>
            %eq3A_190 = arith.cmpi eq, %iota3A, %all_reduce_ffs3A : vector<16xi32>
            %shift_right_logical3A_191 = arith.constant 14 : i32
            %shift_right_logical3A_192 = vector.broadcast %shift_right_logical3A_191 : i32 to vector<16xi32>
            %shift_right_logical3A_193 = arith.shrui %get3A_182, %shift_right_logical3A_192 : vector<16xi32>
            %and3A_194 = arith.constant 255 : i32
            %and3A_195 = vector.broadcast %and3A_194 : i32 to vector<16xi32>
            %and3A_196 = arith.andi %shift_right_logical3A_193, %and3A_195 : vector<16xi32>
            %jit3A_197 = arith.constant 0 : i32
            %broadcast_in_dim3A_198 = vector.broadcast %jit3A_197 : i32 to vector<16xi32>
            %select_n3A_199 = arith.select %eq3A_190, %and3A_196, %broadcast_in_dim3A_198 : vector<16xi1>, vector<16xi32>
            %reduce_sum3A = arith.constant true
            %reduce_sum3A_200 = vector.broadcast %reduce_sum3A : i1 to vector<16xi1>
            %reduce_sum3A_201 = tpu.scan <sum>, %select_n3A_199 masked %reduce_sum3A_200 : vector<16xi32>, vector<16xi1> -> vector<16xi32>
            %reduce_sum3A_202 = vector.extract %reduce_sum3A_201[15] : i32 from vector<16xi32>
            %and3A_203 = arith.constant 16383 : i32
            %and3A_204 = vector.broadcast %and3A_203 : i32 to vector<16xi32>
            %and3A_205 = arith.andi %get3A_182, %and3A_204 : vector<16xi32>
            %jit3A_206 = arith.constant 0 : i32
            %broadcast_in_dim3A_207 = vector.broadcast %jit3A_206 : i32 to vector<16xi32>
            %select_n3A_208 = arith.select %eq3A_190, %and3A_205, %broadcast_in_dim3A_207 : vector<16xi1>, vector<16xi32>
            %reduce_sum3A_209 = arith.constant true
            %reduce_sum3A_210 = vector.broadcast %reduce_sum3A_209 : i1 to vector<16xi1>
            %reduce_sum3A_211 = tpu.scan <sum>, %select_n3A_208 masked %reduce_sum3A_210 : vector<16xi32>, vector<16xi1> -> vector<16xi32>
            %reduce_sum3A_212 = vector.extract %reduce_sum3A_211[15] : i32 from vector<16xi32>
            %broadcast_in_dim3A_213 = arith.constant 0 : i32
            %broadcast_in_dim3A_214 = vector.broadcast %broadcast_in_dim3A_213 : i32 to vector<16xi32>
            %add3A_215 = vector.broadcast %reduce_sum3A_202 : i32 to vector<16xi32>
            %add3A_216 = arith.addi %broadcast_in_dim3A_214, %add3A_215 : vector<16xi32>
            %broadcast_in_dim3A_217 = arith.constant 0 : i32
            %broadcast_in_dim3A_218 = vector.broadcast %broadcast_in_dim3A_217 : i32 to vector<16xi32>
            %add3A_219 = vector.broadcast %while3A_189 : i32 to vector<16xi32>
            %add3A_220 = arith.addi %broadcast_in_dim3A_218, %add3A_219 : vector<16xi32>
            %add3A_221 = arith.constant 0 : i32
            %add3A_222 = vector.broadcast %add3A_221 : i32 to vector<16xi32>
            %add3A_223 = arith.addi %iota3A, %add3A_222 : vector<16xi32>
            %gather3A = tpu.vector_load_idx %arg9[%add3A_223, %add3A_216] : memref<64x256xf32, #tpu.memory_space<vmem>>[vector<16xi32>, vector<16xi32>], vector<16xf32>,
            %add3A_224 = arith.constant 0 : i32
            %add3A_225 = vector.broadcast %add3A_224 : i32 to vector<16xi32>
            %add3A_226 = arith.addi %iota3A, %add3A_225 : vector<16xi32>
            tpu.vector_store_idx %arg17[%add3A_220, %add3A_226], %gather3A : memref<112x128xf32, #tpu.memory_space<vmem>>[vector<16xi32>, vector<16xi32>], vector<16xf32>,
            %add3A_227 = arith.constant 16 : i32
            %add3A_228 = vector.broadcast %add3A_227 : i32 to vector<16xi32>
            %add3A_229 = arith.addi %iota3A, %add3A_228 : vector<16xi32>
            %gather3A_230 = tpu.vector_load_idx %arg9[%add3A_229, %add3A_216] : memref<64x256xf32, #tpu.memory_space<vmem>>[vector<16xi32>, vector<16xi32>], vector<16xf32>,
            %add3A_231 = arith.constant 16 : i32
            %add3A_232 = vector.broadcast %add3A_231 : i32 to vector<16xi32>
            %add3A_233 = arith.addi %iota3A, %add3A_232 : vector<16xi32>
            tpu.vector_store_idx %arg17[%add3A_220, %add3A_233], %gather3A_230 : memref<112x128xf32, #tpu.memory_space<vmem>>[vector<16xi32>, vector<16xi32>], vector<16xf32>,
            %add3A_234 = arith.constant 32 : i32
            %add3A_235 = vector.broadcast %add3A_234 : i32 to vector<16xi32>
            %add3A_236 = arith.addi %iota3A, %add3A_235 : vector<16xi32>
            %gather3A_237 = tpu.vector_load_idx %arg9[%add3A_236, %add3A_216] : memref<64x256xf32, #tpu.memory_space<vmem>>[vector<16xi32>, vector<16xi32>], vector<16xf32>,
            %add3A_238 = arith.constant 32 : i32
            %add3A_239 = vector.broadcast %add3A_238 : i32 to vector<16xi32>
            %add3A_240 = arith.addi %iota3A, %add3A_239 : vector<16xi32>
            tpu.vector_store_idx %arg17[%add3A_220, %add3A_240], %gather3A_237 : memref<112x128xf32, #tpu.memory_space<vmem>>[vector<16xi32>, vector<16xi32>], vector<16xf32>,
            %add3A_241 = arith.constant 48 : i32
            %add3A_242 = vector.broadcast %add3A_241 : i32 to vector<16xi32>
            %add3A_243 = arith.addi %iota3A, %add3A_242 : vector<16xi32>
            %gather3A_244 = tpu.vector_load_idx %arg9[%add3A_243, %add3A_216] : memref<64x256xf32, #tpu.memory_space<vmem>>[vector<16xi32>, vector<16xi32>], vector<16xf32>,
            %add3A_245 = arith.constant 48 : i32
            %add3A_246 = vector.broadcast %add3A_245 : i32 to vector<16xi32>
            %add3A_247 = arith.addi %iota3A, %add3A_246 : vector<16xi32>
            tpu.vector_store_idx %arg17[%add3A_220, %add3A_247], %gather3A_244 : memref<112x128xf32, #tpu.memory_space<vmem>>[vector<16xi32>, vector<16xi32>], vector<16xf32>,
            %add3A_248 = arith.constant 0 : i32
            %add3A_249 = vector.broadcast %add3A_248 : i32 to vector<16xi32>
            %add3A_250 = arith.addi %iota3A, %add3A_249 : vector<16xi32>
            %gather3A_251 = tpu.vector_load_idx %arg13[%add3A_250, %add3A_216] : memref<32x256xf32, #tpu.memory_space<vmem>>[vector<16xi32>, vector<16xi32>], vector<16xf32>,
            %add3A_252 = arith.constant 64 : i32
            %add3A_253 = vector.broadcast %add3A_252 : i32 to vector<16xi32>
            %add3A_254 = arith.addi %iota3A, %add3A_253 : vector<16xi32>
            tpu.vector_store_idx %arg17[%add3A_220, %add3A_254], %gather3A_251 : memref<112x128xf32, #tpu.memory_space<vmem>>[vector<16xi32>, vector<16xi32>], vector<16xf32>,
            %add3A_255 = arith.constant 16 : i32
            %add3A_256 = vector.broadcast %add3A_255 : i32 to vector<16xi32>
            %add3A_257 = arith.addi %iota3A, %add3A_256 : vector<16xi32>
            %gather3A_258 = tpu.vector_load_idx %arg13[%add3A_257, %add3A_216] : memref<32x256xf32, #tpu.memory_space<vmem>>[vector<16xi32>, vector<16xi32>], vector<16xf32>,
            %add3A_259 = arith.constant 80 : i32
            %add3A_260 = vector.broadcast %add3A_259 : i32 to vector<16xi32>
            %add3A_261 = arith.addi %iota3A, %add3A_260 : vector<16xi32>
            tpu.vector_store_idx %arg17[%add3A_220, %add3A_261], %gather3A_258 : memref<112x128xf32, #tpu.memory_space<vmem>>[vector<16xi32>, vector<16xi32>], vector<16xf32>,
            %broadcast_in_dim3A_262 = arith.constant 0 : i32
            %broadcast_in_dim3A_263 = vector.broadcast %broadcast_in_dim3A_262 : i32 to vector<16xi32>
            %add3A_264 = vector.broadcast %reduce_sum3A_212 : i32 to vector<16xi32>
            %add3A_265 = arith.addi %broadcast_in_dim3A_263, %add3A_264 : vector<16xi32>
            %eq3A_266 = arith.constant 0 : i32
            %eq3A_267 = vector.broadcast %eq3A_266 : i32 to vector<16xi32>
            %eq3A_268 = arith.cmpi eq, %iota3A, %eq3A_267 : vector<16xi32>
            tpu.vector_store_idx %arg18[%add3A_220], %add3A_265 masked %eq3A_268 : memref<112xi32, #tpu.memory_space<vmem>>[vector<16xi32>], vector<16xi32>, vector<16xi1>
            %add3A_269 = arith.constant 1 : i32
            %add3A_270 = arith.addi %while3A_189, %add3A_269 : i32
            %eq3A_271 = arith.constant 112 : i32
            %eq3A_272 = arith.cmpi eq, %add3A_270, %eq3A_271 : i32
            %convert_element_type3A_273 = arith.extui %eq3A_272 : i1 to i32
            %cond3A_274 = arith.constant 0 : i32
            %cond3A_275 = arith.cmpi ne, %convert_element_type3A_273, %cond3A_274 : i32
            scf.if %cond3A_275 {
              %dma_start3A_282 = arith.constant 0 : i32
              %dma_start3A_283 = arith.constant 0 : i32
              %dma_start3A_284 = tpu.memref_slice %arg7[%dma_start3A_282, %dma_start3A_283] : memref<16416x128xf32, #tpu.memory_space<hbm>> -> memref<16416x128xf32, #tpu.memory_space<hbm>>
              tpu.enqueue_indirect_dma source(%arg17 : memref<112x128xf32, #tpu.memory_space<vmem>>) target(%dma_start3A_284 : memref<16416x128xf32, #tpu.memory_space<hbm>>) offsets(%arg18 : memref<112xi32, #tpu.memory_space<vmem>>) semaphore(%arg23 : memref<!tpu.dma_semaphore, #tpu.memory_space<semaphore_mem>>)
              %dma_wait3A_285 = arith.constant 0 : i32
              %dma_wait3A_286 = arith.constant 0 : i32
              %dma_wait3A_287 = tpu.memref_slice %arg7[%dma_wait3A_285, %dma_wait3A_286] : memref<16416x128xf32, #tpu.memory_space<hbm>> -> memref<16416x128xf32, #tpu.memory_space<hbm>>
              tpu.wait_indirect_dma semaphore(%arg23 : memref<!tpu.dma_semaphore, #tpu.memory_space<semaphore_mem>>) src(%arg17 : memref<112x128xf32, #tpu.memory_space<vmem>>) dst(%dma_wait3A_287 : memref<16416x128xf32, #tpu.memory_space<hbm>>)
              %broadcast_in_dim3A_288 = vector.broadcast %add3A_28 : i32 to vector<16xi32>
              %swap3A_289 = arith.constant 0 : index
              %swap3A_290 = tpu.vector_load %arg18[%swap3A_289] {strides = array<i32>} : memref<112xi32, #tpu.memory_space<vmem>>, vector<16xi32>,
              tpu.vector_store %arg18[%swap3A_289], %broadcast_in_dim3A_288 {strides = array<i32>} : memref<112xi32, #tpu.memory_space<vmem>>, vector<16xi32>,
              %broadcast_in_dim3A_291 = vector.broadcast %add3A_28 : i32 to vector<16xi32>
              %swap3A_292 = arith.constant 16 : index
              %swap3A_293 = tpu.vector_load %arg18[%swap3A_292] {strides = array<i32>} : memref<112xi32, #tpu.memory_space<vmem>>, vector<16xi32>,
              tpu.vector_store %arg18[%swap3A_292], %broadcast_in_dim3A_291 {strides = array<i32>} : memref<112xi32, #tpu.memory_space<vmem>>, vector<16xi32>,
              %broadcast_in_dim3A_294 = vector.broadcast %add3A_28 : i32 to vector<16xi32>
              %swap3A_295 = arith.constant 32 : index
              %swap3A_296 = tpu.vector_load %arg18[%swap3A_295] {strides = array<i32>} : memref<112xi32, #tpu.memory_space<vmem>>, vector<16xi32>,
              tpu.vector_store %arg18[%swap3A_295], %broadcast_in_dim3A_294 {strides = array<i32>} : memref<112xi32, #tpu.memory_space<vmem>>, vector<16xi32>,
              %broadcast_in_dim3A_297 = vector.broadcast %add3A_28 : i32 to vector<16xi32>
              %swap3A_298 = arith.constant 48 : index
              %swap3A_299 = tpu.vector_load %arg18[%swap3A_298] {strides = array<i32>} : memref<112xi32, #tpu.memory_space<vmem>>, vector<16xi32>,
              tpu.vector_store %arg18[%swap3A_298], %broadcast_in_dim3A_297 {strides = array<i32>} : memref<112xi32, #tpu.memory_space<vmem>>, vector<16xi32>,
              %broadcast_in_dim3A_300 = vector.broadcast %add3A_28 : i32 to vector<16xi32>
              %swap3A_301 = arith.constant 64 : index
              %swap3A_302 = tpu.vector_load %arg18[%swap3A_301] {strides = array<i32>} : memref<112xi32, #tpu.memory_space<vmem>>, vector<16xi32>,
              tpu.vector_store %arg18[%swap3A_301], %broadcast_in_dim3A_300 {strides = array<i32>} : memref<112xi32, #tpu.memory_space<vmem>>, vector<16xi32>,
              %broadcast_in_dim3A_303 = vector.broadcast %add3A_28 : i32 to vector<16xi32>
              %swap3A_304 = arith.constant 80 : index
              %swap3A_305 = tpu.vector_load %arg18[%swap3A_304] {strides = array<i32>} : memref<112xi32, #tpu.memory_space<vmem>>, vector<16xi32>,
              tpu.vector_store %arg18[%swap3A_304], %broadcast_in_dim3A_303 {strides = array<i32>} : memref<112xi32, #tpu.memory_space<vmem>>, vector<16xi32>,
              %broadcast_in_dim3A_306 = vector.broadcast %add3A_28 : i32 to vector<16xi32>
              %swap3A_307 = arith.constant 96 : index
              %swap3A_308 = tpu.vector_load %arg18[%swap3A_307] {strides = array<i32>} : memref<112xi32, #tpu.memory_space<vmem>>, vector<16xi32>,
              tpu.vector_store %arg18[%swap3A_307], %broadcast_in_dim3A_306 {strides = array<i32>} : memref<112xi32, #tpu.memory_space<vmem>>, vector<16xi32>,
            } else {
            }
            %eq3A_276 = arith.constant 112 : i32
            %eq3A_277 = arith.cmpi eq, %add3A_270, %eq3A_276 : i32
            %jit3A_278 = arith.constant 0 : i32
            %select_n3A_279 = arith.select %eq3A_277, %jit3A_278, %add3A_270 : i32
            %not3A = arith.constant dense<true> : vector<16xi1>
            %not3A_280 = arith.xori %eq3A_190, %not3A : vector<16xi1>
            %and3A_281 = arith.andi %while3A_188, %not3A_280 : vector<16xi1>
            scf.yield %and3A_281, %select_n3A_279 : vector<16xi1>, i32
          }
          scf.yield %while3A_187#1 : i32
        }
        %while3A_176 = arith.constant 1 : i32
        %while3A_177 = scf.for %while3A_178 = %while3A_173 to %while3A_169 step %while3A_176 iter_args(%while3A_179 = %while3A_175) -> (i32)  : i32 {
          %mul3A_180 = arith.constant 16 : i32
          %mul3A_181 = arith.muli %while3A_178, %mul3A_180 : i32
          %multiple_of3A = tpu.assume_multiple %mul3A_181, 16 : i32
          %get3A = arith.index_cast %multiple_of3A : i32 to index
          %get3A_182 = tpu.vector_load %arg8[%get3A] {strides = array<i32>} : memref<16400xi32, #tpu.memory_space<vmem>>, vector<16xi32>,
          %shift_right_logical3A = arith.constant 22 : i32
          %shift_right_logical3A_183 = vector.broadcast %shift_right_logical3A : i32 to vector<16xi32>
          %shift_right_logical3A_184 = arith.shrui %get3A_182, %shift_right_logical3A_183 : vector<16xi32>
          %eq3A_185 = vector.broadcast %add3A_118 : i32 to vector<16xi32>
          %eq3A_186 = arith.cmpi eq, %shift_right_logical3A_184, %eq3A_185 : vector<16xi32>
          %while3A_187:2 = scf.while (%while3A_188 = %eq3A_186, %while3A_189 = %while3A_179) : (vector<16xi1>, i32) -> (vector<16xi1>, i32) {
            %reduce_or3A = arith.constant 1.000000e+00 : f32
            %reduce_or3A_190 = arith.constant 0.000000e+00 : f32
            %reduce_or3A_191 = vector.broadcast %reduce_or3A : f32 to vector<16xf32>
            %reduce_or3A_192 = vector.broadcast %reduce_or3A_190 : f32 to vector<16xf32>
            %reduce_or3A_193 = arith.select %while3A_188, %reduce_or3A_191, %reduce_or3A_192 : vector<16xi1>, vector<16xf32>
            %reduce_or3A_194 = arith.constant true
            %reduce_or3A_195 = vector.broadcast %reduce_or3A_194 : i1 to vector<16xi1>
            %reduce_or3A_196 = tpu.scan <max>, %reduce_or3A_193 masked %reduce_or3A_195 : vector<16xf32>, vector<16xi1> -> vector<16xf32>
            %reduce_or3A_197 = vector.extract %reduce_or3A_196[15] : f32 from vector<16xf32>
            %reduce_or3A_198 = arith.constant 0.000000e+00 : f32
            %reduce_or3A_199 = arith.cmpf ogt, %reduce_or3A_197, %reduce_or3A_198 : f32
            scf.condition(%reduce_or3A_199) %while3A_188, %while3A_189 : vector<16xi1>, i32
          } do {
          ^bb0(%while3A_188: vector<16xi1>, %while3A_189: i32):
            %all_reduce_ffs3A = tpu.all_reduce %while3A_188 {dim = 0 : i64, kind = #tpu.reduction_kind<find_first_set>} : vector<16xi1> -> vector<16xi32>
            %eq3A_190 = arith.cmpi eq, %iota3A, %all_reduce_ffs3A : vector<16xi32>
            %shift_right_logical3A_191 = arith.constant 14 : i32
            %shift_right_logical3A_192 = vector.broadcast %shift_right_logical3A_191 : i32 to vector<16xi32>
            %shift_right_logical3A_193 = arith.shrui %get3A_182, %shift_right_logical3A_192 : vector<16xi32>
            %and3A_194 = arith.constant 255 : i32
            %and3A_195 = vector.broadcast %and3A_194 : i32 to vector<16xi32>
            %and3A_196 = arith.andi %shift_right_logical3A_193, %and3A_195 : vector<16xi32>
            %jit3A_197 = arith.constant 0 : i32
            %broadcast_in_dim3A_198 = vector.broadcast %jit3A_197 : i32 to vector<16xi32>
            %select_n3A_199 = arith.select %eq3A_190, %and3A_196, %broadcast_in_dim3A_198 : vector<16xi1>, vector<16xi32>
            %reduce_sum3A = arith.constant true
            %reduce_sum3A_200 = vector.broadcast %reduce_sum3A : i1 to vector<16xi1>
            %reduce_sum3A_201 = tpu.scan <sum>, %select_n3A_199 masked %reduce_sum3A_200 : vector<16xi32>, vector<16xi1> -> vector<16xi32>
            %reduce_sum3A_202 = vector.extract %reduce_sum3A_201[15] : i32 from vector<16xi32>
            %and3A_203 = arith.constant 16383 : i32
            %and3A_204 = vector.broadcast %and3A_203 : i32 to vector<16xi32>
            %and3A_205 = arith.andi %get3A_182, %and3A_204 : vector<16xi32>
            %jit3A_206 = arith.constant 0 : i32
            %broadcast_in_dim3A_207 = vector.broadcast %jit3A_206 : i32 to vector<16xi32>
            %select_n3A_208 = arith.select %eq3A_190, %and3A_205, %broadcast_in_dim3A_207 : vector<16xi1>, vector<16xi32>
            %reduce_sum3A_209 = arith.constant true
            %reduce_sum3A_210 = vector.broadcast %reduce_sum3A_209 : i1 to vector<16xi1>
            %reduce_sum3A_211 = tpu.scan <sum>, %select_n3A_208 masked %reduce_sum3A_210 : vector<16xi32>, vector<16xi1> -> vector<16xi32>
            %reduce_sum3A_212 = vector.extract %reduce_sum3A_211[15] : i32 from vector<16xi32>
            %broadcast_in_dim3A_213 = arith.constant 0 : i32
            %broadcast_in_dim3A_214 = vector.broadcast %broadcast_in_dim3A_213 : i32 to vector<16xi32>
            %add3A_215 = vector.broadcast %reduce_sum3A_202 : i32 to vector<16xi32>
            %add3A_216 = arith.addi %broadcast_in_dim3A_214, %add3A_215 : vector<16xi32>
            %broadcast_in_dim3A_217 = arith.constant 0 : i32
            %broadcast_in_dim3A_218 = vector.broadcast %broadcast_in_dim3A_217 : i32 to vector<16xi32>
            %add3A_219 = vector.broadcast %while3A_189 : i32 to vector<16xi32>
            %add3A_220 = arith.addi %broadcast_in_dim3A_218, %add3A_219 : vector<16xi32>
            %add3A_221 = arith.constant 0 : i32
            %add3A_222 = vector.broadcast %add3A_221 : i32 to vector<16xi32>
            %add3A_223 = arith.addi %iota3A, %add3A_222 : vector<16xi32>
            %gather3A = tpu.vector_load_idx %arg9[%add3A_223, %add3A_216] : memref<64x256xf32, #tpu.memory_space<vmem>>[vector<16xi32>, vector<16xi32>], vector<16xf32>,
            %add3A_224 = arith.constant 0 : i32
            %add3A_225 = vector.broadcast %add3A_224 : i32 to vector<16xi32>
            %add3A_226 = arith.addi %iota3A, %add3A_225 : vector<16xi32>
            tpu.vector_store_idx %arg17[%add3A_220, %add3A_226], %gather3A : memref<112x128xf32, #tpu.memory_space<vmem>>[vector<16xi32>, vector<16xi32>], vector<16xf32>,
            %add3A_227 = arith.constant 16 : i32
            %add3A_228 = vector.broadcast %add3A_227 : i32 to vector<16xi32>
            %add3A_229 = arith.addi %iota3A, %add3A_228 : vector<16xi32>
            %gather3A_230 = tpu.vector_load_idx %arg9[%add3A_229, %add3A_216] : memref<64x256xf32, #tpu.memory_space<vmem>>[vector<16xi32>, vector<16xi32>], vector<16xf32>,
            %add3A_231 = arith.constant 16 : i32
            %add3A_232 = vector.broadcast %add3A_231 : i32 to vector<16xi32>
            %add3A_233 = arith.addi %iota3A, %add3A_232 : vector<16xi32>
            tpu.vector_store_idx %arg17[%add3A_220, %add3A_233], %gather3A_230 : memref<112x128xf32, #tpu.memory_space<vmem>>[vector<16xi32>, vector<16xi32>], vector<16xf32>,
            %add3A_234 = arith.constant 32 : i32
            %add3A_235 = vector.broadcast %add3A_234 : i32 to vector<16xi32>
            %add3A_236 = arith.addi %iota3A, %add3A_235 : vector<16xi32>
            %gather3A_237 = tpu.vector_load_idx %arg9[%add3A_236, %add3A_216] : memref<64x256xf32, #tpu.memory_space<vmem>>[vector<16xi32>, vector<16xi32>], vector<16xf32>,
            %add3A_238 = arith.constant 32 : i32
            %add3A_239 = vector.broadcast %add3A_238 : i32 to vector<16xi32>
            %add3A_240 = arith.addi %iota3A, %add3A_239 : vector<16xi32>
            tpu.vector_store_idx %arg17[%add3A_220, %add3A_240], %gather3A_237 : memref<112x128xf32, #tpu.memory_space<vmem>>[vector<16xi32>, vector<16xi32>], vector<16xf32>,
            %add3A_241 = arith.constant 48 : i32
            %add3A_242 = vector.broadcast %add3A_241 : i32 to vector<16xi32>
            %add3A_243 = arith.addi %iota3A, %add3A_242 : vector<16xi32>
            %gather3A_244 = tpu.vector_load_idx %arg9[%add3A_243, %add3A_216] : memref<64x256xf32, #tpu.memory_space<vmem>>[vector<16xi32>, vector<16xi32>], vector<16xf32>,
            %add3A_245 = arith.constant 48 : i32
            %add3A_246 = vector.broadcast %add3A_245 : i32 to vector<16xi32>
            %add3A_247 = arith.addi %iota3A, %add3A_246 : vector<16xi32>
            tpu.vector_store_idx %arg17[%add3A_220, %add3A_247], %gather3A_244 : memref<112x128xf32, #tpu.memory_space<vmem>>[vector<16xi32>, vector<16xi32>], vector<16xf32>,
            %add3A_248 = arith.constant 0 : i32
            %add3A_249 = vector.broadcast %add3A_248 : i32 to vector<16xi32>
            %add3A_250 = arith.addi %iota3A, %add3A_249 : vector<16xi32>
            %gather3A_251 = tpu.vector_load_idx %arg13[%add3A_250, %add3A_216] : memref<32x256xf32, #tpu.memory_space<vmem>>[vector<16xi32>, vector<16xi32>], vector<16xf32>,
            %add3A_252 = arith.constant 64 : i32
            %add3A_253 = vector.broadcast %add3A_252 : i32 to vector<16xi32>
            %add3A_254 = arith.addi %iota3A, %add3A_253 : vector<16xi32>
            tpu.vector_store_idx %arg17[%add3A_220, %add3A_254], %gather3A_251 : memref<112x128xf32, #tpu.memory_space<vmem>>[vector<16xi32>, vector<16xi32>], vector<16xf32>,
            %add3A_255 = arith.constant 16 : i32
            %add3A_256 = vector.broadcast %add3A_255 : i32 to vector<16xi32>
            %add3A_257 = arith.addi %iota3A, %add3A_256 : vector<16xi32>
            %gather3A_258 = tpu.vector_load_idx %arg13[%add3A_257, %add3A_216] : memref<32x256xf32, #tpu.memory_space<vmem>>[vector<16xi32>, vector<16xi32>], vector<16xf32>,
            %add3A_259 = arith.constant 80 : i32
            %add3A_260 = vector.broadcast %add3A_259 : i32 to vector<16xi32>
            %add3A_261 = arith.addi %iota3A, %add3A_260 : vector<16xi32>
            tpu.vector_store_idx %arg17[%add3A_220, %add3A_261], %gather3A_258 : memref<112x128xf32, #tpu.memory_space<vmem>>[vector<16xi32>, vector<16xi32>], vector<16xf32>,
            %broadcast_in_dim3A_262 = arith.constant 0 : i32
            %broadcast_in_dim3A_263 = vector.broadcast %broadcast_in_dim3A_262 : i32 to vector<16xi32>
            %add3A_264 = vector.broadcast %reduce_sum3A_212 : i32 to vector<16xi32>
            %add3A_265 = arith.addi %broadcast_in_dim3A_263, %add3A_264 : vector<16xi32>
            %eq3A_266 = arith.constant 0 : i32
            %eq3A_267 = vector.broadcast %eq3A_266 : i32 to vector<16xi32>
            %eq3A_268 = arith.cmpi eq, %iota3A, %eq3A_267 : vector<16xi32>
            tpu.vector_store_idx %arg18[%add3A_220], %add3A_265 masked %eq3A_268 : memref<112xi32, #tpu.memory_space<vmem>>[vector<16xi32>], vector<16xi32>, vector<16xi1>
            %add3A_269 = arith.constant 1 : i32
            %add3A_270 = arith.addi %while3A_189, %add3A_269 : i32
            %eq3A_271 = arith.constant 112 : i32
            %eq3A_272 = arith.cmpi eq, %add3A_270, %eq3A_271 : i32
            %convert_element_type3A_273 = arith.extui %eq3A_272 : i1 to i32
            %cond3A_274 = arith.constant 0 : i32
            %cond3A_275 = arith.cmpi ne, %convert_element_type3A_273, %cond3A_274 : i32
            scf.if %cond3A_275 {
              %dma_start3A_282 = arith.constant 0 : i32
              %dma_start3A_283 = arith.constant 0 : i32
              %dma_start3A_284 = tpu.memref_slice %arg7[%dma_start3A_282, %dma_start3A_283] : memref<16416x128xf32, #tpu.memory_space<hbm>> -> memref<16416x128xf32, #tpu.memory_space<hbm>>
              tpu.enqueue_indirect_dma source(%arg17 : memref<112x128xf32, #tpu.memory_space<vmem>>) target(%dma_start3A_284 : memref<16416x128xf32, #tpu.memory_space<hbm>>) offsets(%arg18 : memref<112xi32, #tpu.memory_space<vmem>>) semaphore(%arg23 : memref<!tpu.dma_semaphore, #tpu.memory_space<semaphore_mem>>)
              %dma_wait3A_285 = arith.constant 0 : i32
              %dma_wait3A_286 = arith.constant 0 : i32
              %dma_wait3A_287 = tpu.memref_slice %arg7[%dma_wait3A_285, %dma_wait3A_286] : memref<16416x128xf32, #tpu.memory_space<hbm>> -> memref<16416x128xf32, #tpu.memory_space<hbm>>
              tpu.wait_indirect_dma semaphore(%arg23 : memref<!tpu.dma_semaphore, #tpu.memory_space<semaphore_mem>>) src(%arg17 : memref<112x128xf32, #tpu.memory_space<vmem>>) dst(%dma_wait3A_287 : memref<16416x128xf32, #tpu.memory_space<hbm>>)
              %broadcast_in_dim3A_288 = vector.broadcast %add3A_28 : i32 to vector<16xi32>
              %swap3A_289 = arith.constant 0 : index
              %swap3A_290 = tpu.vector_load %arg18[%swap3A_289] {strides = array<i32>} : memref<112xi32, #tpu.memory_space<vmem>>, vector<16xi32>,
              tpu.vector_store %arg18[%swap3A_289], %broadcast_in_dim3A_288 {strides = array<i32>} : memref<112xi32, #tpu.memory_space<vmem>>, vector<16xi32>,
              %broadcast_in_dim3A_291 = vector.broadcast %add3A_28 : i32 to vector<16xi32>
              %swap3A_292 = arith.constant 16 : index
              %swap3A_293 = tpu.vector_load %arg18[%swap3A_292] {strides = array<i32>} : memref<112xi32, #tpu.memory_space<vmem>>, vector<16xi32>,
              tpu.vector_store %arg18[%swap3A_292], %broadcast_in_dim3A_291 {strides = array<i32>} : memref<112xi32, #tpu.memory_space<vmem>>, vector<16xi32>,
              %broadcast_in_dim3A_294 = vector.broadcast %add3A_28 : i32 to vector<16xi32>
              %swap3A_295 = arith.constant 32 : index
              %swap3A_296 = tpu.vector_load %arg18[%swap3A_295] {strides = array<i32>} : memref<112xi32, #tpu.memory_space<vmem>>, vector<16xi32>,
              tpu.vector_store %arg18[%swap3A_295], %broadcast_in_dim3A_294 {strides = array<i32>} : memref<112xi32, #tpu.memory_space<vmem>>, vector<16xi32>,
              %broadcast_in_dim3A_297 = vector.broadcast %add3A_28 : i32 to vector<16xi32>
              %swap3A_298 = arith.constant 48 : index
              %swap3A_299 = tpu.vector_load %arg18[%swap3A_298] {strides = array<i32>} : memref<112xi32, #tpu.memory_space<vmem>>, vector<16xi32>,
              tpu.vector_store %arg18[%swap3A_298], %broadcast_in_dim3A_297 {strides = array<i32>} : memref<112xi32, #tpu.memory_space<vmem>>, vector<16xi32>,
              %broadcast_in_dim3A_300 = vector.broadcast %add3A_28 : i32 to vector<16xi32>
              %swap3A_301 = arith.constant 64 : index
              %swap3A_302 = tpu.vector_load %arg18[%swap3A_301] {strides = array<i32>} : memref<112xi32, #tpu.memory_space<vmem>>, vector<16xi32>,
              tpu.vector_store %arg18[%swap3A_301], %broadcast_in_dim3A_300 {strides = array<i32>} : memref<112xi32, #tpu.memory_space<vmem>>, vector<16xi32>,
              %broadcast_in_dim3A_303 = vector.broadcast %add3A_28 : i32 to vector<16xi32>
              %swap3A_304 = arith.constant 80 : index
              %swap3A_305 = tpu.vector_load %arg18[%swap3A_304] {strides = array<i32>} : memref<112xi32, #tpu.memory_space<vmem>>, vector<16xi32>,
              tpu.vector_store %arg18[%swap3A_304], %broadcast_in_dim3A_303 {strides = array<i32>} : memref<112xi32, #tpu.memory_space<vmem>>, vector<16xi32>,
              %broadcast_in_dim3A_306 = vector.broadcast %add3A_28 : i32 to vector<16xi32>
              %swap3A_307 = arith.constant 96 : index
              %swap3A_308 = tpu.vector_load %arg18[%swap3A_307] {strides = array<i32>} : memref<112xi32, #tpu.memory_space<vmem>>, vector<16xi32>,
              tpu.vector_store %arg18[%swap3A_307], %broadcast_in_dim3A_306 {strides = array<i32>} : memref<112xi32, #tpu.memory_space<vmem>>, vector<16xi32>,
            } else {
            }
            %eq3A_276 = arith.constant 112 : i32
            %eq3A_277 = arith.cmpi eq, %add3A_270, %eq3A_276 : i32
            %jit3A_278 = arith.constant 0 : i32
            %select_n3A_279 = arith.select %eq3A_277, %jit3A_278, %add3A_270 : i32
            %not3A = arith.constant dense<true> : vector<16xi1>
            %not3A_280 = arith.xori %eq3A_190, %not3A : vector<16xi1>
            %and3A_281 = arith.andi %while3A_188, %not3A_280 : vector<16xi1>
            scf.yield %and3A_281, %select_n3A_279 : vector<16xi1>, i32
          }
          scf.yield %while3A_187#1 : i32
        }
        scf.yield %while3A_177 : i32
      } else {
        scf.yield %scan3A_114 : i32
      }
      %mul3A_123 = arith.constant 4 : i32
      %mul3A_124 = arith.muli %scan3A_113, %mul3A_123 : i32
      %add3A_125 = arith.constant 1 : i32
      %add3A_126 = arith.addi %mul3A_124, %add3A_125 : i32
      %lt3A_127 = arith.cmpi slt, %add3A_126, %max3A_23 : i32
      %convert_element_type3A_128 = arith.extui %lt3A_127 : i1 to i32
      %cond3A_129 = arith.constant 0 : i32
      %cond3A_130 = arith.cmpi ne, %convert_element_type3A_128, %cond3A_129 : i32
      %cond3A_131 = scf.if %cond3A_130 -> (i32) {
        %dma_wait3A_150 = arith.constant 0 : i32
        %dma_wait3A_151 = arith.constant 0 : i32
        %dma_wait3A_152 = tpu.memref_slice %arg2[%dma_wait3A_150, %dma_wait3A_151] : memref<64x1000000xf32, #tpu.memory_space<hbm>> -> memref<64x256xf32, #tpu.memory_space<hbm>>
        %dma_wait3A_153 = arith.constant 0 : i32
        %dma_wait3A_154 = arith.constant 0 : i32
        %dma_wait3A_155 = tpu.memref_slice %arg2[%dma_wait3A_153, %dma_wait3A_154] : memref<64x1000000xf32, #tpu.memory_space<hbm>> -> memref<64x256xf32, #tpu.memory_space<hbm>>
        tpu.wait_dma2 semaphore(%arg20 : memref<!tpu.dma_semaphore, #tpu.memory_space<semaphore_mem>>) src(%dma_wait3A_155 : memref<64x256xf32, #tpu.memory_space<hbm>>) dst(%arg10 : memref<64x256xf32, #tpu.memory_space<vmem>>)
        %dma_wait3A_156 = arith.constant 0 : i32
        %dma_wait3A_157 = arith.constant 0 : i32
        %dma_wait3A_158 = tpu.memref_slice %arg3[%dma_wait3A_156, %dma_wait3A_157] : memref<32x1000000xf32, #tpu.memory_space<hbm>> -> memref<32x256xf32, #tpu.memory_space<hbm>>
        %dma_wait3A_159 = arith.constant 0 : i32
        %dma_wait3A_160 = arith.constant 0 : i32
        %dma_wait3A_161 = tpu.memref_slice %arg3[%dma_wait3A_159, %dma_wait3A_160] : memref<32x1000000xf32, #tpu.memory_space<hbm>> -> memref<32x256xf32, #tpu.memory_space<hbm>>
        tpu.wait_dma2 semaphore(%arg20 : memref<!tpu.dma_semaphore, #tpu.memory_space<semaphore_mem>>) src(%dma_wait3A_161 : memref<32x256xf32, #tpu.memory_space<hbm>>) dst(%arg14 : memref<32x256xf32, #tpu.memory_space<vmem>>)
        %add3A_162 = arith.constant 3 : i32
        %add3A_163 = arith.addi %add3A_126, %add3A_162 : i32
        %lt3A_164 = arith.cmpi slt, %add3A_163, %max3A_23 : i32
        %convert_element_type3A_165 = arith.extui %lt3A_164 : i1 to i32
        %cond3A_166 = arith.constant 0 : i32
        %cond3A_167 = arith.cmpi ne, %convert_element_type3A_165, %cond3A_166 : i32
        scf.if %cond3A_167 {
          %add3A_178 = arith.constant 3 : i32
          %add3A_179 = arith.addi %add3A_126, %add3A_178 : i32
          %mul3A_180 = arith.constant 2 : i32
          %mul3A_181 = arith.muli %mul3A_180, %add3A_179 : i32
          %add3A_182 = arith.addi %mul3A_2, %mul3A_181 : i32
          %mul3A_183 = arith.constant 128 : i32
          %mul3A_184 = arith.muli %add3A_182, %mul3A_183 : i32
          %multiple_of3A = tpu.assume_multiple %mul3A_184, 256 : i32
          %dma_start3A_185 = arith.constant 0 : i32
          %dma_start3A_186 = tpu.memref_slice %arg2[%dma_start3A_185, %multiple_of3A] : memref<64x1000000xf32, #tpu.memory_space<hbm>> -> memref<64x256xf32, #tpu.memory_space<hbm>>
          %dma_start3A_187 = arith.constant 0 : i32
          %dma_start3A_188 = tpu.memref_slice %arg2[%dma_start3A_187, %multiple_of3A] : memref<64x1000000xf32, #tpu.memory_space<hbm>> -> memref<64x256xf32, #tpu.memory_space<hbm>>
          tpu.enqueue_dma source(%dma_start3A_188 : memref<64x256xf32, #tpu.memory_space<hbm>>) target(%arg9 : memref<64x256xf32, #tpu.memory_space<vmem>>) target_semaphore(%arg19 : memref<!tpu.dma_semaphore, #tpu.memory_space<semaphore_mem>>)
          %dma_start3A_189 = arith.constant 0 : i32
          %dma_start3A_190 = tpu.memref_slice %arg3[%dma_start3A_189, %multiple_of3A] : memref<32x1000000xf32, #tpu.memory_space<hbm>> -> memref<32x256xf32, #tpu.memory_space<hbm>>
          %dma_start3A_191 = arith.constant 0 : i32
          %dma_start3A_192 = tpu.memref_slice %arg3[%dma_start3A_191, %multiple_of3A] : memref<32x1000000xf32, #tpu.memory_space<hbm>> -> memref<32x256xf32, #tpu.memory_space<hbm>>
          tpu.enqueue_dma source(%dma_start3A_192 : memref<32x256xf32, #tpu.memory_space<hbm>>) target(%arg13 : memref<32x256xf32, #tpu.memory_space<vmem>>) target_semaphore(%arg19 : memref<!tpu.dma_semaphore, #tpu.memory_space<semaphore_mem>>)
        } else {
        }
        %while3A = arith.constant 0 : i32
        %while3A_168 = arith.subi %select_n3A_65, %while3A : i32
        %while3A_169 = arith.addi %while3A, %while3A_168 : i32
        %while3A_170 = arith.constant 1 : i32
        %while3A_171 = arith.divsi %while3A_168, %while3A_170 : i32
        %while3A_172 = arith.muli %while3A_171, %while3A_170 : i32
        %while3A_173 = arith.addi %while3A, %while3A_172 : i32
        %while3A_174 = arith.constant 1 : i32
        %while3A_175 = scf.for %while3A_178 = %while3A to %while3A_173 step %while3A_174 iter_args(%while3A_179 = %cond3A_122) -> (i32)  : i32 {
          %mul3A_180 = arith.constant 16 : i32
          %mul3A_181 = arith.muli %while3A_178, %mul3A_180 : i32
          %multiple_of3A = tpu.assume_multiple %mul3A_181, 16 : i32
          %get3A = arith.index_cast %multiple_of3A : i32 to index
          %get3A_182 = tpu.vector_load %arg8[%get3A] {strides = array<i32>} : memref<16400xi32, #tpu.memory_space<vmem>>, vector<16xi32>,
          %shift_right_logical3A = arith.constant 22 : i32
          %shift_right_logical3A_183 = vector.broadcast %shift_right_logical3A : i32 to vector<16xi32>
          %shift_right_logical3A_184 = arith.shrui %get3A_182, %shift_right_logical3A_183 : vector<16xi32>
          %eq3A_185 = vector.broadcast %add3A_126 : i32 to vector<16xi32>
          %eq3A_186 = arith.cmpi eq, %shift_right_logical3A_184, %eq3A_185 : vector<16xi32>
          %while3A_187:2 = scf.while (%while3A_188 = %eq3A_186, %while3A_189 = %while3A_179) : (vector<16xi1>, i32) -> (vector<16xi1>, i32) {
            %reduce_or3A = arith.constant 1.000000e+00 : f32
            %reduce_or3A_190 = arith.constant 0.000000e+00 : f32
            %reduce_or3A_191 = vector.broadcast %reduce_or3A : f32 to vector<16xf32>
            %reduce_or3A_192 = vector.broadcast %reduce_or3A_190 : f32 to vector<16xf32>
            %reduce_or3A_193 = arith.select %while3A_188, %reduce_or3A_191, %reduce_or3A_192 : vector<16xi1>, vector<16xf32>
            %reduce_or3A_194 = arith.constant true
            %reduce_or3A_195 = vector.broadcast %reduce_or3A_194 : i1 to vector<16xi1>
            %reduce_or3A_196 = tpu.scan <max>, %reduce_or3A_193 masked %reduce_or3A_195 : vector<16xf32>, vector<16xi1> -> vector<16xf32>
            %reduce_or3A_197 = vector.extract %reduce_or3A_196[15] : f32 from vector<16xf32>
            %reduce_or3A_198 = arith.constant 0.000000e+00 : f32
            %reduce_or3A_199 = arith.cmpf ogt, %reduce_or3A_197, %reduce_or3A_198 : f32
            scf.condition(%reduce_or3A_199) %while3A_188, %while3A_189 : vector<16xi1>, i32
          } do {
          ^bb0(%while3A_188: vector<16xi1>, %while3A_189: i32):
            %all_reduce_ffs3A = tpu.all_reduce %while3A_188 {dim = 0 : i64, kind = #tpu.reduction_kind<find_first_set>} : vector<16xi1> -> vector<16xi32>
            %eq3A_190 = arith.cmpi eq, %iota3A, %all_reduce_ffs3A : vector<16xi32>
            %shift_right_logical3A_191 = arith.constant 14 : i32
            %shift_right_logical3A_192 = vector.broadcast %shift_right_logical3A_191 : i32 to vector<16xi32>
            %shift_right_logical3A_193 = arith.shrui %get3A_182, %shift_right_logical3A_192 : vector<16xi32>
            %and3A_194 = arith.constant 255 : i32
            %and3A_195 = vector.broadcast %and3A_194 : i32 to vector<16xi32>
            %and3A_196 = arith.andi %shift_right_logical3A_193, %and3A_195 : vector<16xi32>
            %jit3A_197 = arith.constant 0 : i32
            %broadcast_in_dim3A_198 = vector.broadcast %jit3A_197 : i32 to vector<16xi32>
            %select_n3A_199 = arith.select %eq3A_190, %and3A_196, %broadcast_in_dim3A_198 : vector<16xi1>, vector<16xi32>
            %reduce_sum3A = arith.constant true
            %reduce_sum3A_200 = vector.broadcast %reduce_sum3A : i1 to vector<16xi1>
            %reduce_sum3A_201 = tpu.scan <sum>, %select_n3A_199 masked %reduce_sum3A_200 : vector<16xi32>, vector<16xi1> -> vector<16xi32>
            %reduce_sum3A_202 = vector.extract %reduce_sum3A_201[15] : i32 from vector<16xi32>
            %and3A_203 = arith.constant 16383 : i32
            %and3A_204 = vector.broadcast %and3A_203 : i32 to vector<16xi32>
            %and3A_205 = arith.andi %get3A_182, %and3A_204 : vector<16xi32>
            %jit3A_206 = arith.constant 0 : i32
            %broadcast_in_dim3A_207 = vector.broadcast %jit3A_206 : i32 to vector<16xi32>
            %select_n3A_208 = arith.select %eq3A_190, %and3A_205, %broadcast_in_dim3A_207 : vector<16xi1>, vector<16xi32>
            %reduce_sum3A_209 = arith.constant true
            %reduce_sum3A_210 = vector.broadcast %reduce_sum3A_209 : i1 to vector<16xi1>
            %reduce_sum3A_211 = tpu.scan <sum>, %select_n3A_208 masked %reduce_sum3A_210 : vector<16xi32>, vector<16xi1> -> vector<16xi32>
            %reduce_sum3A_212 = vector.extract %reduce_sum3A_211[15] : i32 from vector<16xi32>
            %broadcast_in_dim3A_213 = arith.constant 0 : i32
            %broadcast_in_dim3A_214 = vector.broadcast %broadcast_in_dim3A_213 : i32 to vector<16xi32>
            %add3A_215 = vector.broadcast %reduce_sum3A_202 : i32 to vector<16xi32>
            %add3A_216 = arith.addi %broadcast_in_dim3A_214, %add3A_215 : vector<16xi32>
            %broadcast_in_dim3A_217 = arith.constant 0 : i32
            %broadcast_in_dim3A_218 = vector.broadcast %broadcast_in_dim3A_217 : i32 to vector<16xi32>
            %add3A_219 = vector.broadcast %while3A_189 : i32 to vector<16xi32>
            %add3A_220 = arith.addi %broadcast_in_dim3A_218, %add3A_219 : vector<16xi32>
            %add3A_221 = arith.constant 0 : i32
            %add3A_222 = vector.broadcast %add3A_221 : i32 to vector<16xi32>
            %add3A_223 = arith.addi %iota3A, %add3A_222 : vector<16xi32>
            %gather3A = tpu.vector_load_idx %arg10[%add3A_223, %add3A_216] : memref<64x256xf32, #tpu.memory_space<vmem>>[vector<16xi32>, vector<16xi32>], vector<16xf32>,
            %add3A_224 = arith.constant 0 : i32
            %add3A_225 = vector.broadcast %add3A_224 : i32 to vector<16xi32>
            %add3A_226 = arith.addi %iota3A, %add3A_225 : vector<16xi32>
            tpu.vector_store_idx %arg17[%add3A_220, %add3A_226], %gather3A : memref<112x128xf32, #tpu.memory_space<vmem>>[vector<16xi32>, vector<16xi32>], vector<16xf32>,
            %add3A_227 = arith.constant 16 : i32
            %add3A_228 = vector.broadcast %add3A_227 : i32 to vector<16xi32>
            %add3A_229 = arith.addi %iota3A, %add3A_228 : vector<16xi32>
            %gather3A_230 = tpu.vector_load_idx %arg10[%add3A_229, %add3A_216] : memref<64x256xf32, #tpu.memory_space<vmem>>[vector<16xi32>, vector<16xi32>], vector<16xf32>,
            %add3A_231 = arith.constant 16 : i32
            %add3A_232 = vector.broadcast %add3A_231 : i32 to vector<16xi32>
            %add3A_233 = arith.addi %iota3A, %add3A_232 : vector<16xi32>
            tpu.vector_store_idx %arg17[%add3A_220, %add3A_233], %gather3A_230 : memref<112x128xf32, #tpu.memory_space<vmem>>[vector<16xi32>, vector<16xi32>], vector<16xf32>,
            %add3A_234 = arith.constant 32 : i32
            %add3A_235 = vector.broadcast %add3A_234 : i32 to vector<16xi32>
            %add3A_236 = arith.addi %iota3A, %add3A_235 : vector<16xi32>
            %gather3A_237 = tpu.vector_load_idx %arg10[%add3A_236, %add3A_216] : memref<64x256xf32, #tpu.memory_space<vmem>>[vector<16xi32>, vector<16xi32>], vector<16xf32>,
            %add3A_238 = arith.constant 32 : i32
            %add3A_239 = vector.broadcast %add3A_238 : i32 to vector<16xi32>
            %add3A_240 = arith.addi %iota3A, %add3A_239 : vector<16xi32>
            tpu.vector_store_idx %arg17[%add3A_220, %add3A_240], %gather3A_237 : memref<112x128xf32, #tpu.memory_space<vmem>>[vector<16xi32>, vector<16xi32>], vector<16xf32>,
            %add3A_241 = arith.constant 48 : i32
            %add3A_242 = vector.broadcast %add3A_241 : i32 to vector<16xi32>
            %add3A_243 = arith.addi %iota3A, %add3A_242 : vector<16xi32>
            %gather3A_244 = tpu.vector_load_idx %arg10[%add3A_243, %add3A_216] : memref<64x256xf32, #tpu.memory_space<vmem>>[vector<16xi32>, vector<16xi32>], vector<16xf32>,
            %add3A_245 = arith.constant 48 : i32
            %add3A_246 = vector.broadcast %add3A_245 : i32 to vector<16xi32>
            %add3A_247 = arith.addi %iota3A, %add3A_246 : vector<16xi32>
            tpu.vector_store_idx %arg17[%add3A_220, %add3A_247], %gather3A_244 : memref<112x128xf32, #tpu.memory_space<vmem>>[vector<16xi32>, vector<16xi32>], vector<16xf32>,
            %add3A_248 = arith.constant 0 : i32
            %add3A_249 = vector.broadcast %add3A_248 : i32 to vector<16xi32>
            %add3A_250 = arith.addi %iota3A, %add3A_249 : vector<16xi32>
            %gather3A_251 = tpu.vector_load_idx %arg14[%add3A_250, %add3A_216] : memref<32x256xf32, #tpu.memory_space<vmem>>[vector<16xi32>, vector<16xi32>], vector<16xf32>,
            %add3A_252 = arith.constant 64 : i32
            %add3A_253 = vector.broadcast %add3A_252 : i32 to vector<16xi32>
            %add3A_254 = arith.addi %iota3A, %add3A_253 : vector<16xi32>
            tpu.vector_store_idx %arg17[%add3A_220, %add3A_254], %gather3A_251 : memref<112x128xf32, #tpu.memory_space<vmem>>[vector<16xi32>, vector<16xi32>], vector<16xf32>,
            %add3A_255 = arith.constant 16 : i32
            %add3A_256 = vector.broadcast %add3A_255 : i32 to vector<16xi32>
            %add3A_257 = arith.addi %iota3A, %add3A_256 : vector<16xi32>
            %gather3A_258 = tpu.vector_load_idx %arg14[%add3A_257, %add3A_216] : memref<32x256xf32, #tpu.memory_space<vmem>>[vector<16xi32>, vector<16xi32>], vector<16xf32>,
            %add3A_259 = arith.constant 80 : i32
            %add3A_260 = vector.broadcast %add3A_259 : i32 to vector<16xi32>
            %add3A_261 = arith.addi %iota3A, %add3A_260 : vector<16xi32>
            tpu.vector_store_idx %arg17[%add3A_220, %add3A_261], %gather3A_258 : memref<112x128xf32, #tpu.memory_space<vmem>>[vector<16xi32>, vector<16xi32>], vector<16xf32>,
            %broadcast_in_dim3A_262 = arith.constant 0 : i32
            %broadcast_in_dim3A_263 = vector.broadcast %broadcast_in_dim3A_262 : i32 to vector<16xi32>
            %add3A_264 = vector.broadcast %reduce_sum3A_212 : i32 to vector<16xi32>
            %add3A_265 = arith.addi %broadcast_in_dim3A_263, %add3A_264 : vector<16xi32>
            %eq3A_266 = arith.constant 0 : i32
            %eq3A_267 = vector.broadcast %eq3A_266 : i32 to vector<16xi32>
            %eq3A_268 = arith.cmpi eq, %iota3A, %eq3A_267 : vector<16xi32>
            tpu.vector_store_idx %arg18[%add3A_220], %add3A_265 masked %eq3A_268 : memref<112xi32, #tpu.memory_space<vmem>>[vector<16xi32>], vector<16xi32>, vector<16xi1>
            %add3A_269 = arith.constant 1 : i32
            %add3A_270 = arith.addi %while3A_189, %add3A_269 : i32
            %eq3A_271 = arith.constant 112 : i32
            %eq3A_272 = arith.cmpi eq, %add3A_270, %eq3A_271 : i32
            %convert_element_type3A_273 = arith.extui %eq3A_272 : i1 to i32
            %cond3A_274 = arith.constant 0 : i32
            %cond3A_275 = arith.cmpi ne, %convert_element_type3A_273, %cond3A_274 : i32
            scf.if %cond3A_275 {
              %dma_start3A_282 = arith.constant 0 : i32
              %dma_start3A_283 = arith.constant 0 : i32
              %dma_start3A_284 = tpu.memref_slice %arg7[%dma_start3A_282, %dma_start3A_283] : memref<16416x128xf32, #tpu.memory_space<hbm>> -> memref<16416x128xf32, #tpu.memory_space<hbm>>
              tpu.enqueue_indirect_dma source(%arg17 : memref<112x128xf32, #tpu.memory_space<vmem>>) target(%dma_start3A_284 : memref<16416x128xf32, #tpu.memory_space<hbm>>) offsets(%arg18 : memref<112xi32, #tpu.memory_space<vmem>>) semaphore(%arg23 : memref<!tpu.dma_semaphore, #tpu.memory_space<semaphore_mem>>)
              %dma_wait3A_285 = arith.constant 0 : i32
              %dma_wait3A_286 = arith.constant 0 : i32
              %dma_wait3A_287 = tpu.memref_slice %arg7[%dma_wait3A_285, %dma_wait3A_286] : memref<16416x128xf32, #tpu.memory_space<hbm>> -> memref<16416x128xf32, #tpu.memory_space<hbm>>
              tpu.wait_indirect_dma semaphore(%arg23 : memref<!tpu.dma_semaphore, #tpu.memory_space<semaphore_mem>>) src(%arg17 : memref<112x128xf32, #tpu.memory_space<vmem>>) dst(%dma_wait3A_287 : memref<16416x128xf32, #tpu.memory_space<hbm>>)
              %broadcast_in_dim3A_288 = vector.broadcast %add3A_28 : i32 to vector<16xi32>
              %swap3A_289 = arith.constant 0 : index
              %swap3A_290 = tpu.vector_load %arg18[%swap3A_289] {strides = array<i32>} : memref<112xi32, #tpu.memory_space<vmem>>, vector<16xi32>,
              tpu.vector_store %arg18[%swap3A_289], %broadcast_in_dim3A_288 {strides = array<i32>} : memref<112xi32, #tpu.memory_space<vmem>>, vector<16xi32>,
              %broadcast_in_dim3A_291 = vector.broadcast %add3A_28 : i32 to vector<16xi32>
              %swap3A_292 = arith.constant 16 : index
              %swap3A_293 = tpu.vector_load %arg18[%swap3A_292] {strides = array<i32>} : memref<112xi32, #tpu.memory_space<vmem>>, vector<16xi32>,
              tpu.vector_store %arg18[%swap3A_292], %broadcast_in_dim3A_291 {strides = array<i32>} : memref<112xi32, #tpu.memory_space<vmem>>, vector<16xi32>,
              %broadcast_in_dim3A_294 = vector.broadcast %add3A_28 : i32 to vector<16xi32>
              %swap3A_295 = arith.constant 32 : index
              %swap3A_296 = tpu.vector_load %arg18[%swap3A_295] {strides = array<i32>} : memref<112xi32, #tpu.memory_space<vmem>>, vector<16xi32>,
              tpu.vector_store %arg18[%swap3A_295], %broadcast_in_dim3A_294 {strides = array<i32>} : memref<112xi32, #tpu.memory_space<vmem>>, vector<16xi32>,
              %broadcast_in_dim3A_297 = vector.broadcast %add3A_28 : i32 to vector<16xi32>
              %swap3A_298 = arith.constant 48 : index
              %swap3A_299 = tpu.vector_load %arg18[%swap3A_298] {strides = array<i32>} : memref<112xi32, #tpu.memory_space<vmem>>, vector<16xi32>,
              tpu.vector_store %arg18[%swap3A_298], %broadcast_in_dim3A_297 {strides = array<i32>} : memref<112xi32, #tpu.memory_space<vmem>>, vector<16xi32>,
              %broadcast_in_dim3A_300 = vector.broadcast %add3A_28 : i32 to vector<16xi32>
              %swap3A_301 = arith.constant 64 : index
              %swap3A_302 = tpu.vector_load %arg18[%swap3A_301] {strides = array<i32>} : memref<112xi32, #tpu.memory_space<vmem>>, vector<16xi32>,
              tpu.vector_store %arg18[%swap3A_301], %broadcast_in_dim3A_300 {strides = array<i32>} : memref<112xi32, #tpu.memory_space<vmem>>, vector<16xi32>,
              %broadcast_in_dim3A_303 = vector.broadcast %add3A_28 : i32 to vector<16xi32>
              %swap3A_304 = arith.constant 80 : index
              %swap3A_305 = tpu.vector_load %arg18[%swap3A_304] {strides = array<i32>} : memref<112xi32, #tpu.memory_space<vmem>>, vector<16xi32>,
              tpu.vector_store %arg18[%swap3A_304], %broadcast_in_dim3A_303 {strides = array<i32>} : memref<112xi32, #tpu.memory_space<vmem>>, vector<16xi32>,
              %broadcast_in_dim3A_306 = vector.broadcast %add3A_28 : i32 to vector<16xi32>
              %swap3A_307 = arith.constant 96 : index
              %swap3A_308 = tpu.vector_load %arg18[%swap3A_307] {strides = array<i32>} : memref<112xi32, #tpu.memory_space<vmem>>, vector<16xi32>,
              tpu.vector_store %arg18[%swap3A_307], %broadcast_in_dim3A_306 {strides = array<i32>} : memref<112xi32, #tpu.memory_space<vmem>>, vector<16xi32>,
            } else {
            }
            %eq3A_276 = arith.constant 112 : i32
            %eq3A_277 = arith.cmpi eq, %add3A_270, %eq3A_276 : i32
            %jit3A_278 = arith.constant 0 : i32
            %select_n3A_279 = arith.select %eq3A_277, %jit3A_278, %add3A_270 : i32
            %not3A = arith.constant dense<true> : vector<16xi1>
            %not3A_280 = arith.xori %eq3A_190, %not3A : vector<16xi1>
            %and3A_281 = arith.andi %while3A_188, %not3A_280 : vector<16xi1>
            scf.yield %and3A_281, %select_n3A_279 : vector<16xi1>, i32
          }
          scf.yield %while3A_187#1 : i32
        }
        %while3A_176 = arith.constant 1 : i32
        %while3A_177 = scf.for %while3A_178 = %while3A_173 to %while3A_169 step %while3A_176 iter_args(%while3A_179 = %while3A_175) -> (i32)  : i32 {
          %mul3A_180 = arith.constant 16 : i32
          %mul3A_181 = arith.muli %while3A_178, %mul3A_180 : i32
          %multiple_of3A = tpu.assume_multiple %mul3A_181, 16 : i32
          %get3A = arith.index_cast %multiple_of3A : i32 to index
          %get3A_182 = tpu.vector_load %arg8[%get3A] {strides = array<i32>} : memref<16400xi32, #tpu.memory_space<vmem>>, vector<16xi32>,
          %shift_right_logical3A = arith.constant 22 : i32
          %shift_right_logical3A_183 = vector.broadcast %shift_right_logical3A : i32 to vector<16xi32>
          %shift_right_logical3A_184 = arith.shrui %get3A_182, %shift_right_logical3A_183 : vector<16xi32>
          %eq3A_185 = vector.broadcast %add3A_126 : i32 to vector<16xi32>
          %eq3A_186 = arith.cmpi eq, %shift_right_logical3A_184, %eq3A_185 : vector<16xi32>
          %while3A_187:2 = scf.while (%while3A_188 = %eq3A_186, %while3A_189 = %while3A_179) : (vector<16xi1>, i32) -> (vector<16xi1>, i32) {
            %reduce_or3A = arith.constant 1.000000e+00 : f32
            %reduce_or3A_190 = arith.constant 0.000000e+00 : f32
            %reduce_or3A_191 = vector.broadcast %reduce_or3A : f32 to vector<16xf32>
            %reduce_or3A_192 = vector.broadcast %reduce_or3A_190 : f32 to vector<16xf32>
            %reduce_or3A_193 = arith.select %while3A_188, %reduce_or3A_191, %reduce_or3A_192 : vector<16xi1>, vector<16xf32>
            %reduce_or3A_194 = arith.constant true
            %reduce_or3A_195 = vector.broadcast %reduce_or3A_194 : i1 to vector<16xi1>
            %reduce_or3A_196 = tpu.scan <max>, %reduce_or3A_193 masked %reduce_or3A_195 : vector<16xf32>, vector<16xi1> -> vector<16xf32>
            %reduce_or3A_197 = vector.extract %reduce_or3A_196[15] : f32 from vector<16xf32>
            %reduce_or3A_198 = arith.constant 0.000000e+00 : f32
            %reduce_or3A_199 = arith.cmpf ogt, %reduce_or3A_197, %reduce_or3A_198 : f32
            scf.condition(%reduce_or3A_199) %while3A_188, %while3A_189 : vector<16xi1>, i32
          } do {
          ^bb0(%while3A_188: vector<16xi1>, %while3A_189: i32):
            %all_reduce_ffs3A = tpu.all_reduce %while3A_188 {dim = 0 : i64, kind = #tpu.reduction_kind<find_first_set>} : vector<16xi1> -> vector<16xi32>
            %eq3A_190 = arith.cmpi eq, %iota3A, %all_reduce_ffs3A : vector<16xi32>
            %shift_right_logical3A_191 = arith.constant 14 : i32
            %shift_right_logical3A_192 = vector.broadcast %shift_right_logical3A_191 : i32 to vector<16xi32>
            %shift_right_logical3A_193 = arith.shrui %get3A_182, %shift_right_logical3A_192 : vector<16xi32>
            %and3A_194 = arith.constant 255 : i32
            %and3A_195 = vector.broadcast %and3A_194 : i32 to vector<16xi32>
            %and3A_196 = arith.andi %shift_right_logical3A_193, %and3A_195 : vector<16xi32>
            %jit3A_197 = arith.constant 0 : i32
            %broadcast_in_dim3A_198 = vector.broadcast %jit3A_197 : i32 to vector<16xi32>
            %select_n3A_199 = arith.select %eq3A_190, %and3A_196, %broadcast_in_dim3A_198 : vector<16xi1>, vector<16xi32>
            %reduce_sum3A = arith.constant true
            %reduce_sum3A_200 = vector.broadcast %reduce_sum3A : i1 to vector<16xi1>
            %reduce_sum3A_201 = tpu.scan <sum>, %select_n3A_199 masked %reduce_sum3A_200 : vector<16xi32>, vector<16xi1> -> vector<16xi32>
            %reduce_sum3A_202 = vector.extract %reduce_sum3A_201[15] : i32 from vector<16xi32>
            %and3A_203 = arith.constant 16383 : i32
            %and3A_204 = vector.broadcast %and3A_203 : i32 to vector<16xi32>
            %and3A_205 = arith.andi %get3A_182, %and3A_204 : vector<16xi32>
            %jit3A_206 = arith.constant 0 : i32
            %broadcast_in_dim3A_207 = vector.broadcast %jit3A_206 : i32 to vector<16xi32>
            %select_n3A_208 = arith.select %eq3A_190, %and3A_205, %broadcast_in_dim3A_207 : vector<16xi1>, vector<16xi32>
            %reduce_sum3A_209 = arith.constant true
            %reduce_sum3A_210 = vector.broadcast %reduce_sum3A_209 : i1 to vector<16xi1>
            %reduce_sum3A_211 = tpu.scan <sum>, %select_n3A_208 masked %reduce_sum3A_210 : vector<16xi32>, vector<16xi1> -> vector<16xi32>
            %reduce_sum3A_212 = vector.extract %reduce_sum3A_211[15] : i32 from vector<16xi32>
            %broadcast_in_dim3A_213 = arith.constant 0 : i32
            %broadcast_in_dim3A_214 = vector.broadcast %broadcast_in_dim3A_213 : i32 to vector<16xi32>
            %add3A_215 = vector.broadcast %reduce_sum3A_202 : i32 to vector<16xi32>
            %add3A_216 = arith.addi %broadcast_in_dim3A_214, %add3A_215 : vector<16xi32>
            %broadcast_in_dim3A_217 = arith.constant 0 : i32
            %broadcast_in_dim3A_218 = vector.broadcast %broadcast_in_dim3A_217 : i32 to vector<16xi32>
            %add3A_219 = vector.broadcast %while3A_189 : i32 to vector<16xi32>
            %add3A_220 = arith.addi %broadcast_in_dim3A_218, %add3A_219 : vector<16xi32>
            %add3A_221 = arith.constant 0 : i32
            %add3A_222 = vector.broadcast %add3A_221 : i32 to vector<16xi32>
            %add3A_223 = arith.addi %iota3A, %add3A_222 : vector<16xi32>
            %gather3A = tpu.vector_load_idx %arg10[%add3A_223, %add3A_216] : memref<64x256xf32, #tpu.memory_space<vmem>>[vector<16xi32>, vector<16xi32>], vector<16xf32>,
            %add3A_224 = arith.constant 0 : i32
            %add3A_225 = vector.broadcast %add3A_224 : i32 to vector<16xi32>
            %add3A_226 = arith.addi %iota3A, %add3A_225 : vector<16xi32>
            tpu.vector_store_idx %arg17[%add3A_220, %add3A_226], %gather3A : memref<112x128xf32, #tpu.memory_space<vmem>>[vector<16xi32>, vector<16xi32>], vector<16xf32>,
            %add3A_227 = arith.constant 16 : i32
            %add3A_228 = vector.broadcast %add3A_227 : i32 to vector<16xi32>
            %add3A_229 = arith.addi %iota3A, %add3A_228 : vector<16xi32>
            %gather3A_230 = tpu.vector_load_idx %arg10[%add3A_229, %add3A_216] : memref<64x256xf32, #tpu.memory_space<vmem>>[vector<16xi32>, vector<16xi32>], vector<16xf32>,
            %add3A_231 = arith.constant 16 : i32
            %add3A_232 = vector.broadcast %add3A_231 : i32 to vector<16xi32>
            %add3A_233 = arith.addi %iota3A, %add3A_232 : vector<16xi32>
            tpu.vector_store_idx %arg17[%add3A_220, %add3A_233], %gather3A_230 : memref<112x128xf32, #tpu.memory_space<vmem>>[vector<16xi32>, vector<16xi32>], vector<16xf32>,
            %add3A_234 = arith.constant 32 : i32
            %add3A_235 = vector.broadcast %add3A_234 : i32 to vector<16xi32>
            %add3A_236 = arith.addi %iota3A, %add3A_235 : vector<16xi32>
            %gather3A_237 = tpu.vector_load_idx %arg10[%add3A_236, %add3A_216] : memref<64x256xf32, #tpu.memory_space<vmem>>[vector<16xi32>, vector<16xi32>], vector<16xf32>,
            %add3A_238 = arith.constant 32 : i32
            %add3A_239 = vector.broadcast %add3A_238 : i32 to vector<16xi32>
            %add3A_240 = arith.addi %iota3A, %add3A_239 : vector<16xi32>
            tpu.vector_store_idx %arg17[%add3A_220, %add3A_240], %gather3A_237 : memref<112x128xf32, #tpu.memory_space<vmem>>[vector<16xi32>, vector<16xi32>], vector<16xf32>,
            %add3A_241 = arith.constant 48 : i32
            %add3A_242 = vector.broadcast %add3A_241 : i32 to vector<16xi32>
            %add3A_243 = arith.addi %iota3A, %add3A_242 : vector<16xi32>
            %gather3A_244 = tpu.vector_load_idx %arg10[%add3A_243, %add3A_216] : memref<64x256xf32, #tpu.memory_space<vmem>>[vector<16xi32>, vector<16xi32>], vector<16xf32>,
            %add3A_245 = arith.constant 48 : i32
            %add3A_246 = vector.broadcast %add3A_245 : i32 to vector<16xi32>
            %add3A_247 = arith.addi %iota3A, %add3A_246 : vector<16xi32>
            tpu.vector_store_idx %arg17[%add3A_220, %add3A_247], %gather3A_244 : memref<112x128xf32, #tpu.memory_space<vmem>>[vector<16xi32>, vector<16xi32>], vector<16xf32>,
            %add3A_248 = arith.constant 0 : i32
            %add3A_249 = vector.broadcast %add3A_248 : i32 to vector<16xi32>
            %add3A_250 = arith.addi %iota3A, %add3A_249 : vector<16xi32>
            %gather3A_251 = tpu.vector_load_idx %arg14[%add3A_250, %add3A_216] : memref<32x256xf32, #tpu.memory_space<vmem>>[vector<16xi32>, vector<16xi32>], vector<16xf32>,
            %add3A_252 = arith.constant 64 : i32
            %add3A_253 = vector.broadcast %add3A_252 : i32 to vector<16xi32>
            %add3A_254 = arith.addi %iota3A, %add3A_253 : vector<16xi32>
            tpu.vector_store_idx %arg17[%add3A_220, %add3A_254], %gather3A_251 : memref<112x128xf32, #tpu.memory_space<vmem>>[vector<16xi32>, vector<16xi32>], vector<16xf32>,
            %add3A_255 = arith.constant 16 : i32
            %add3A_256 = vector.broadcast %add3A_255 : i32 to vector<16xi32>
            %add3A_257 = arith.addi %iota3A, %add3A_256 : vector<16xi32>
            %gather3A_258 = tpu.vector_load_idx %arg14[%add3A_257, %add3A_216] : memref<32x256xf32, #tpu.memory_space<vmem>>[vector<16xi32>, vector<16xi32>], vector<16xf32>,
            %add3A_259 = arith.constant 80 : i32
            %add3A_260 = vector.broadcast %add3A_259 : i32 to vector<16xi32>
            %add3A_261 = arith.addi %iota3A, %add3A_260 : vector<16xi32>
            tpu.vector_store_idx %arg17[%add3A_220, %add3A_261], %gather3A_258 : memref<112x128xf32, #tpu.memory_space<vmem>>[vector<16xi32>, vector<16xi32>], vector<16xf32>,
            %broadcast_in_dim3A_262 = arith.constant 0 : i32
            %broadcast_in_dim3A_263 = vector.broadcast %broadcast_in_dim3A_262 : i32 to vector<16xi32>
            %add3A_264 = vector.broadcast %reduce_sum3A_212 : i32 to vector<16xi32>
            %add3A_265 = arith.addi %broadcast_in_dim3A_263, %add3A_264 : vector<16xi32>
            %eq3A_266 = arith.constant 0 : i32
            %eq3A_267 = vector.broadcast %eq3A_266 : i32 to vector<16xi32>
            %eq3A_268 = arith.cmpi eq, %iota3A, %eq3A_267 : vector<16xi32>
            tpu.vector_store_idx %arg18[%add3A_220], %add3A_265 masked %eq3A_268 : memref<112xi32, #tpu.memory_space<vmem>>[vector<16xi32>], vector<16xi32>, vector<16xi1>
            %add3A_269 = arith.constant 1 : i32
            %add3A_270 = arith.addi %while3A_189, %add3A_269 : i32
            %eq3A_271 = arith.constant 112 : i32
            %eq3A_272 = arith.cmpi eq, %add3A_270, %eq3A_271 : i32
            %convert_element_type3A_273 = arith.extui %eq3A_272 : i1 to i32
            %cond3A_274 = arith.constant 0 : i32
            %cond3A_275 = arith.cmpi ne, %convert_element_type3A_273, %cond3A_274 : i32
            scf.if %cond3A_275 {
              %dma_start3A_282 = arith.constant 0 : i32
              %dma_start3A_283 = arith.constant 0 : i32
              %dma_start3A_284 = tpu.memref_slice %arg7[%dma_start3A_282, %dma_start3A_283] : memref<16416x128xf32, #tpu.memory_space<hbm>> -> memref<16416x128xf32, #tpu.memory_space<hbm>>
              tpu.enqueue_indirect_dma source(%arg17 : memref<112x128xf32, #tpu.memory_space<vmem>>) target(%dma_start3A_284 : memref<16416x128xf32, #tpu.memory_space<hbm>>) offsets(%arg18 : memref<112xi32, #tpu.memory_space<vmem>>) semaphore(%arg23 : memref<!tpu.dma_semaphore, #tpu.memory_space<semaphore_mem>>)
              %dma_wait3A_285 = arith.constant 0 : i32
              %dma_wait3A_286 = arith.constant 0 : i32
              %dma_wait3A_287 = tpu.memref_slice %arg7[%dma_wait3A_285, %dma_wait3A_286] : memref<16416x128xf32, #tpu.memory_space<hbm>> -> memref<16416x128xf32, #tpu.memory_space<hbm>>
              tpu.wait_indirect_dma semaphore(%arg23 : memref<!tpu.dma_semaphore, #tpu.memory_space<semaphore_mem>>) src(%arg17 : memref<112x128xf32, #tpu.memory_space<vmem>>) dst(%dma_wait3A_287 : memref<16416x128xf32, #tpu.memory_space<hbm>>)
              %broadcast_in_dim3A_288 = vector.broadcast %add3A_28 : i32 to vector<16xi32>
              %swap3A_289 = arith.constant 0 : index
              %swap3A_290 = tpu.vector_load %arg18[%swap3A_289] {strides = array<i32>} : memref<112xi32, #tpu.memory_space<vmem>>, vector<16xi32>,
              tpu.vector_store %arg18[%swap3A_289], %broadcast_in_dim3A_288 {strides = array<i32>} : memref<112xi32, #tpu.memory_space<vmem>>, vector<16xi32>,
              %broadcast_in_dim3A_291 = vector.broadcast %add3A_28 : i32 to vector<16xi32>
              %swap3A_292 = arith.constant 16 : index
              %swap3A_293 = tpu.vector_load %arg18[%swap3A_292] {strides = array<i32>} : memref<112xi32, #tpu.memory_space<vmem>>, vector<16xi32>,
              tpu.vector_store %arg18[%swap3A_292], %broadcast_in_dim3A_291 {strides = array<i32>} : memref<112xi32, #tpu.memory_space<vmem>>, vector<16xi32>,
              %broadcast_in_dim3A_294 = vector.broadcast %add3A_28 : i32 to vector<16xi32>
              %swap3A_295 = arith.constant 32 : index
              %swap3A_296 = tpu.vector_load %arg18[%swap3A_295] {strides = array<i32>} : memref<112xi32, #tpu.memory_space<vmem>>, vector<16xi32>,
              tpu.vector_store %arg18[%swap3A_295], %broadcast_in_dim3A_294 {strides = array<i32>} : memref<112xi32, #tpu.memory_space<vmem>>, vector<16xi32>,
              %broadcast_in_dim3A_297 = vector.broadcast %add3A_28 : i32 to vector<16xi32>
              %swap3A_298 = arith.constant 48 : index
              %swap3A_299 = tpu.vector_load %arg18[%swap3A_298] {strides = array<i32>} : memref<112xi32, #tpu.memory_space<vmem>>, vector<16xi32>,
              tpu.vector_store %arg18[%swap3A_298], %broadcast_in_dim3A_297 {strides = array<i32>} : memref<112xi32, #tpu.memory_space<vmem>>, vector<16xi32>,
              %broadcast_in_dim3A_300 = vector.broadcast %add3A_28 : i32 to vector<16xi32>
              %swap3A_301 = arith.constant 64 : index
              %swap3A_302 = tpu.vector_load %arg18[%swap3A_301] {strides = array<i32>} : memref<112xi32, #tpu.memory_space<vmem>>, vector<16xi32>,
              tpu.vector_store %arg18[%swap3A_301], %broadcast_in_dim3A_300 {strides = array<i32>} : memref<112xi32, #tpu.memory_space<vmem>>, vector<16xi32>,
              %broadcast_in_dim3A_303 = vector.broadcast %add3A_28 : i32 to vector<16xi32>
              %swap3A_304 = arith.constant 80 : index
              %swap3A_305 = tpu.vector_load %arg18[%swap3A_304] {strides = array<i32>} : memref<112xi32, #tpu.memory_space<vmem>>, vector<16xi32>,
              tpu.vector_store %arg18[%swap3A_304], %broadcast_in_dim3A_303 {strides = array<i32>} : memref<112xi32, #tpu.memory_space<vmem>>, vector<16xi32>,
              %broadcast_in_dim3A_306 = vector.broadcast %add3A_28 : i32 to vector<16xi32>
              %swap3A_307 = arith.constant 96 : index
              %swap3A_308 = tpu.vector_load %arg18[%swap3A_307] {strides = array<i32>} : memref<112xi32, #tpu.memory_space<vmem>>, vector<16xi32>,
              tpu.vector_store %arg18[%swap3A_307], %broadcast_in_dim3A_306 {strides = array<i32>} : memref<112xi32, #tpu.memory_space<vmem>>, vector<16xi32>,
            } else {
            }
            %eq3A_276 = arith.constant 112 : i32
            %eq3A_277 = arith.cmpi eq, %add3A_270, %eq3A_276 : i32
            %jit3A_278 = arith.constant 0 : i32
            %select_n3A_279 = arith.select %eq3A_277, %jit3A_278, %add3A_270 : i32
            %not3A = arith.constant dense<true> : vector<16xi1>
            %not3A_280 = arith.xori %eq3A_190, %not3A : vector<16xi1>
            %and3A_281 = arith.andi %while3A_188, %not3A_280 : vector<16xi1>
            scf.yield %and3A_281, %select_n3A_279 : vector<16xi1>, i32
          }
          scf.yield %while3A_187#1 : i32
        }
        scf.yield %while3A_177 : i32
      } else {
        scf.yield %cond3A_122 : i32
      }
      %mul3A_132 = arith.constant 4 : i32
      %mul3A_133 = arith.muli %scan3A_113, %mul3A_132 : i32
      %add3A_134 = arith.constant 2 : i32
      %add3A_135 = arith.addi %mul3A_133, %add3A_134 : i32
      %lt3A_136 = arith.cmpi slt, %add3A_135, %max3A_23 : i32
      %convert_element_type3A_137 = arith.extui %lt3A_136 : i1 to i32
      %cond3A_138 = arith.constant 0 : i32
      %cond3A_139 = arith.cmpi ne, %convert_element_type3A_137, %cond3A_138 : i32
      %cond3A_140 = scf.if %cond3A_139 -> (i32) {
        %dma_wait3A_150 = arith.constant 0 : i32
        %dma_wait3A_151 = arith.constant 0 : i32
        %dma_wait3A_152 = tpu.memref_slice %arg2[%dma_wait3A_150, %dma_wait3A_151] : memref<64x1000000xf32, #tpu.memory_space<hbm>> -> memref<64x256xf32, #tpu.memory_space<hbm>>
        %dma_wait3A_153 = arith.constant 0 : i32
        %dma_wait3A_154 = arith.constant 0 : i32
        %dma_wait3A_155 = tpu.memref_slice %arg2[%dma_wait3A_153, %dma_wait3A_154] : memref<64x1000000xf32, #tpu.memory_space<hbm>> -> memref<64x256xf32, #tpu.memory_space<hbm>>
        tpu.wait_dma2 semaphore(%arg21 : memref<!tpu.dma_semaphore, #tpu.memory_space<semaphore_mem>>) src(%dma_wait3A_155 : memref<64x256xf32, #tpu.memory_space<hbm>>) dst(%arg11 : memref<64x256xf32, #tpu.memory_space<vmem>>)
        %dma_wait3A_156 = arith.constant 0 : i32
        %dma_wait3A_157 = arith.constant 0 : i32
        %dma_wait3A_158 = tpu.memref_slice %arg3[%dma_wait3A_156, %dma_wait3A_157] : memref<32x1000000xf32, #tpu.memory_space<hbm>> -> memref<32x256xf32, #tpu.memory_space<hbm>>
        %dma_wait3A_159 = arith.constant 0 : i32
        %dma_wait3A_160 = arith.constant 0 : i32
        %dma_wait3A_161 = tpu.memref_slice %arg3[%dma_wait3A_159, %dma_wait3A_160] : memref<32x1000000xf32, #tpu.memory_space<hbm>> -> memref<32x256xf32, #tpu.memory_space<hbm>>
        tpu.wait_dma2 semaphore(%arg21 : memref<!tpu.dma_semaphore, #tpu.memory_space<semaphore_mem>>) src(%dma_wait3A_161 : memref<32x256xf32, #tpu.memory_space<hbm>>) dst(%arg15 : memref<32x256xf32, #tpu.memory_space<vmem>>)
        %add3A_162 = arith.constant 3 : i32
        %add3A_163 = arith.addi %add3A_135, %add3A_162 : i32
        %lt3A_164 = arith.cmpi slt, %add3A_163, %max3A_23 : i32
        %convert_element_type3A_165 = arith.extui %lt3A_164 : i1 to i32
        %cond3A_166 = arith.constant 0 : i32
        %cond3A_167 = arith.cmpi ne, %convert_element_type3A_165, %cond3A_166 : i32
        scf.if %cond3A_167 {
          %add3A_178 = arith.constant 3 : i32
          %add3A_179 = arith.addi %add3A_135, %add3A_178 : i32
          %mul3A_180 = arith.constant 2 : i32
          %mul3A_181 = arith.muli %mul3A_180, %add3A_179 : i32
          %add3A_182 = arith.addi %mul3A_2, %mul3A_181 : i32
          %mul3A_183 = arith.constant 128 : i32
          %mul3A_184 = arith.muli %add3A_182, %mul3A_183 : i32
          %multiple_of3A = tpu.assume_multiple %mul3A_184, 256 : i32
          %dma_start3A_185 = arith.constant 0 : i32
          %dma_start3A_186 = tpu.memref_slice %arg2[%dma_start3A_185, %multiple_of3A] : memref<64x1000000xf32, #tpu.memory_space<hbm>> -> memref<64x256xf32, #tpu.memory_space<hbm>>
          %dma_start3A_187 = arith.constant 0 : i32
          %dma_start3A_188 = tpu.memref_slice %arg2[%dma_start3A_187, %multiple_of3A] : memref<64x1000000xf32, #tpu.memory_space<hbm>> -> memref<64x256xf32, #tpu.memory_space<hbm>>
          tpu.enqueue_dma source(%dma_start3A_188 : memref<64x256xf32, #tpu.memory_space<hbm>>) target(%arg10 : memref<64x256xf32, #tpu.memory_space<vmem>>) target_semaphore(%arg20 : memref<!tpu.dma_semaphore, #tpu.memory_space<semaphore_mem>>)
          %dma_start3A_189 = arith.constant 0 : i32
          %dma_start3A_190 = tpu.memref_slice %arg3[%dma_start3A_189, %multiple_of3A] : memref<32x1000000xf32, #tpu.memory_space<hbm>> -> memref<32x256xf32, #tpu.memory_space<hbm>>
          %dma_start3A_191 = arith.constant 0 : i32
          %dma_start3A_192 = tpu.memref_slice %arg3[%dma_start3A_191, %multiple_of3A] : memref<32x1000000xf32, #tpu.memory_space<hbm>> -> memref<32x256xf32, #tpu.memory_space<hbm>>
          tpu.enqueue_dma source(%dma_start3A_192 : memref<32x256xf32, #tpu.memory_space<hbm>>) target(%arg14 : memref<32x256xf32, #tpu.memory_space<vmem>>) target_semaphore(%arg20 : memref<!tpu.dma_semaphore, #tpu.memory_space<semaphore_mem>>)
        } else {
        }
        %while3A = arith.constant 0 : i32
        %while3A_168 = arith.subi %select_n3A_65, %while3A : i32
        %while3A_169 = arith.addi %while3A, %while3A_168 : i32
        %while3A_170 = arith.constant 1 : i32
        %while3A_171 = arith.divsi %while3A_168, %while3A_170 : i32
        %while3A_172 = arith.muli %while3A_171, %while3A_170 : i32
        %while3A_173 = arith.addi %while3A, %while3A_172 : i32
        %while3A_174 = arith.constant 1 : i32
        %while3A_175 = scf.for %while3A_178 = %while3A to %while3A_173 step %while3A_174 iter_args(%while3A_179 = %cond3A_131) -> (i32)  : i32 {
          %mul3A_180 = arith.constant 16 : i32
          %mul3A_181 = arith.muli %while3A_178, %mul3A_180 : i32
          %multiple_of3A = tpu.assume_multiple %mul3A_181, 16 : i32
          %get3A = arith.index_cast %multiple_of3A : i32 to index
          %get3A_182 = tpu.vector_load %arg8[%get3A] {strides = array<i32>} : memref<16400xi32, #tpu.memory_space<vmem>>, vector<16xi32>,
          %shift_right_logical3A = arith.constant 22 : i32
          %shift_right_logical3A_183 = vector.broadcast %shift_right_logical3A : i32 to vector<16xi32>
          %shift_right_logical3A_184 = arith.shrui %get3A_182, %shift_right_logical3A_183 : vector<16xi32>
          %eq3A_185 = vector.broadcast %add3A_135 : i32 to vector<16xi32>
          %eq3A_186 = arith.cmpi eq, %shift_right_logical3A_184, %eq3A_185 : vector<16xi32>
          %while3A_187:2 = scf.while (%while3A_188 = %eq3A_186, %while3A_189 = %while3A_179) : (vector<16xi1>, i32) -> (vector<16xi1>, i32) {
            %reduce_or3A = arith.constant 1.000000e+00 : f32
            %reduce_or3A_190 = arith.constant 0.000000e+00 : f32
            %reduce_or3A_191 = vector.broadcast %reduce_or3A : f32 to vector<16xf32>
            %reduce_or3A_192 = vector.broadcast %reduce_or3A_190 : f32 to vector<16xf32>
            %reduce_or3A_193 = arith.select %while3A_188, %reduce_or3A_191, %reduce_or3A_192 : vector<16xi1>, vector<16xf32>
            %reduce_or3A_194 = arith.constant true
            %reduce_or3A_195 = vector.broadcast %reduce_or3A_194 : i1 to vector<16xi1>
            %reduce_or3A_196 = tpu.scan <max>, %reduce_or3A_193 masked %reduce_or3A_195 : vector<16xf32>, vector<16xi1> -> vector<16xf32>
            %reduce_or3A_197 = vector.extract %reduce_or3A_196[15] : f32 from vector<16xf32>
            %reduce_or3A_198 = arith.constant 0.000000e+00 : f32
            %reduce_or3A_199 = arith.cmpf ogt, %reduce_or3A_197, %reduce_or3A_198 : f32
            scf.condition(%reduce_or3A_199) %while3A_188, %while3A_189 : vector<16xi1>, i32
          } do {
          ^bb0(%while3A_188: vector<16xi1>, %while3A_189: i32):
            %all_reduce_ffs3A = tpu.all_reduce %while3A_188 {dim = 0 : i64, kind = #tpu.reduction_kind<find_first_set>} : vector<16xi1> -> vector<16xi32>
            %eq3A_190 = arith.cmpi eq, %iota3A, %all_reduce_ffs3A : vector<16xi32>
            %shift_right_logical3A_191 = arith.constant 14 : i32
            %shift_right_logical3A_192 = vector.broadcast %shift_right_logical3A_191 : i32 to vector<16xi32>
            %shift_right_logical3A_193 = arith.shrui %get3A_182, %shift_right_logical3A_192 : vector<16xi32>
            %and3A_194 = arith.constant 255 : i32
            %and3A_195 = vector.broadcast %and3A_194 : i32 to vector<16xi32>
            %and3A_196 = arith.andi %shift_right_logical3A_193, %and3A_195 : vector<16xi32>
            %jit3A_197 = arith.constant 0 : i32
            %broadcast_in_dim3A_198 = vector.broadcast %jit3A_197 : i32 to vector<16xi32>
            %select_n3A_199 = arith.select %eq3A_190, %and3A_196, %broadcast_in_dim3A_198 : vector<16xi1>, vector<16xi32>
            %reduce_sum3A = arith.constant true
            %reduce_sum3A_200 = vector.broadcast %reduce_sum3A : i1 to vector<16xi1>
            %reduce_sum3A_201 = tpu.scan <sum>, %select_n3A_199 masked %reduce_sum3A_200 : vector<16xi32>, vector<16xi1> -> vector<16xi32>
            %reduce_sum3A_202 = vector.extract %reduce_sum3A_201[15] : i32 from vector<16xi32>
            %and3A_203 = arith.constant 16383 : i32
            %and3A_204 = vector.broadcast %and3A_203 : i32 to vector<16xi32>
            %and3A_205 = arith.andi %get3A_182, %and3A_204 : vector<16xi32>
            %jit3A_206 = arith.constant 0 : i32
            %broadcast_in_dim3A_207 = vector.broadcast %jit3A_206 : i32 to vector<16xi32>
            %select_n3A_208 = arith.select %eq3A_190, %and3A_205, %broadcast_in_dim3A_207 : vector<16xi1>, vector<16xi32>
            %reduce_sum3A_209 = arith.constant true
            %reduce_sum3A_210 = vector.broadcast %reduce_sum3A_209 : i1 to vector<16xi1>
            %reduce_sum3A_211 = tpu.scan <sum>, %select_n3A_208 masked %reduce_sum3A_210 : vector<16xi32>, vector<16xi1> -> vector<16xi32>
            %reduce_sum3A_212 = vector.extract %reduce_sum3A_211[15] : i32 from vector<16xi32>
            %broadcast_in_dim3A_213 = arith.constant 0 : i32
            %broadcast_in_dim3A_214 = vector.broadcast %broadcast_in_dim3A_213 : i32 to vector<16xi32>
            %add3A_215 = vector.broadcast %reduce_sum3A_202 : i32 to vector<16xi32>
            %add3A_216 = arith.addi %broadcast_in_dim3A_214, %add3A_215 : vector<16xi32>
            %broadcast_in_dim3A_217 = arith.constant 0 : i32
            %broadcast_in_dim3A_218 = vector.broadcast %broadcast_in_dim3A_217 : i32 to vector<16xi32>
            %add3A_219 = vector.broadcast %while3A_189 : i32 to vector<16xi32>
            %add3A_220 = arith.addi %broadcast_in_dim3A_218, %add3A_219 : vector<16xi32>
            %add3A_221 = arith.constant 0 : i32
            %add3A_222 = vector.broadcast %add3A_221 : i32 to vector<16xi32>
            %add3A_223 = arith.addi %iota3A, %add3A_222 : vector<16xi32>
            %gather3A = tpu.vector_load_idx %arg11[%add3A_223, %add3A_216] : memref<64x256xf32, #tpu.memory_space<vmem>>[vector<16xi32>, vector<16xi32>], vector<16xf32>,
            %add3A_224 = arith.constant 0 : i32
            %add3A_225 = vector.broadcast %add3A_224 : i32 to vector<16xi32>
            %add3A_226 = arith.addi %iota3A, %add3A_225 : vector<16xi32>
            tpu.vector_store_idx %arg17[%add3A_220, %add3A_226], %gather3A : memref<112x128xf32, #tpu.memory_space<vmem>>[vector<16xi32>, vector<16xi32>], vector<16xf32>,
            %add3A_227 = arith.constant 16 : i32
            %add3A_228 = vector.broadcast %add3A_227 : i32 to vector<16xi32>
            %add3A_229 = arith.addi %iota3A, %add3A_228 : vector<16xi32>
            %gather3A_230 = tpu.vector_load_idx %arg11[%add3A_229, %add3A_216] : memref<64x256xf32, #tpu.memory_space<vmem>>[vector<16xi32>, vector<16xi32>], vector<16xf32>,
            %add3A_231 = arith.constant 16 : i32
            %add3A_232 = vector.broadcast %add3A_231 : i32 to vector<16xi32>
            %add3A_233 = arith.addi %iota3A, %add3A_232 : vector<16xi32>
            tpu.vector_store_idx %arg17[%add3A_220, %add3A_233], %gather3A_230 : memref<112x128xf32, #tpu.memory_space<vmem>>[vector<16xi32>, vector<16xi32>], vector<16xf32>,
            %add3A_234 = arith.constant 32 : i32
            %add3A_235 = vector.broadcast %add3A_234 : i32 to vector<16xi32>
            %add3A_236 = arith.addi %iota3A, %add3A_235 : vector<16xi32>
            %gather3A_237 = tpu.vector_load_idx %arg11[%add3A_236, %add3A_216] : memref<64x256xf32, #tpu.memory_space<vmem>>[vector<16xi32>, vector<16xi32>], vector<16xf32>,
            %add3A_238 = arith.constant 32 : i32
            %add3A_239 = vector.broadcast %add3A_238 : i32 to vector<16xi32>
            %add3A_240 = arith.addi %iota3A, %add3A_239 : vector<16xi32>
            tpu.vector_store_idx %arg17[%add3A_220, %add3A_240], %gather3A_237 : memref<112x128xf32, #tpu.memory_space<vmem>>[vector<16xi32>, vector<16xi32>], vector<16xf32>,
            %add3A_241 = arith.constant 48 : i32
            %add3A_242 = vector.broadcast %add3A_241 : i32 to vector<16xi32>
            %add3A_243 = arith.addi %iota3A, %add3A_242 : vector<16xi32>
            %gather3A_244 = tpu.vector_load_idx %arg11[%add3A_243, %add3A_216] : memref<64x256xf32, #tpu.memory_space<vmem>>[vector<16xi32>, vector<16xi32>], vector<16xf32>,
            %add3A_245 = arith.constant 48 : i32
            %add3A_246 = vector.broadcast %add3A_245 : i32 to vector<16xi32>
            %add3A_247 = arith.addi %iota3A, %add3A_246 : vector<16xi32>
            tpu.vector_store_idx %arg17[%add3A_220, %add3A_247], %gather3A_244 : memref<112x128xf32, #tpu.memory_space<vmem>>[vector<16xi32>, vector<16xi32>], vector<16xf32>,
            %add3A_248 = arith.constant 0 : i32
            %add3A_249 = vector.broadcast %add3A_248 : i32 to vector<16xi32>
            %add3A_250 = arith.addi %iota3A, %add3A_249 : vector<16xi32>
            %gather3A_251 = tpu.vector_load_idx %arg15[%add3A_250, %add3A_216] : memref<32x256xf32, #tpu.memory_space<vmem>>[vector<16xi32>, vector<16xi32>], vector<16xf32>,
            %add3A_252 = arith.constant 64 : i32
            %add3A_253 = vector.broadcast %add3A_252 : i32 to vector<16xi32>
            %add3A_254 = arith.addi %iota3A, %add3A_253 : vector<16xi32>
            tpu.vector_store_idx %arg17[%add3A_220, %add3A_254], %gather3A_251 : memref<112x128xf32, #tpu.memory_space<vmem>>[vector<16xi32>, vector<16xi32>], vector<16xf32>,
            %add3A_255 = arith.constant 16 : i32
            %add3A_256 = vector.broadcast %add3A_255 : i32 to vector<16xi32>
            %add3A_257 = arith.addi %iota3A, %add3A_256 : vector<16xi32>
            %gather3A_258 = tpu.vector_load_idx %arg15[%add3A_257, %add3A_216] : memref<32x256xf32, #tpu.memory_space<vmem>>[vector<16xi32>, vector<16xi32>], vector<16xf32>,
            %add3A_259 = arith.constant 80 : i32
            %add3A_260 = vector.broadcast %add3A_259 : i32 to vector<16xi32>
            %add3A_261 = arith.addi %iota3A, %add3A_260 : vector<16xi32>
            tpu.vector_store_idx %arg17[%add3A_220, %add3A_261], %gather3A_258 : memref<112x128xf32, #tpu.memory_space<vmem>>[vector<16xi32>, vector<16xi32>], vector<16xf32>,
            %broadcast_in_dim3A_262 = arith.constant 0 : i32
            %broadcast_in_dim3A_263 = vector.broadcast %broadcast_in_dim3A_262 : i32 to vector<16xi32>
            %add3A_264 = vector.broadcast %reduce_sum3A_212 : i32 to vector<16xi32>
            %add3A_265 = arith.addi %broadcast_in_dim3A_263, %add3A_264 : vector<16xi32>
            %eq3A_266 = arith.constant 0 : i32
            %eq3A_267 = vector.broadcast %eq3A_266 : i32 to vector<16xi32>
            %eq3A_268 = arith.cmpi eq, %iota3A, %eq3A_267 : vector<16xi32>
            tpu.vector_store_idx %arg18[%add3A_220], %add3A_265 masked %eq3A_268 : memref<112xi32, #tpu.memory_space<vmem>>[vector<16xi32>], vector<16xi32>, vector<16xi1>
            %add3A_269 = arith.constant 1 : i32
            %add3A_270 = arith.addi %while3A_189, %add3A_269 : i32
            %eq3A_271 = arith.constant 112 : i32
            %eq3A_272 = arith.cmpi eq, %add3A_270, %eq3A_271 : i32
            %convert_element_type3A_273 = arith.extui %eq3A_272 : i1 to i32
            %cond3A_274 = arith.constant 0 : i32
            %cond3A_275 = arith.cmpi ne, %convert_element_type3A_273, %cond3A_274 : i32
            scf.if %cond3A_275 {
              %dma_start3A_282 = arith.constant 0 : i32
              %dma_start3A_283 = arith.constant 0 : i32
              %dma_start3A_284 = tpu.memref_slice %arg7[%dma_start3A_282, %dma_start3A_283] : memref<16416x128xf32, #tpu.memory_space<hbm>> -> memref<16416x128xf32, #tpu.memory_space<hbm>>
              tpu.enqueue_indirect_dma source(%arg17 : memref<112x128xf32, #tpu.memory_space<vmem>>) target(%dma_start3A_284 : memref<16416x128xf32, #tpu.memory_space<hbm>>) offsets(%arg18 : memref<112xi32, #tpu.memory_space<vmem>>) semaphore(%arg23 : memref<!tpu.dma_semaphore, #tpu.memory_space<semaphore_mem>>)
              %dma_wait3A_285 = arith.constant 0 : i32
              %dma_wait3A_286 = arith.constant 0 : i32
              %dma_wait3A_287 = tpu.memref_slice %arg7[%dma_wait3A_285, %dma_wait3A_286] : memref<16416x128xf32, #tpu.memory_space<hbm>> -> memref<16416x128xf32, #tpu.memory_space<hbm>>
              tpu.wait_indirect_dma semaphore(%arg23 : memref<!tpu.dma_semaphore, #tpu.memory_space<semaphore_mem>>) src(%arg17 : memref<112x128xf32, #tpu.memory_space<vmem>>) dst(%dma_wait3A_287 : memref<16416x128xf32, #tpu.memory_space<hbm>>)
              %broadcast_in_dim3A_288 = vector.broadcast %add3A_28 : i32 to vector<16xi32>
              %swap3A_289 = arith.constant 0 : index
              %swap3A_290 = tpu.vector_load %arg18[%swap3A_289] {strides = array<i32>} : memref<112xi32, #tpu.memory_space<vmem>>, vector<16xi32>,
              tpu.vector_store %arg18[%swap3A_289], %broadcast_in_dim3A_288 {strides = array<i32>} : memref<112xi32, #tpu.memory_space<vmem>>, vector<16xi32>,
              %broadcast_in_dim3A_291 = vector.broadcast %add3A_28 : i32 to vector<16xi32>
              %swap3A_292 = arith.constant 16 : index
              %swap3A_293 = tpu.vector_load %arg18[%swap3A_292] {strides = array<i32>} : memref<112xi32, #tpu.memory_space<vmem>>, vector<16xi32>,
              tpu.vector_store %arg18[%swap3A_292], %broadcast_in_dim3A_291 {strides = array<i32>} : memref<112xi32, #tpu.memory_space<vmem>>, vector<16xi32>,
              %broadcast_in_dim3A_294 = vector.broadcast %add3A_28 : i32 to vector<16xi32>
              %swap3A_295 = arith.constant 32 : index
              %swap3A_296 = tpu.vector_load %arg18[%swap3A_295] {strides = array<i32>} : memref<112xi32, #tpu.memory_space<vmem>>, vector<16xi32>,
              tpu.vector_store %arg18[%swap3A_295], %broadcast_in_dim3A_294 {strides = array<i32>} : memref<112xi32, #tpu.memory_space<vmem>>, vector<16xi32>,
              %broadcast_in_dim3A_297 = vector.broadcast %add3A_28 : i32 to vector<16xi32>
              %swap3A_298 = arith.constant 48 : index
              %swap3A_299 = tpu.vector_load %arg18[%swap3A_298] {strides = array<i32>} : memref<112xi32, #tpu.memory_space<vmem>>, vector<16xi32>,
              tpu.vector_store %arg18[%swap3A_298], %broadcast_in_dim3A_297 {strides = array<i32>} : memref<112xi32, #tpu.memory_space<vmem>>, vector<16xi32>,
              %broadcast_in_dim3A_300 = vector.broadcast %add3A_28 : i32 to vector<16xi32>
              %swap3A_301 = arith.constant 64 : index
              %swap3A_302 = tpu.vector_load %arg18[%swap3A_301] {strides = array<i32>} : memref<112xi32, #tpu.memory_space<vmem>>, vector<16xi32>,
              tpu.vector_store %arg18[%swap3A_301], %broadcast_in_dim3A_300 {strides = array<i32>} : memref<112xi32, #tpu.memory_space<vmem>>, vector<16xi32>,
              %broadcast_in_dim3A_303 = vector.broadcast %add3A_28 : i32 to vector<16xi32>
              %swap3A_304 = arith.constant 80 : index
              %swap3A_305 = tpu.vector_load %arg18[%swap3A_304] {strides = array<i32>} : memref<112xi32, #tpu.memory_space<vmem>>, vector<16xi32>,
              tpu.vector_store %arg18[%swap3A_304], %broadcast_in_dim3A_303 {strides = array<i32>} : memref<112xi32, #tpu.memory_space<vmem>>, vector<16xi32>,
              %broadcast_in_dim3A_306 = vector.broadcast %add3A_28 : i32 to vector<16xi32>
              %swap3A_307 = arith.constant 96 : index
              %swap3A_308 = tpu.vector_load %arg18[%swap3A_307] {strides = array<i32>} : memref<112xi32, #tpu.memory_space<vmem>>, vector<16xi32>,
              tpu.vector_store %arg18[%swap3A_307], %broadcast_in_dim3A_306 {strides = array<i32>} : memref<112xi32, #tpu.memory_space<vmem>>, vector<16xi32>,
            } else {
            }
            %eq3A_276 = arith.constant 112 : i32
            %eq3A_277 = arith.cmpi eq, %add3A_270, %eq3A_276 : i32
            %jit3A_278 = arith.constant 0 : i32
            %select_n3A_279 = arith.select %eq3A_277, %jit3A_278, %add3A_270 : i32
            %not3A = arith.constant dense<true> : vector<16xi1>
            %not3A_280 = arith.xori %eq3A_190, %not3A : vector<16xi1>
            %and3A_281 = arith.andi %while3A_188, %not3A_280 : vector<16xi1>
            scf.yield %and3A_281, %select_n3A_279 : vector<16xi1>, i32
          }
          scf.yield %while3A_187#1 : i32
        }
        %while3A_176 = arith.constant 1 : i32
        %while3A_177 = scf.for %while3A_178 = %while3A_173 to %while3A_169 step %while3A_176 iter_args(%while3A_179 = %while3A_175) -> (i32)  : i32 {
          %mul3A_180 = arith.constant 16 : i32
          %mul3A_181 = arith.muli %while3A_178, %mul3A_180 : i32
          %multiple_of3A = tpu.assume_multiple %mul3A_181, 16 : i32
          %get3A = arith.index_cast %multiple_of3A : i32 to index
          %get3A_182 = tpu.vector_load %arg8[%get3A] {strides = array<i32>} : memref<16400xi32, #tpu.memory_space<vmem>>, vector<16xi32>,
          %shift_right_logical3A = arith.constant 22 : i32
          %shift_right_logical3A_183 = vector.broadcast %shift_right_logical3A : i32 to vector<16xi32>
          %shift_right_logical3A_184 = arith.shrui %get3A_182, %shift_right_logical3A_183 : vector<16xi32>
          %eq3A_185 = vector.broadcast %add3A_135 : i32 to vector<16xi32>
          %eq3A_186 = arith.cmpi eq, %shift_right_logical3A_184, %eq3A_185 : vector<16xi32>
          %while3A_187:2 = scf.while (%while3A_188 = %eq3A_186, %while3A_189 = %while3A_179) : (vector<16xi1>, i32) -> (vector<16xi1>, i32) {
            %reduce_or3A = arith.constant 1.000000e+00 : f32
            %reduce_or3A_190 = arith.constant 0.000000e+00 : f32
            %reduce_or3A_191 = vector.broadcast %reduce_or3A : f32 to vector<16xf32>
            %reduce_or3A_192 = vector.broadcast %reduce_or3A_190 : f32 to vector<16xf32>
            %reduce_or3A_193 = arith.select %while3A_188, %reduce_or3A_191, %reduce_or3A_192 : vector<16xi1>, vector<16xf32>
            %reduce_or3A_194 = arith.constant true
            %reduce_or3A_195 = vector.broadcast %reduce_or3A_194 : i1 to vector<16xi1>
            %reduce_or3A_196 = tpu.scan <max>, %reduce_or3A_193 masked %reduce_or3A_195 : vector<16xf32>, vector<16xi1> -> vector<16xf32>
            %reduce_or3A_197 = vector.extract %reduce_or3A_196[15] : f32 from vector<16xf32>
            %reduce_or3A_198 = arith.constant 0.000000e+00 : f32
            %reduce_or3A_199 = arith.cmpf ogt, %reduce_or3A_197, %reduce_or3A_198 : f32
            scf.condition(%reduce_or3A_199) %while3A_188, %while3A_189 : vector<16xi1>, i32
          } do {
          ^bb0(%while3A_188: vector<16xi1>, %while3A_189: i32):
            %all_reduce_ffs3A = tpu.all_reduce %while3A_188 {dim = 0 : i64, kind = #tpu.reduction_kind<find_first_set>} : vector<16xi1> -> vector<16xi32>
            %eq3A_190 = arith.cmpi eq, %iota3A, %all_reduce_ffs3A : vector<16xi32>
            %shift_right_logical3A_191 = arith.constant 14 : i32
            %shift_right_logical3A_192 = vector.broadcast %shift_right_logical3A_191 : i32 to vector<16xi32>
            %shift_right_logical3A_193 = arith.shrui %get3A_182, %shift_right_logical3A_192 : vector<16xi32>
            %and3A_194 = arith.constant 255 : i32
            %and3A_195 = vector.broadcast %and3A_194 : i32 to vector<16xi32>
            %and3A_196 = arith.andi %shift_right_logical3A_193, %and3A_195 : vector<16xi32>
            %jit3A_197 = arith.constant 0 : i32
            %broadcast_in_dim3A_198 = vector.broadcast %jit3A_197 : i32 to vector<16xi32>
            %select_n3A_199 = arith.select %eq3A_190, %and3A_196, %broadcast_in_dim3A_198 : vector<16xi1>, vector<16xi32>
            %reduce_sum3A = arith.constant true
            %reduce_sum3A_200 = vector.broadcast %reduce_sum3A : i1 to vector<16xi1>
            %reduce_sum3A_201 = tpu.scan <sum>, %select_n3A_199 masked %reduce_sum3A_200 : vector<16xi32>, vector<16xi1> -> vector<16xi32>
            %reduce_sum3A_202 = vector.extract %reduce_sum3A_201[15] : i32 from vector<16xi32>
            %and3A_203 = arith.constant 16383 : i32
            %and3A_204 = vector.broadcast %and3A_203 : i32 to vector<16xi32>
            %and3A_205 = arith.andi %get3A_182, %and3A_204 : vector<16xi32>
            %jit3A_206 = arith.constant 0 : i32
            %broadcast_in_dim3A_207 = vector.broadcast %jit3A_206 : i32 to vector<16xi32>
            %select_n3A_208 = arith.select %eq3A_190, %and3A_205, %broadcast_in_dim3A_207 : vector<16xi1>, vector<16xi32>
            %reduce_sum3A_209 = arith.constant true
            %reduce_sum3A_210 = vector.broadcast %reduce_sum3A_209 : i1 to vector<16xi1>
            %reduce_sum3A_211 = tpu.scan <sum>, %select_n3A_208 masked %reduce_sum3A_210 : vector<16xi32>, vector<16xi1> -> vector<16xi32>
            %reduce_sum3A_212 = vector.extract %reduce_sum3A_211[15] : i32 from vector<16xi32>
            %broadcast_in_dim3A_213 = arith.constant 0 : i32
            %broadcast_in_dim3A_214 = vector.broadcast %broadcast_in_dim3A_213 : i32 to vector<16xi32>
            %add3A_215 = vector.broadcast %reduce_sum3A_202 : i32 to vector<16xi32>
            %add3A_216 = arith.addi %broadcast_in_dim3A_214, %add3A_215 : vector<16xi32>
            %broadcast_in_dim3A_217 = arith.constant 0 : i32
            %broadcast_in_dim3A_218 = vector.broadcast %broadcast_in_dim3A_217 : i32 to vector<16xi32>
            %add3A_219 = vector.broadcast %while3A_189 : i32 to vector<16xi32>
            %add3A_220 = arith.addi %broadcast_in_dim3A_218, %add3A_219 : vector<16xi32>
            %add3A_221 = arith.constant 0 : i32
            %add3A_222 = vector.broadcast %add3A_221 : i32 to vector<16xi32>
            %add3A_223 = arith.addi %iota3A, %add3A_222 : vector<16xi32>
            %gather3A = tpu.vector_load_idx %arg11[%add3A_223, %add3A_216] : memref<64x256xf32, #tpu.memory_space<vmem>>[vector<16xi32>, vector<16xi32>], vector<16xf32>,
            %add3A_224 = arith.constant 0 : i32
            %add3A_225 = vector.broadcast %add3A_224 : i32 to vector<16xi32>
            %add3A_226 = arith.addi %iota3A, %add3A_225 : vector<16xi32>
            tpu.vector_store_idx %arg17[%add3A_220, %add3A_226], %gather3A : memref<112x128xf32, #tpu.memory_space<vmem>>[vector<16xi32>, vector<16xi32>], vector<16xf32>,
            %add3A_227 = arith.constant 16 : i32
            %add3A_228 = vector.broadcast %add3A_227 : i32 to vector<16xi32>
            %add3A_229 = arith.addi %iota3A, %add3A_228 : vector<16xi32>
            %gather3A_230 = tpu.vector_load_idx %arg11[%add3A_229, %add3A_216] : memref<64x256xf32, #tpu.memory_space<vmem>>[vector<16xi32>, vector<16xi32>], vector<16xf32>,
            %add3A_231 = arith.constant 16 : i32
            %add3A_232 = vector.broadcast %add3A_231 : i32 to vector<16xi32>
            %add3A_233 = arith.addi %iota3A, %add3A_232 : vector<16xi32>
            tpu.vector_store_idx %arg17[%add3A_220, %add3A_233], %gather3A_230 : memref<112x128xf32, #tpu.memory_space<vmem>>[vector<16xi32>, vector<16xi32>], vector<16xf32>,
            %add3A_234 = arith.constant 32 : i32
            %add3A_235 = vector.broadcast %add3A_234 : i32 to vector<16xi32>
            %add3A_236 = arith.addi %iota3A, %add3A_235 : vector<16xi32>
            %gather3A_237 = tpu.vector_load_idx %arg11[%add3A_236, %add3A_216] : memref<64x256xf32, #tpu.memory_space<vmem>>[vector<16xi32>, vector<16xi32>], vector<16xf32>,
            %add3A_238 = arith.constant 32 : i32
            %add3A_239 = vector.broadcast %add3A_238 : i32 to vector<16xi32>
            %add3A_240 = arith.addi %iota3A, %add3A_239 : vector<16xi32>
            tpu.vector_store_idx %arg17[%add3A_220, %add3A_240], %gather3A_237 : memref<112x128xf32, #tpu.memory_space<vmem>>[vector<16xi32>, vector<16xi32>], vector<16xf32>,
            %add3A_241 = arith.constant 48 : i32
            %add3A_242 = vector.broadcast %add3A_241 : i32 to vector<16xi32>
            %add3A_243 = arith.addi %iota3A, %add3A_242 : vector<16xi32>
            %gather3A_244 = tpu.vector_load_idx %arg11[%add3A_243, %add3A_216] : memref<64x256xf32, #tpu.memory_space<vmem>>[vector<16xi32>, vector<16xi32>], vector<16xf32>,
            %add3A_245 = arith.constant 48 : i32
            %add3A_246 = vector.broadcast %add3A_245 : i32 to vector<16xi32>
            %add3A_247 = arith.addi %iota3A, %add3A_246 : vector<16xi32>
            tpu.vector_store_idx %arg17[%add3A_220, %add3A_247], %gather3A_244 : memref<112x128xf32, #tpu.memory_space<vmem>>[vector<16xi32>, vector<16xi32>], vector<16xf32>,
            %add3A_248 = arith.constant 0 : i32
            %add3A_249 = vector.broadcast %add3A_248 : i32 to vector<16xi32>
            %add3A_250 = arith.addi %iota3A, %add3A_249 : vector<16xi32>
            %gather3A_251 = tpu.vector_load_idx %arg15[%add3A_250, %add3A_216] : memref<32x256xf32, #tpu.memory_space<vmem>>[vector<16xi32>, vector<16xi32>], vector<16xf32>,
            %add3A_252 = arith.constant 64 : i32
            %add3A_253 = vector.broadcast %add3A_252 : i32 to vector<16xi32>
            %add3A_254 = arith.addi %iota3A, %add3A_253 : vector<16xi32>
            tpu.vector_store_idx %arg17[%add3A_220, %add3A_254], %gather3A_251 : memref<112x128xf32, #tpu.memory_space<vmem>>[vector<16xi32>, vector<16xi32>], vector<16xf32>,
            %add3A_255 = arith.constant 16 : i32
            %add3A_256 = vector.broadcast %add3A_255 : i32 to vector<16xi32>
            %add3A_257 = arith.addi %iota3A, %add3A_256 : vector<16xi32>
            %gather3A_258 = tpu.vector_load_idx %arg15[%add3A_257, %add3A_216] : memref<32x256xf32, #tpu.memory_space<vmem>>[vector<16xi32>, vector<16xi32>], vector<16xf32>,
            %add3A_259 = arith.constant 80 : i32
            %add3A_260 = vector.broadcast %add3A_259 : i32 to vector<16xi32>
            %add3A_261 = arith.addi %iota3A, %add3A_260 : vector<16xi32>
            tpu.vector_store_idx %arg17[%add3A_220, %add3A_261], %gather3A_258 : memref<112x128xf32, #tpu.memory_space<vmem>>[vector<16xi32>, vector<16xi32>], vector<16xf32>,
            %broadcast_in_dim3A_262 = arith.constant 0 : i32
            %broadcast_in_dim3A_263 = vector.broadcast %broadcast_in_dim3A_262 : i32 to vector<16xi32>
            %add3A_264 = vector.broadcast %reduce_sum3A_212 : i32 to vector<16xi32>
            %add3A_265 = arith.addi %broadcast_in_dim3A_263, %add3A_264 : vector<16xi32>
            %eq3A_266 = arith.constant 0 : i32
            %eq3A_267 = vector.broadcast %eq3A_266 : i32 to vector<16xi32>
            %eq3A_268 = arith.cmpi eq, %iota3A, %eq3A_267 : vector<16xi32>
            tpu.vector_store_idx %arg18[%add3A_220], %add3A_265 masked %eq3A_268 : memref<112xi32, #tpu.memory_space<vmem>>[vector<16xi32>], vector<16xi32>, vector<16xi1>
            %add3A_269 = arith.constant 1 : i32
            %add3A_270 = arith.addi %while3A_189, %add3A_269 : i32
            %eq3A_271 = arith.constant 112 : i32
            %eq3A_272 = arith.cmpi eq, %add3A_270, %eq3A_271 : i32
            %convert_element_type3A_273 = arith.extui %eq3A_272 : i1 to i32
            %cond3A_274 = arith.constant 0 : i32
            %cond3A_275 = arith.cmpi ne, %convert_element_type3A_273, %cond3A_274 : i32
            scf.if %cond3A_275 {
              %dma_start3A_282 = arith.constant 0 : i32
              %dma_start3A_283 = arith.constant 0 : i32
              %dma_start3A_284 = tpu.memref_slice %arg7[%dma_start3A_282, %dma_start3A_283] : memref<16416x128xf32, #tpu.memory_space<hbm>> -> memref<16416x128xf32, #tpu.memory_space<hbm>>
              tpu.enqueue_indirect_dma source(%arg17 : memref<112x128xf32, #tpu.memory_space<vmem>>) target(%dma_start3A_284 : memref<16416x128xf32, #tpu.memory_space<hbm>>) offsets(%arg18 : memref<112xi32, #tpu.memory_space<vmem>>) semaphore(%arg23 : memref<!tpu.dma_semaphore, #tpu.memory_space<semaphore_mem>>)
              %dma_wait3A_285 = arith.constant 0 : i32
              %dma_wait3A_286 = arith.constant 0 : i32
              %dma_wait3A_287 = tpu.memref_slice %arg7[%dma_wait3A_285, %dma_wait3A_286] : memref<16416x128xf32, #tpu.memory_space<hbm>> -> memref<16416x128xf32, #tpu.memory_space<hbm>>
              tpu.wait_indirect_dma semaphore(%arg23 : memref<!tpu.dma_semaphore, #tpu.memory_space<semaphore_mem>>) src(%arg17 : memref<112x128xf32, #tpu.memory_space<vmem>>) dst(%dma_wait3A_287 : memref<16416x128xf32, #tpu.memory_space<hbm>>)
              %broadcast_in_dim3A_288 = vector.broadcast %add3A_28 : i32 to vector<16xi32>
              %swap3A_289 = arith.constant 0 : index
              %swap3A_290 = tpu.vector_load %arg18[%swap3A_289] {strides = array<i32>} : memref<112xi32, #tpu.memory_space<vmem>>, vector<16xi32>,
              tpu.vector_store %arg18[%swap3A_289], %broadcast_in_dim3A_288 {strides = array<i32>} : memref<112xi32, #tpu.memory_space<vmem>>, vector<16xi32>,
              %broadcast_in_dim3A_291 = vector.broadcast %add3A_28 : i32 to vector<16xi32>
              %swap3A_292 = arith.constant 16 : index
              %swap3A_293 = tpu.vector_load %arg18[%swap3A_292] {strides = array<i32>} : memref<112xi32, #tpu.memory_space<vmem>>, vector<16xi32>,
              tpu.vector_store %arg18[%swap3A_292], %broadcast_in_dim3A_291 {strides = array<i32>} : memref<112xi32, #tpu.memory_space<vmem>>, vector<16xi32>,
              %broadcast_in_dim3A_294 = vector.broadcast %add3A_28 : i32 to vector<16xi32>
              %swap3A_295 = arith.constant 32 : index
              %swap3A_296 = tpu.vector_load %arg18[%swap3A_295] {strides = array<i32>} : memref<112xi32, #tpu.memory_space<vmem>>, vector<16xi32>,
              tpu.vector_store %arg18[%swap3A_295], %broadcast_in_dim3A_294 {strides = array<i32>} : memref<112xi32, #tpu.memory_space<vmem>>, vector<16xi32>,
              %broadcast_in_dim3A_297 = vector.broadcast %add3A_28 : i32 to vector<16xi32>
              %swap3A_298 = arith.constant 48 : index
              %swap3A_299 = tpu.vector_load %arg18[%swap3A_298] {strides = array<i32>} : memref<112xi32, #tpu.memory_space<vmem>>, vector<16xi32>,
              tpu.vector_store %arg18[%swap3A_298], %broadcast_in_dim3A_297 {strides = array<i32>} : memref<112xi32, #tpu.memory_space<vmem>>, vector<16xi32>,
              %broadcast_in_dim3A_300 = vector.broadcast %add3A_28 : i32 to vector<16xi32>
              %swap3A_301 = arith.constant 64 : index
              %swap3A_302 = tpu.vector_load %arg18[%swap3A_301] {strides = array<i32>} : memref<112xi32, #tpu.memory_space<vmem>>, vector<16xi32>,
              tpu.vector_store %arg18[%swap3A_301], %broadcast_in_dim3A_300 {strides = array<i32>} : memref<112xi32, #tpu.memory_space<vmem>>, vector<16xi32>,
              %broadcast_in_dim3A_303 = vector.broadcast %add3A_28 : i32 to vector<16xi32>
              %swap3A_304 = arith.constant 80 : index
              %swap3A_305 = tpu.vector_load %arg18[%swap3A_304] {strides = array<i32>} : memref<112xi32, #tpu.memory_space<vmem>>, vector<16xi32>,
              tpu.vector_store %arg18[%swap3A_304], %broadcast_in_dim3A_303 {strides = array<i32>} : memref<112xi32, #tpu.memory_space<vmem>>, vector<16xi32>,
              %broadcast_in_dim3A_306 = vector.broadcast %add3A_28 : i32 to vector<16xi32>
              %swap3A_307 = arith.constant 96 : index
              %swap3A_308 = tpu.vector_load %arg18[%swap3A_307] {strides = array<i32>} : memref<112xi32, #tpu.memory_space<vmem>>, vector<16xi32>,
              tpu.vector_store %arg18[%swap3A_307], %broadcast_in_dim3A_306 {strides = array<i32>} : memref<112xi32, #tpu.memory_space<vmem>>, vector<16xi32>,
            } else {
            }
            %eq3A_276 = arith.constant 112 : i32
            %eq3A_277 = arith.cmpi eq, %add3A_270, %eq3A_276 : i32
            %jit3A_278 = arith.constant 0 : i32
            %select_n3A_279 = arith.select %eq3A_277, %jit3A_278, %add3A_270 : i32
            %not3A = arith.constant dense<true> : vector<16xi1>
            %not3A_280 = arith.xori %eq3A_190, %not3A : vector<16xi1>
            %and3A_281 = arith.andi %while3A_188, %not3A_280 : vector<16xi1>
            scf.yield %and3A_281, %select_n3A_279 : vector<16xi1>, i32
          }
          scf.yield %while3A_187#1 : i32
        }
        scf.yield %while3A_177 : i32
      } else {
        scf.yield %cond3A_131 : i32
      }
      %mul3A_141 = arith.constant 4 : i32
      %mul3A_142 = arith.muli %scan3A_113, %mul3A_141 : i32
      %add3A_143 = arith.constant 3 : i32
      %add3A_144 = arith.addi %mul3A_142, %add3A_143 : i32
      %lt3A_145 = arith.cmpi slt, %add3A_144, %max3A_23 : i32
      %convert_element_type3A_146 = arith.extui %lt3A_145 : i1 to i32
      %cond3A_147 = arith.constant 0 : i32
      %cond3A_148 = arith.cmpi ne, %convert_element_type3A_146, %cond3A_147 : i32
      %cond3A_149 = scf.if %cond3A_148 -> (i32) {
        %dma_wait3A_150 = arith.constant 0 : i32
        %dma_wait3A_151 = arith.constant 0 : i32
        %dma_wait3A_152 = tpu.memref_slice %arg2[%dma_wait3A_150, %dma_wait3A_151] : memref<64x1000000xf32, #tpu.memory_space<hbm>> -> memref<64x256xf32, #tpu.memory_space<hbm>>
        %dma_wait3A_153 = arith.constant 0 : i32
        %dma_wait3A_154 = arith.constant 0 : i32
        %dma_wait3A_155 = tpu.memref_slice %arg2[%dma_wait3A_153, %dma_wait3A_154] : memref<64x1000000xf32, #tpu.memory_space<hbm>> -> memref<64x256xf32, #tpu.memory_space<hbm>>
        tpu.wait_dma2 semaphore(%arg22 : memref<!tpu.dma_semaphore, #tpu.memory_space<semaphore_mem>>) src(%dma_wait3A_155 : memref<64x256xf32, #tpu.memory_space<hbm>>) dst(%arg12 : memref<64x256xf32, #tpu.memory_space<vmem>>)
        %dma_wait3A_156 = arith.constant 0 : i32
        %dma_wait3A_157 = arith.constant 0 : i32
        %dma_wait3A_158 = tpu.memref_slice %arg3[%dma_wait3A_156, %dma_wait3A_157] : memref<32x1000000xf32, #tpu.memory_space<hbm>> -> memref<32x256xf32, #tpu.memory_space<hbm>>
        %dma_wait3A_159 = arith.constant 0 : i32
        %dma_wait3A_160 = arith.constant 0 : i32
        %dma_wait3A_161 = tpu.memref_slice %arg3[%dma_wait3A_159, %dma_wait3A_160] : memref<32x1000000xf32, #tpu.memory_space<hbm>> -> memref<32x256xf32, #tpu.memory_space<hbm>>
        tpu.wait_dma2 semaphore(%arg22 : memref<!tpu.dma_semaphore, #tpu.memory_space<semaphore_mem>>) src(%dma_wait3A_161 : memref<32x256xf32, #tpu.memory_space<hbm>>) dst(%arg16 : memref<32x256xf32, #tpu.memory_space<vmem>>)
        %add3A_162 = arith.constant 3 : i32
        %add3A_163 = arith.addi %add3A_144, %add3A_162 : i32
        %lt3A_164 = arith.cmpi slt, %add3A_163, %max3A_23 : i32
        %convert_element_type3A_165 = arith.extui %lt3A_164 : i1 to i32
        %cond3A_166 = arith.constant 0 : i32
        %cond3A_167 = arith.cmpi ne, %convert_element_type3A_165, %cond3A_166 : i32
        scf.if %cond3A_167 {
          %add3A_178 = arith.constant 3 : i32
          %add3A_179 = arith.addi %add3A_144, %add3A_178 : i32
          %mul3A_180 = arith.constant 2 : i32
          %mul3A_181 = arith.muli %mul3A_180, %add3A_179 : i32
          %add3A_182 = arith.addi %mul3A_2, %mul3A_181 : i32
          %mul3A_183 = arith.constant 128 : i32
          %mul3A_184 = arith.muli %add3A_182, %mul3A_183 : i32
          %multiple_of3A = tpu.assume_multiple %mul3A_184, 256 : i32
          %dma_start3A_185 = arith.constant 0 : i32
          %dma_start3A_186 = tpu.memref_slice %arg2[%dma_start3A_185, %multiple_of3A] : memref<64x1000000xf32, #tpu.memory_space<hbm>> -> memref<64x256xf32, #tpu.memory_space<hbm>>
          %dma_start3A_187 = arith.constant 0 : i32
          %dma_start3A_188 = tpu.memref_slice %arg2[%dma_start3A_187, %multiple_of3A] : memref<64x1000000xf32, #tpu.memory_space<hbm>> -> memref<64x256xf32, #tpu.memory_space<hbm>>
          tpu.enqueue_dma source(%dma_start3A_188 : memref<64x256xf32, #tpu.memory_space<hbm>>) target(%arg11 : memref<64x256xf32, #tpu.memory_space<vmem>>) target_semaphore(%arg21 : memref<!tpu.dma_semaphore, #tpu.memory_space<semaphore_mem>>)
          %dma_start3A_189 = arith.constant 0 : i32
          %dma_start3A_190 = tpu.memref_slice %arg3[%dma_start3A_189, %multiple_of3A] : memref<32x1000000xf32, #tpu.memory_space<hbm>> -> memref<32x256xf32, #tpu.memory_space<hbm>>
          %dma_start3A_191 = arith.constant 0 : i32
          %dma_start3A_192 = tpu.memref_slice %arg3[%dma_start3A_191, %multiple_of3A] : memref<32x1000000xf32, #tpu.memory_space<hbm>> -> memref<32x256xf32, #tpu.memory_space<hbm>>
          tpu.enqueue_dma source(%dma_start3A_192 : memref<32x256xf32, #tpu.memory_space<hbm>>) target(%arg15 : memref<32x256xf32, #tpu.memory_space<vmem>>) target_semaphore(%arg21 : memref<!tpu.dma_semaphore, #tpu.memory_space<semaphore_mem>>)
        } else {
        }
        %while3A = arith.constant 0 : i32
        %while3A_168 = arith.subi %select_n3A_65, %while3A : i32
        %while3A_169 = arith.addi %while3A, %while3A_168 : i32
        %while3A_170 = arith.constant 1 : i32
        %while3A_171 = arith.divsi %while3A_168, %while3A_170 : i32
        %while3A_172 = arith.muli %while3A_171, %while3A_170 : i32
        %while3A_173 = arith.addi %while3A, %while3A_172 : i32
        %while3A_174 = arith.constant 1 : i32
        %while3A_175 = scf.for %while3A_178 = %while3A to %while3A_173 step %while3A_174 iter_args(%while3A_179 = %cond3A_140) -> (i32)  : i32 {
          %mul3A_180 = arith.constant 16 : i32
          %mul3A_181 = arith.muli %while3A_178, %mul3A_180 : i32
          %multiple_of3A = tpu.assume_multiple %mul3A_181, 16 : i32
          %get3A = arith.index_cast %multiple_of3A : i32 to index
          %get3A_182 = tpu.vector_load %arg8[%get3A] {strides = array<i32>} : memref<16400xi32, #tpu.memory_space<vmem>>, vector<16xi32>,
          %shift_right_logical3A = arith.constant 22 : i32
          %shift_right_logical3A_183 = vector.broadcast %shift_right_logical3A : i32 to vector<16xi32>
          %shift_right_logical3A_184 = arith.shrui %get3A_182, %shift_right_logical3A_183 : vector<16xi32>
          %eq3A_185 = vector.broadcast %add3A_144 : i32 to vector<16xi32>
          %eq3A_186 = arith.cmpi eq, %shift_right_logical3A_184, %eq3A_185 : vector<16xi32>
          %while3A_187:2 = scf.while (%while3A_188 = %eq3A_186, %while3A_189 = %while3A_179) : (vector<16xi1>, i32) -> (vector<16xi1>, i32) {
            %reduce_or3A = arith.constant 1.000000e+00 : f32
            %reduce_or3A_190 = arith.constant 0.000000e+00 : f32
            %reduce_or3A_191 = vector.broadcast %reduce_or3A : f32 to vector<16xf32>
            %reduce_or3A_192 = vector.broadcast %reduce_or3A_190 : f32 to vector<16xf32>
            %reduce_or3A_193 = arith.select %while3A_188, %reduce_or3A_191, %reduce_or3A_192 : vector<16xi1>, vector<16xf32>
            %reduce_or3A_194 = arith.constant true
            %reduce_or3A_195 = vector.broadcast %reduce_or3A_194 : i1 to vector<16xi1>
            %reduce_or3A_196 = tpu.scan <max>, %reduce_or3A_193 masked %reduce_or3A_195 : vector<16xf32>, vector<16xi1> -> vector<16xf32>
            %reduce_or3A_197 = vector.extract %reduce_or3A_196[15] : f32 from vector<16xf32>
            %reduce_or3A_198 = arith.constant 0.000000e+00 : f32
            %reduce_or3A_199 = arith.cmpf ogt, %reduce_or3A_197, %reduce_or3A_198 : f32
            scf.condition(%reduce_or3A_199) %while3A_188, %while3A_189 : vector<16xi1>, i32
          } do {
          ^bb0(%while3A_188: vector<16xi1>, %while3A_189: i32):
            %all_reduce_ffs3A = tpu.all_reduce %while3A_188 {dim = 0 : i64, kind = #tpu.reduction_kind<find_first_set>} : vector<16xi1> -> vector<16xi32>
            %eq3A_190 = arith.cmpi eq, %iota3A, %all_reduce_ffs3A : vector<16xi32>
            %shift_right_logical3A_191 = arith.constant 14 : i32
            %shift_right_logical3A_192 = vector.broadcast %shift_right_logical3A_191 : i32 to vector<16xi32>
            %shift_right_logical3A_193 = arith.shrui %get3A_182, %shift_right_logical3A_192 : vector<16xi32>
            %and3A_194 = arith.constant 255 : i32
            %and3A_195 = vector.broadcast %and3A_194 : i32 to vector<16xi32>
            %and3A_196 = arith.andi %shift_right_logical3A_193, %and3A_195 : vector<16xi32>
            %jit3A_197 = arith.constant 0 : i32
            %broadcast_in_dim3A_198 = vector.broadcast %jit3A_197 : i32 to vector<16xi32>
            %select_n3A_199 = arith.select %eq3A_190, %and3A_196, %broadcast_in_dim3A_198 : vector<16xi1>, vector<16xi32>
            %reduce_sum3A = arith.constant true
            %reduce_sum3A_200 = vector.broadcast %reduce_sum3A : i1 to vector<16xi1>
            %reduce_sum3A_201 = tpu.scan <sum>, %select_n3A_199 masked %reduce_sum3A_200 : vector<16xi32>, vector<16xi1> -> vector<16xi32>
            %reduce_sum3A_202 = vector.extract %reduce_sum3A_201[15] : i32 from vector<16xi32>
            %and3A_203 = arith.constant 16383 : i32
            %and3A_204 = vector.broadcast %and3A_203 : i32 to vector<16xi32>
            %and3A_205 = arith.andi %get3A_182, %and3A_204 : vector<16xi32>
            %jit3A_206 = arith.constant 0 : i32
            %broadcast_in_dim3A_207 = vector.broadcast %jit3A_206 : i32 to vector<16xi32>
            %select_n3A_208 = arith.select %eq3A_190, %and3A_205, %broadcast_in_dim3A_207 : vector<16xi1>, vector<16xi32>
            %reduce_sum3A_209 = arith.constant true
            %reduce_sum3A_210 = vector.broadcast %reduce_sum3A_209 : i1 to vector<16xi1>
            %reduce_sum3A_211 = tpu.scan <sum>, %select_n3A_208 masked %reduce_sum3A_210 : vector<16xi32>, vector<16xi1> -> vector<16xi32>
            %reduce_sum3A_212 = vector.extract %reduce_sum3A_211[15] : i32 from vector<16xi32>
            %broadcast_in_dim3A_213 = arith.constant 0 : i32
            %broadcast_in_dim3A_214 = vector.broadcast %broadcast_in_dim3A_213 : i32 to vector<16xi32>
            %add3A_215 = vector.broadcast %reduce_sum3A_202 : i32 to vector<16xi32>
            %add3A_216 = arith.addi %broadcast_in_dim3A_214, %add3A_215 : vector<16xi32>
            %broadcast_in_dim3A_217 = arith.constant 0 : i32
            %broadcast_in_dim3A_218 = vector.broadcast %broadcast_in_dim3A_217 : i32 to vector<16xi32>
            %add3A_219 = vector.broadcast %while3A_189 : i32 to vector<16xi32>
            %add3A_220 = arith.addi %broadcast_in_dim3A_218, %add3A_219 : vector<16xi32>
            %add3A_221 = arith.constant 0 : i32
            %add3A_222 = vector.broadcast %add3A_221 : i32 to vector<16xi32>
            %add3A_223 = arith.addi %iota3A, %add3A_222 : vector<16xi32>
            %gather3A = tpu.vector_load_idx %arg12[%add3A_223, %add3A_216] : memref<64x256xf32, #tpu.memory_space<vmem>>[vector<16xi32>, vector<16xi32>], vector<16xf32>,
            %add3A_224 = arith.constant 0 : i32
            %add3A_225 = vector.broadcast %add3A_224 : i32 to vector<16xi32>
            %add3A_226 = arith.addi %iota3A, %add3A_225 : vector<16xi32>
            tpu.vector_store_idx %arg17[%add3A_220, %add3A_226], %gather3A : memref<112x128xf32, #tpu.memory_space<vmem>>[vector<16xi32>, vector<16xi32>], vector<16xf32>,
            %add3A_227 = arith.constant 16 : i32
            %add3A_228 = vector.broadcast %add3A_227 : i32 to vector<16xi32>
            %add3A_229 = arith.addi %iota3A, %add3A_228 : vector<16xi32>
            %gather3A_230 = tpu.vector_load_idx %arg12[%add3A_229, %add3A_216] : memref<64x256xf32, #tpu.memory_space<vmem>>[vector<16xi32>, vector<16xi32>], vector<16xf32>,
            %add3A_231 = arith.constant 16 : i32
            %add3A_232 = vector.broadcast %add3A_231 : i32 to vector<16xi32>
            %add3A_233 = arith.addi %iota3A, %add3A_232 : vector<16xi32>
            tpu.vector_store_idx %arg17[%add3A_220, %add3A_233], %gather3A_230 : memref<112x128xf32, #tpu.memory_space<vmem>>[vector<16xi32>, vector<16xi32>], vector<16xf32>,
            %add3A_234 = arith.constant 32 : i32
            %add3A_235 = vector.broadcast %add3A_234 : i32 to vector<16xi32>
            %add3A_236 = arith.addi %iota3A, %add3A_235 : vector<16xi32>
            %gather3A_237 = tpu.vector_load_idx %arg12[%add3A_236, %add3A_216] : memref<64x256xf32, #tpu.memory_space<vmem>>[vector<16xi32>, vector<16xi32>], vector<16xf32>,
            %add3A_238 = arith.constant 32 : i32
            %add3A_239 = vector.broadcast %add3A_238 : i32 to vector<16xi32>
            %add3A_240 = arith.addi %iota3A, %add3A_239 : vector<16xi32>
            tpu.vector_store_idx %arg17[%add3A_220, %add3A_240], %gather3A_237 : memref<112x128xf32, #tpu.memory_space<vmem>>[vector<16xi32>, vector<16xi32>], vector<16xf32>,
            %add3A_241 = arith.constant 48 : i32
            %add3A_242 = vector.broadcast %add3A_241 : i32 to vector<16xi32>
            %add3A_243 = arith.addi %iota3A, %add3A_242 : vector<16xi32>
            %gather3A_244 = tpu.vector_load_idx %arg12[%add3A_243, %add3A_216] : memref<64x256xf32, #tpu.memory_space<vmem>>[vector<16xi32>, vector<16xi32>], vector<16xf32>,
            %add3A_245 = arith.constant 48 : i32
            %add3A_246 = vector.broadcast %add3A_245 : i32 to vector<16xi32>
            %add3A_247 = arith.addi %iota3A, %add3A_246 : vector<16xi32>
            tpu.vector_store_idx %arg17[%add3A_220, %add3A_247], %gather3A_244 : memref<112x128xf32, #tpu.memory_space<vmem>>[vector<16xi32>, vector<16xi32>], vector<16xf32>,
            %add3A_248 = arith.constant 0 : i32
            %add3A_249 = vector.broadcast %add3A_248 : i32 to vector<16xi32>
            %add3A_250 = arith.addi %iota3A, %add3A_249 : vector<16xi32>
            %gather3A_251 = tpu.vector_load_idx %arg16[%add3A_250, %add3A_216] : memref<32x256xf32, #tpu.memory_space<vmem>>[vector<16xi32>, vector<16xi32>], vector<16xf32>,
            %add3A_252 = arith.constant 64 : i32
            %add3A_253 = vector.broadcast %add3A_252 : i32 to vector<16xi32>
            %add3A_254 = arith.addi %iota3A, %add3A_253 : vector<16xi32>
            tpu.vector_store_idx %arg17[%add3A_220, %add3A_254], %gather3A_251 : memref<112x128xf32, #tpu.memory_space<vmem>>[vector<16xi32>, vector<16xi32>], vector<16xf32>,
            %add3A_255 = arith.constant 16 : i32
            %add3A_256 = vector.broadcast %add3A_255 : i32 to vector<16xi32>
            %add3A_257 = arith.addi %iota3A, %add3A_256 : vector<16xi32>
            %gather3A_258 = tpu.vector_load_idx %arg16[%add3A_257, %add3A_216] : memref<32x256xf32, #tpu.memory_space<vmem>>[vector<16xi32>, vector<16xi32>], vector<16xf32>,
            %add3A_259 = arith.constant 80 : i32
            %add3A_260 = vector.broadcast %add3A_259 : i32 to vector<16xi32>
            %add3A_261 = arith.addi %iota3A, %add3A_260 : vector<16xi32>
            tpu.vector_store_idx %arg17[%add3A_220, %add3A_261], %gather3A_258 : memref<112x128xf32, #tpu.memory_space<vmem>>[vector<16xi32>, vector<16xi32>], vector<16xf32>,
            %broadcast_in_dim3A_262 = arith.constant 0 : i32
            %broadcast_in_dim3A_263 = vector.broadcast %broadcast_in_dim3A_262 : i32 to vector<16xi32>
            %add3A_264 = vector.broadcast %reduce_sum3A_212 : i32 to vector<16xi32>
            %add3A_265 = arith.addi %broadcast_in_dim3A_263, %add3A_264 : vector<16xi32>
            %eq3A_266 = arith.constant 0 : i32
            %eq3A_267 = vector.broadcast %eq3A_266 : i32 to vector<16xi32>
            %eq3A_268 = arith.cmpi eq, %iota3A, %eq3A_267 : vector<16xi32>
            tpu.vector_store_idx %arg18[%add3A_220], %add3A_265 masked %eq3A_268 : memref<112xi32, #tpu.memory_space<vmem>>[vector<16xi32>], vector<16xi32>, vector<16xi1>
            %add3A_269 = arith.constant 1 : i32
            %add3A_270 = arith.addi %while3A_189, %add3A_269 : i32
            %eq3A_271 = arith.constant 112 : i32
            %eq3A_272 = arith.cmpi eq, %add3A_270, %eq3A_271 : i32
            %convert_element_type3A_273 = arith.extui %eq3A_272 : i1 to i32
            %cond3A_274 = arith.constant 0 : i32
            %cond3A_275 = arith.cmpi ne, %convert_element_type3A_273, %cond3A_274 : i32
            scf.if %cond3A_275 {
              %dma_start3A_282 = arith.constant 0 : i32
              %dma_start3A_283 = arith.constant 0 : i32
              %dma_start3A_284 = tpu.memref_slice %arg7[%dma_start3A_282, %dma_start3A_283] : memref<16416x128xf32, #tpu.memory_space<hbm>> -> memref<16416x128xf32, #tpu.memory_space<hbm>>
              tpu.enqueue_indirect_dma source(%arg17 : memref<112x128xf32, #tpu.memory_space<vmem>>) target(%dma_start3A_284 : memref<16416x128xf32, #tpu.memory_space<hbm>>) offsets(%arg18 : memref<112xi32, #tpu.memory_space<vmem>>) semaphore(%arg23 : memref<!tpu.dma_semaphore, #tpu.memory_space<semaphore_mem>>)
              %dma_wait3A_285 = arith.constant 0 : i32
              %dma_wait3A_286 = arith.constant 0 : i32
              %dma_wait3A_287 = tpu.memref_slice %arg7[%dma_wait3A_285, %dma_wait3A_286] : memref<16416x128xf32, #tpu.memory_space<hbm>> -> memref<16416x128xf32, #tpu.memory_space<hbm>>
              tpu.wait_indirect_dma semaphore(%arg23 : memref<!tpu.dma_semaphore, #tpu.memory_space<semaphore_mem>>) src(%arg17 : memref<112x128xf32, #tpu.memory_space<vmem>>) dst(%dma_wait3A_287 : memref<16416x128xf32, #tpu.memory_space<hbm>>)
              %broadcast_in_dim3A_288 = vector.broadcast %add3A_28 : i32 to vector<16xi32>
              %swap3A_289 = arith.constant 0 : index
              %swap3A_290 = tpu.vector_load %arg18[%swap3A_289] {strides = array<i32>} : memref<112xi32, #tpu.memory_space<vmem>>, vector<16xi32>,
              tpu.vector_store %arg18[%swap3A_289], %broadcast_in_dim3A_288 {strides = array<i32>} : memref<112xi32, #tpu.memory_space<vmem>>, vector<16xi32>,
              %broadcast_in_dim3A_291 = vector.broadcast %add3A_28 : i32 to vector<16xi32>
              %swap3A_292 = arith.constant 16 : index
              %swap3A_293 = tpu.vector_load %arg18[%swap3A_292] {strides = array<i32>} : memref<112xi32, #tpu.memory_space<vmem>>, vector<16xi32>,
              tpu.vector_store %arg18[%swap3A_292], %broadcast_in_dim3A_291 {strides = array<i32>} : memref<112xi32, #tpu.memory_space<vmem>>, vector<16xi32>,
              %broadcast_in_dim3A_294 = vector.broadcast %add3A_28 : i32 to vector<16xi32>
              %swap3A_295 = arith.constant 32 : index
              %swap3A_296 = tpu.vector_load %arg18[%swap3A_295] {strides = array<i32>} : memref<112xi32, #tpu.memory_space<vmem>>, vector<16xi32>,
              tpu.vector_store %arg18[%swap3A_295], %broadcast_in_dim3A_294 {strides = array<i32>} : memref<112xi32, #tpu.memory_space<vmem>>, vector<16xi32>,
              %broadcast_in_dim3A_297 = vector.broadcast %add3A_28 : i32 to vector<16xi32>
              %swap3A_298 = arith.constant 48 : index
              %swap3A_299 = tpu.vector_load %arg18[%swap3A_298] {strides = array<i32>} : memref<112xi32, #tpu.memory_space<vmem>>, vector<16xi32>,
              tpu.vector_store %arg18[%swap3A_298], %broadcast_in_dim3A_297 {strides = array<i32>} : memref<112xi32, #tpu.memory_space<vmem>>, vector<16xi32>,
              %broadcast_in_dim3A_300 = vector.broadcast %add3A_28 : i32 to vector<16xi32>
              %swap3A_301 = arith.constant 64 : index
              %swap3A_302 = tpu.vector_load %arg18[%swap3A_301] {strides = array<i32>} : memref<112xi32, #tpu.memory_space<vmem>>, vector<16xi32>,
              tpu.vector_store %arg18[%swap3A_301], %broadcast_in_dim3A_300 {strides = array<i32>} : memref<112xi32, #tpu.memory_space<vmem>>, vector<16xi32>,
              %broadcast_in_dim3A_303 = vector.broadcast %add3A_28 : i32 to vector<16xi32>
              %swap3A_304 = arith.constant 80 : index
              %swap3A_305 = tpu.vector_load %arg18[%swap3A_304] {strides = array<i32>} : memref<112xi32, #tpu.memory_space<vmem>>, vector<16xi32>,
              tpu.vector_store %arg18[%swap3A_304], %broadcast_in_dim3A_303 {strides = array<i32>} : memref<112xi32, #tpu.memory_space<vmem>>, vector<16xi32>,
              %broadcast_in_dim3A_306 = vector.broadcast %add3A_28 : i32 to vector<16xi32>
              %swap3A_307 = arith.constant 96 : index
              %swap3A_308 = tpu.vector_load %arg18[%swap3A_307] {strides = array<i32>} : memref<112xi32, #tpu.memory_space<vmem>>, vector<16xi32>,
              tpu.vector_store %arg18[%swap3A_307], %broadcast_in_dim3A_306 {strides = array<i32>} : memref<112xi32, #tpu.memory_space<vmem>>, vector<16xi32>,
            } else {
            }
            %eq3A_276 = arith.constant 112 : i32
            %eq3A_277 = arith.cmpi eq, %add3A_270, %eq3A_276 : i32
            %jit3A_278 = arith.constant 0 : i32
            %select_n3A_279 = arith.select %eq3A_277, %jit3A_278, %add3A_270 : i32
            %not3A = arith.constant dense<true> : vector<16xi1>
            %not3A_280 = arith.xori %eq3A_190, %not3A : vector<16xi1>
            %and3A_281 = arith.andi %while3A_188, %not3A_280 : vector<16xi1>
            scf.yield %and3A_281, %select_n3A_279 : vector<16xi1>, i32
          }
          scf.yield %while3A_187#1 : i32
        }
        %while3A_176 = arith.constant 1 : i32
        %while3A_177 = scf.for %while3A_178 = %while3A_173 to %while3A_169 step %while3A_176 iter_args(%while3A_179 = %while3A_175) -> (i32)  : i32 {
          %mul3A_180 = arith.constant 16 : i32
          %mul3A_181 = arith.muli %while3A_178, %mul3A_180 : i32
          %multiple_of3A = tpu.assume_multiple %mul3A_181, 16 : i32
          %get3A = arith.index_cast %multiple_of3A : i32 to index
          %get3A_182 = tpu.vector_load %arg8[%get3A] {strides = array<i32>} : memref<16400xi32, #tpu.memory_space<vmem>>, vector<16xi32>,
          %shift_right_logical3A = arith.constant 22 : i32
          %shift_right_logical3A_183 = vector.broadcast %shift_right_logical3A : i32 to vector<16xi32>
          %shift_right_logical3A_184 = arith.shrui %get3A_182, %shift_right_logical3A_183 : vector<16xi32>
          %eq3A_185 = vector.broadcast %add3A_144 : i32 to vector<16xi32>
          %eq3A_186 = arith.cmpi eq, %shift_right_logical3A_184, %eq3A_185 : vector<16xi32>
          %while3A_187:2 = scf.while (%while3A_188 = %eq3A_186, %while3A_189 = %while3A_179) : (vector<16xi1>, i32) -> (vector<16xi1>, i32) {
            %reduce_or3A = arith.constant 1.000000e+00 : f32
            %reduce_or3A_190 = arith.constant 0.000000e+00 : f32
            %reduce_or3A_191 = vector.broadcast %reduce_or3A : f32 to vector<16xf32>
            %reduce_or3A_192 = vector.broadcast %reduce_or3A_190 : f32 to vector<16xf32>
            %reduce_or3A_193 = arith.select %while3A_188, %reduce_or3A_191, %reduce_or3A_192 : vector<16xi1>, vector<16xf32>
            %reduce_or3A_194 = arith.constant true
            %reduce_or3A_195 = vector.broadcast %reduce_or3A_194 : i1 to vector<16xi1>
            %reduce_or3A_196 = tpu.scan <max>, %reduce_or3A_193 masked %reduce_or3A_195 : vector<16xf32>, vector<16xi1> -> vector<16xf32>
            %reduce_or3A_197 = vector.extract %reduce_or3A_196[15] : f32 from vector<16xf32>
            %reduce_or3A_198 = arith.constant 0.000000e+00 : f32
            %reduce_or3A_199 = arith.cmpf ogt, %reduce_or3A_197, %reduce_or3A_198 : f32
            scf.condition(%reduce_or3A_199) %while3A_188, %while3A_189 : vector<16xi1>, i32
          } do {
          ^bb0(%while3A_188: vector<16xi1>, %while3A_189: i32):
            %all_reduce_ffs3A = tpu.all_reduce %while3A_188 {dim = 0 : i64, kind = #tpu.reduction_kind<find_first_set>} : vector<16xi1> -> vector<16xi32>
            %eq3A_190 = arith.cmpi eq, %iota3A, %all_reduce_ffs3A : vector<16xi32>
            %shift_right_logical3A_191 = arith.constant 14 : i32
            %shift_right_logical3A_192 = vector.broadcast %shift_right_logical3A_191 : i32 to vector<16xi32>
            %shift_right_logical3A_193 = arith.shrui %get3A_182, %shift_right_logical3A_192 : vector<16xi32>
            %and3A_194 = arith.constant 255 : i32
            %and3A_195 = vector.broadcast %and3A_194 : i32 to vector<16xi32>
            %and3A_196 = arith.andi %shift_right_logical3A_193, %and3A_195 : vector<16xi32>
            %jit3A_197 = arith.constant 0 : i32
            %broadcast_in_dim3A_198 = vector.broadcast %jit3A_197 : i32 to vector<16xi32>
            %select_n3A_199 = arith.select %eq3A_190, %and3A_196, %broadcast_in_dim3A_198 : vector<16xi1>, vector<16xi32>
            %reduce_sum3A = arith.constant true
            %reduce_sum3A_200 = vector.broadcast %reduce_sum3A : i1 to vector<16xi1>
            %reduce_sum3A_201 = tpu.scan <sum>, %select_n3A_199 masked %reduce_sum3A_200 : vector<16xi32>, vector<16xi1> -> vector<16xi32>
            %reduce_sum3A_202 = vector.extract %reduce_sum3A_201[15] : i32 from vector<16xi32>
            %and3A_203 = arith.constant 16383 : i32
            %and3A_204 = vector.broadcast %and3A_203 : i32 to vector<16xi32>
            %and3A_205 = arith.andi %get3A_182, %and3A_204 : vector<16xi32>
            %jit3A_206 = arith.constant 0 : i32
            %broadcast_in_dim3A_207 = vector.broadcast %jit3A_206 : i32 to vector<16xi32>
            %select_n3A_208 = arith.select %eq3A_190, %and3A_205, %broadcast_in_dim3A_207 : vector<16xi1>, vector<16xi32>
            %reduce_sum3A_209 = arith.constant true
            %reduce_sum3A_210 = vector.broadcast %reduce_sum3A_209 : i1 to vector<16xi1>
            %reduce_sum3A_211 = tpu.scan <sum>, %select_n3A_208 masked %reduce_sum3A_210 : vector<16xi32>, vector<16xi1> -> vector<16xi32>
            %reduce_sum3A_212 = vector.extract %reduce_sum3A_211[15] : i32 from vector<16xi32>
            %broadcast_in_dim3A_213 = arith.constant 0 : i32
            %broadcast_in_dim3A_214 = vector.broadcast %broadcast_in_dim3A_213 : i32 to vector<16xi32>
            %add3A_215 = vector.broadcast %reduce_sum3A_202 : i32 to vector<16xi32>
            %add3A_216 = arith.addi %broadcast_in_dim3A_214, %add3A_215 : vector<16xi32>
            %broadcast_in_dim3A_217 = arith.constant 0 : i32
            %broadcast_in_dim3A_218 = vector.broadcast %broadcast_in_dim3A_217 : i32 to vector<16xi32>
            %add3A_219 = vector.broadcast %while3A_189 : i32 to vector<16xi32>
            %add3A_220 = arith.addi %broadcast_in_dim3A_218, %add3A_219 : vector<16xi32>
            %add3A_221 = arith.constant 0 : i32
            %add3A_222 = vector.broadcast %add3A_221 : i32 to vector<16xi32>
            %add3A_223 = arith.addi %iota3A, %add3A_222 : vector<16xi32>
            %gather3A = tpu.vector_load_idx %arg12[%add3A_223, %add3A_216] : memref<64x256xf32, #tpu.memory_space<vmem>>[vector<16xi32>, vector<16xi32>], vector<16xf32>,
            %add3A_224 = arith.constant 0 : i32
            %add3A_225 = vector.broadcast %add3A_224 : i32 to vector<16xi32>
            %add3A_226 = arith.addi %iota3A, %add3A_225 : vector<16xi32>
            tpu.vector_store_idx %arg17[%add3A_220, %add3A_226], %gather3A : memref<112x128xf32, #tpu.memory_space<vmem>>[vector<16xi32>, vector<16xi32>], vector<16xf32>,
            %add3A_227 = arith.constant 16 : i32
            %add3A_228 = vector.broadcast %add3A_227 : i32 to vector<16xi32>
            %add3A_229 = arith.addi %iota3A, %add3A_228 : vector<16xi32>
            %gather3A_230 = tpu.vector_load_idx %arg12[%add3A_229, %add3A_216] : memref<64x256xf32, #tpu.memory_space<vmem>>[vector<16xi32>, vector<16xi32>], vector<16xf32>,
            %add3A_231 = arith.constant 16 : i32
            %add3A_232 = vector.broadcast %add3A_231 : i32 to vector<16xi32>
            %add3A_233 = arith.addi %iota3A, %add3A_232 : vector<16xi32>
            tpu.vector_store_idx %arg17[%add3A_220, %add3A_233], %gather3A_230 : memref<112x128xf32, #tpu.memory_space<vmem>>[vector<16xi32>, vector<16xi32>], vector<16xf32>,
            %add3A_234 = arith.constant 32 : i32
            %add3A_235 = vector.broadcast %add3A_234 : i32 to vector<16xi32>
            %add3A_236 = arith.addi %iota3A, %add3A_235 : vector<16xi32>
            %gather3A_237 = tpu.vector_load_idx %arg12[%add3A_236, %add3A_216] : memref<64x256xf32, #tpu.memory_space<vmem>>[vector<16xi32>, vector<16xi32>], vector<16xf32>,
            %add3A_238 = arith.constant 32 : i32
            %add3A_239 = vector.broadcast %add3A_238 : i32 to vector<16xi32>
            %add3A_240 = arith.addi %iota3A, %add3A_239 : vector<16xi32>
            tpu.vector_store_idx %arg17[%add3A_220, %add3A_240], %gather3A_237 : memref<112x128xf32, #tpu.memory_space<vmem>>[vector<16xi32>, vector<16xi32>], vector<16xf32>,
            %add3A_241 = arith.constant 48 : i32
            %add3A_242 = vector.broadcast %add3A_241 : i32 to vector<16xi32>
            %add3A_243 = arith.addi %iota3A, %add3A_242 : vector<16xi32>
            %gather3A_244 = tpu.vector_load_idx %arg12[%add3A_243, %add3A_216] : memref<64x256xf32, #tpu.memory_space<vmem>>[vector<16xi32>, vector<16xi32>], vector<16xf32>,
            %add3A_245 = arith.constant 48 : i32
            %add3A_246 = vector.broadcast %add3A_245 : i32 to vector<16xi32>
            %add3A_247 = arith.addi %iota3A, %add3A_246 : vector<16xi32>
            tpu.vector_store_idx %arg17[%add3A_220, %add3A_247], %gather3A_244 : memref<112x128xf32, #tpu.memory_space<vmem>>[vector<16xi32>, vector<16xi32>], vector<16xf32>,
            %add3A_248 = arith.constant 0 : i32
            %add3A_249 = vector.broadcast %add3A_248 : i32 to vector<16xi32>
            %add3A_250 = arith.addi %iota3A, %add3A_249 : vector<16xi32>
            %gather3A_251 = tpu.vector_load_idx %arg16[%add3A_250, %add3A_216] : memref<32x256xf32, #tpu.memory_space<vmem>>[vector<16xi32>, vector<16xi32>], vector<16xf32>,
            %add3A_252 = arith.constant 64 : i32
            %add3A_253 = vector.broadcast %add3A_252 : i32 to vector<16xi32>
            %add3A_254 = arith.addi %iota3A, %add3A_253 : vector<16xi32>
            tpu.vector_store_idx %arg17[%add3A_220, %add3A_254], %gather3A_251 : memref<112x128xf32, #tpu.memory_space<vmem>>[vector<16xi32>, vector<16xi32>], vector<16xf32>,
            %add3A_255 = arith.constant 16 : i32
            %add3A_256 = vector.broadcast %add3A_255 : i32 to vector<16xi32>
            %add3A_257 = arith.addi %iota3A, %add3A_256 : vector<16xi32>
            %gather3A_258 = tpu.vector_load_idx %arg16[%add3A_257, %add3A_216] : memref<32x256xf32, #tpu.memory_space<vmem>>[vector<16xi32>, vector<16xi32>], vector<16xf32>,
            %add3A_259 = arith.constant 80 : i32
            %add3A_260 = vector.broadcast %add3A_259 : i32 to vector<16xi32>
            %add3A_261 = arith.addi %iota3A, %add3A_260 : vector<16xi32>
            tpu.vector_store_idx %arg17[%add3A_220, %add3A_261], %gather3A_258 : memref<112x128xf32, #tpu.memory_space<vmem>>[vector<16xi32>, vector<16xi32>], vector<16xf32>,
            %broadcast_in_dim3A_262 = arith.constant 0 : i32
            %broadcast_in_dim3A_263 = vector.broadcast %broadcast_in_dim3A_262 : i32 to vector<16xi32>
            %add3A_264 = vector.broadcast %reduce_sum3A_212 : i32 to vector<16xi32>
            %add3A_265 = arith.addi %broadcast_in_dim3A_263, %add3A_264 : vector<16xi32>
            %eq3A_266 = arith.constant 0 : i32
            %eq3A_267 = vector.broadcast %eq3A_266 : i32 to vector<16xi32>
            %eq3A_268 = arith.cmpi eq, %iota3A, %eq3A_267 : vector<16xi32>
            tpu.vector_store_idx %arg18[%add3A_220], %add3A_265 masked %eq3A_268 : memref<112xi32, #tpu.memory_space<vmem>>[vector<16xi32>], vector<16xi32>, vector<16xi1>
            %add3A_269 = arith.constant 1 : i32
            %add3A_270 = arith.addi %while3A_189, %add3A_269 : i32
            %eq3A_271 = arith.constant 112 : i32
            %eq3A_272 = arith.cmpi eq, %add3A_270, %eq3A_271 : i32
            %convert_element_type3A_273 = arith.extui %eq3A_272 : i1 to i32
            %cond3A_274 = arith.constant 0 : i32
            %cond3A_275 = arith.cmpi ne, %convert_element_type3A_273, %cond3A_274 : i32
            scf.if %cond3A_275 {
              %dma_start3A_282 = arith.constant 0 : i32
              %dma_start3A_283 = arith.constant 0 : i32
              %dma_start3A_284 = tpu.memref_slice %arg7[%dma_start3A_282, %dma_start3A_283] : memref<16416x128xf32, #tpu.memory_space<hbm>> -> memref<16416x128xf32, #tpu.memory_space<hbm>>
              tpu.enqueue_indirect_dma source(%arg17 : memref<112x128xf32, #tpu.memory_space<vmem>>) target(%dma_start3A_284 : memref<16416x128xf32, #tpu.memory_space<hbm>>) offsets(%arg18 : memref<112xi32, #tpu.memory_space<vmem>>) semaphore(%arg23 : memref<!tpu.dma_semaphore, #tpu.memory_space<semaphore_mem>>)
              %dma_wait3A_285 = arith.constant 0 : i32
              %dma_wait3A_286 = arith.constant 0 : i32
              %dma_wait3A_287 = tpu.memref_slice %arg7[%dma_wait3A_285, %dma_wait3A_286] : memref<16416x128xf32, #tpu.memory_space<hbm>> -> memref<16416x128xf32, #tpu.memory_space<hbm>>
              tpu.wait_indirect_dma semaphore(%arg23 : memref<!tpu.dma_semaphore, #tpu.memory_space<semaphore_mem>>) src(%arg17 : memref<112x128xf32, #tpu.memory_space<vmem>>) dst(%dma_wait3A_287 : memref<16416x128xf32, #tpu.memory_space<hbm>>)
              %broadcast_in_dim3A_288 = vector.broadcast %add3A_28 : i32 to vector<16xi32>
              %swap3A_289 = arith.constant 0 : index
              %swap3A_290 = tpu.vector_load %arg18[%swap3A_289] {strides = array<i32>} : memref<112xi32, #tpu.memory_space<vmem>>, vector<16xi32>,
              tpu.vector_store %arg18[%swap3A_289], %broadcast_in_dim3A_288 {strides = array<i32>} : memref<112xi32, #tpu.memory_space<vmem>>, vector<16xi32>,
              %broadcast_in_dim3A_291 = vector.broadcast %add3A_28 : i32 to vector<16xi32>
              %swap3A_292 = arith.constant 16 : index
              %swap3A_293 = tpu.vector_load %arg18[%swap3A_292] {strides = array<i32>} : memref<112xi32, #tpu.memory_space<vmem>>, vector<16xi32>,
              tpu.vector_store %arg18[%swap3A_292], %broadcast_in_dim3A_291 {strides = array<i32>} : memref<112xi32, #tpu.memory_space<vmem>>, vector<16xi32>,
              %broadcast_in_dim3A_294 = vector.broadcast %add3A_28 : i32 to vector<16xi32>
              %swap3A_295 = arith.constant 32 : index
              %swap3A_296 = tpu.vector_load %arg18[%swap3A_295] {strides = array<i32>} : memref<112xi32, #tpu.memory_space<vmem>>, vector<16xi32>,
              tpu.vector_store %arg18[%swap3A_295], %broadcast_in_dim3A_294 {strides = array<i32>} : memref<112xi32, #tpu.memory_space<vmem>>, vector<16xi32>,
              %broadcast_in_dim3A_297 = vector.broadcast %add3A_28 : i32 to vector<16xi32>
              %swap3A_298 = arith.constant 48 : index
              %swap3A_299 = tpu.vector_load %arg18[%swap3A_298] {strides = array<i32>} : memref<112xi32, #tpu.memory_space<vmem>>, vector<16xi32>,
              tpu.vector_store %arg18[%swap3A_298], %broadcast_in_dim3A_297 {strides = array<i32>} : memref<112xi32, #tpu.memory_space<vmem>>, vector<16xi32>,
              %broadcast_in_dim3A_300 = vector.broadcast %add3A_28 : i32 to vector<16xi32>
              %swap3A_301 = arith.constant 64 : index
              %swap3A_302 = tpu.vector_load %arg18[%swap3A_301] {strides = array<i32>} : memref<112xi32, #tpu.memory_space<vmem>>, vector<16xi32>,
              tpu.vector_store %arg18[%swap3A_301], %broadcast_in_dim3A_300 {strides = array<i32>} : memref<112xi32, #tpu.memory_space<vmem>>, vector<16xi32>,
              %broadcast_in_dim3A_303 = vector.broadcast %add3A_28 : i32 to vector<16xi32>
              %swap3A_304 = arith.constant 80 : index
              %swap3A_305 = tpu.vector_load %arg18[%swap3A_304] {strides = array<i32>} : memref<112xi32, #tpu.memory_space<vmem>>, vector<16xi32>,
              tpu.vector_store %arg18[%swap3A_304], %broadcast_in_dim3A_303 {strides = array<i32>} : memref<112xi32, #tpu.memory_space<vmem>>, vector<16xi32>,
              %broadcast_in_dim3A_306 = vector.broadcast %add3A_28 : i32 to vector<16xi32>
              %swap3A_307 = arith.constant 96 : index
              %swap3A_308 = tpu.vector_load %arg18[%swap3A_307] {strides = array<i32>} : memref<112xi32, #tpu.memory_space<vmem>>, vector<16xi32>,
              tpu.vector_store %arg18[%swap3A_307], %broadcast_in_dim3A_306 {strides = array<i32>} : memref<112xi32, #tpu.memory_space<vmem>>, vector<16xi32>,
            } else {
            }
            %eq3A_276 = arith.constant 112 : i32
            %eq3A_277 = arith.cmpi eq, %add3A_270, %eq3A_276 : i32
            %jit3A_278 = arith.constant 0 : i32
            %select_n3A_279 = arith.select %eq3A_277, %jit3A_278, %add3A_270 : i32
            %not3A = arith.constant dense<true> : vector<16xi1>
            %not3A_280 = arith.xori %eq3A_190, %not3A : vector<16xi1>
            %and3A_281 = arith.andi %while3A_188, %not3A_280 : vector<16xi1>
            scf.yield %and3A_281, %select_n3A_279 : vector<16xi1>, i32
          }
          scf.yield %while3A_187#1 : i32
        }
        scf.yield %while3A_177 : i32
      } else {
        scf.yield %cond3A_140 : i32
      }
      scf.yield %cond3A_149 : i32
    }
    %scan3A_104 = arith.constant 31 : i32
    %convert_element_type3A_105 = arith.extui %eq3A_24 : i1 to i32
    %cond3A_106 = arith.constant 0 : i32
    %cond3A_107 = arith.cmpi ne, %convert_element_type3A_105, %cond3A_106 : i32
    %cond3A_108 = scf.if %cond3A_107 -> (i32) {
      "tpu.region"() ({
        %run_scoped3A = tpu.sem_alloc : memref<!tpu.dma_semaphore, #tpu.memory_space<semaphore_mem>>
        %dma_start3A_126 = arith.constant 0 : i32
        %dma_start3A_127 = arith.constant 0 : i32
        %dma_start3A_128 = tpu.memref_slice %arg9[%dma_start3A_126, %dma_start3A_127] : memref<64x256xf32, #tpu.memory_space<vmem>> -> memref<64x128xf32, #tpu.memory_space<vmem>>
        %dma_start3A_129 = arith.constant 0 : i32
        %dma_start3A_130 = arith.constant 0 : i32
        %dma_start3A_131 = tpu.memref_slice %arg9[%dma_start3A_129, %dma_start3A_130] : memref<64x256xf32, #tpu.memory_space<vmem>> -> memref<64x128xf32, #tpu.memory_space<vmem>>
        tpu.enqueue_dma source(%arg4 : memref<64x128xf32, #tpu.memory_space<hbm>>) target(%dma_start3A_131 : memref<64x128xf32, #tpu.memory_space<vmem>>) target_semaphore(%run_scoped3A : memref<!tpu.dma_semaphore, #tpu.memory_space<semaphore_mem>>)
        %dma_wait3A_132 = arith.constant 0 : i32
        %dma_wait3A_133 = arith.constant 0 : i32
        %dma_wait3A_134 = tpu.memref_slice %arg9[%dma_wait3A_132, %dma_wait3A_133] : memref<64x256xf32, #tpu.memory_space<vmem>> -> memref<64x128xf32, #tpu.memory_space<vmem>>
        %dma_wait3A_135 = arith.constant 0 : i32
        %dma_wait3A_136 = arith.constant 0 : i32
        %dma_wait3A_137 = tpu.memref_slice %arg9[%dma_wait3A_135, %dma_wait3A_136] : memref<64x256xf32, #tpu.memory_space<vmem>> -> memref<64x128xf32, #tpu.memory_space<vmem>>
        tpu.wait_dma2 semaphore(%run_scoped3A : memref<!tpu.dma_semaphore, #tpu.memory_space<semaphore_mem>>) src(%arg4 : memref<64x128xf32, #tpu.memory_space<hbm>>) dst(%dma_wait3A_137 : memref<64x128xf32, #tpu.memory_space<vmem>>)
        tpu.yield
      }) : () -> ()
      "tpu.region"() ({
        %run_scoped3A = tpu.sem_alloc : memref<!tpu.dma_semaphore, #tpu.memory_space<semaphore_mem>>
        %dma_start3A_126 = arith.constant 0 : i32
        %dma_start3A_127 = arith.constant 0 : i32
        %dma_start3A_128 = tpu.memref_slice %arg13[%dma_start3A_126, %dma_start3A_127] : memref<32x256xf32, #tpu.memory_space<vmem>> -> memref<32x128xf32, #tpu.memory_space<vmem>>
        %dma_start3A_129 = arith.constant 0 : i32
        %dma_start3A_130 = arith.constant 0 : i32
        %dma_start3A_131 = tpu.memref_slice %arg13[%dma_start3A_129, %dma_start3A_130] : memref<32x256xf32, #tpu.memory_space<vmem>> -> memref<32x128xf32, #tpu.memory_space<vmem>>
        tpu.enqueue_dma source(%arg5 : memref<32x128xf32, #tpu.memory_space<hbm>>) target(%dma_start3A_131 : memref<32x128xf32, #tpu.memory_space<vmem>>) target_semaphore(%run_scoped3A : memref<!tpu.dma_semaphore, #tpu.memory_space<semaphore_mem>>)
        %dma_wait3A_132 = arith.constant 0 : i32
        %dma_wait3A_133 = arith.constant 0 : i32
        %dma_wait3A_134 = tpu.memref_slice %arg13[%dma_wait3A_132, %dma_wait3A_133] : memref<32x256xf32, #tpu.memory_space<vmem>> -> memref<32x128xf32, #tpu.memory_space<vmem>>
        %dma_wait3A_135 = arith.constant 0 : i32
        %dma_wait3A_136 = arith.constant 0 : i32
        %dma_wait3A_137 = tpu.memref_slice %arg13[%dma_wait3A_135, %dma_wait3A_136] : memref<32x256xf32, #tpu.memory_space<vmem>> -> memref<32x128xf32, #tpu.memory_space<vmem>>
        tpu.wait_dma2 semaphore(%run_scoped3A : memref<!tpu.dma_semaphore, #tpu.memory_space<semaphore_mem>>) src(%arg5 : memref<32x128xf32, #tpu.memory_space<hbm>>) dst(%dma_wait3A_137 : memref<32x128xf32, #tpu.memory_space<vmem>>)
        tpu.yield
      }) : () -> ()
      %sub3A_113 = arith.constant 7812 : i32
      %sub3A_114 = arith.subi %sub3A_113, %mul3A_2 : i32
      %shift_right_arithmetic3A = arith.constant 1 : i32
      %shift_right_arithmetic3A_115 = arith.shrsi %sub3A_114, %shift_right_arithmetic3A : i32
      %while3A = arith.constant 0 : i32
      %while3A_116 = arith.subi %select_n3A_65, %while3A : i32
      %while3A_117 = arith.addi %while3A, %while3A_116 : i32
      %while3A_118 = arith.constant 1 : i32
      %while3A_119 = arith.divsi %while3A_116, %while3A_118 : i32
      %while3A_120 = arith.muli %while3A_119, %while3A_118 : i32
      %while3A_121 = arith.addi %while3A, %while3A_120 : i32
      %while3A_122 = arith.constant 1 : i32
      %while3A_123 = scf.for %while3A_126 = %while3A to %while3A_121 step %while3A_122 iter_args(%while3A_127 = %scan3A_103) -> (i32)  : i32 {
        %mul3A_128 = arith.constant 16 : i32
        %mul3A_129 = arith.muli %while3A_126, %mul3A_128 : i32
        %multiple_of3A = tpu.assume_multiple %mul3A_129, 16 : i32
        %get3A = arith.index_cast %multiple_of3A : i32 to index
        %get3A_130 = tpu.vector_load %arg8[%get3A] {strides = array<i32>} : memref<16400xi32, #tpu.memory_space<vmem>>, vector<16xi32>,
        %shift_right_logical3A = arith.constant 22 : i32
        %shift_right_logical3A_131 = vector.broadcast %shift_right_logical3A : i32 to vector<16xi32>
        %shift_right_logical3A_132 = arith.shrui %get3A_130, %shift_right_logical3A_131 : vector<16xi32>
        %eq3A_133 = vector.broadcast %shift_right_arithmetic3A_115 : i32 to vector<16xi32>
        %eq3A_134 = arith.cmpi eq, %shift_right_logical3A_132, %eq3A_133 : vector<16xi32>
        %while3A_135:2 = scf.while (%while3A_136 = %eq3A_134, %while3A_137 = %while3A_127) : (vector<16xi1>, i32) -> (vector<16xi1>, i32) {
          %reduce_or3A = arith.constant 1.000000e+00 : f32
          %reduce_or3A_138 = arith.constant 0.000000e+00 : f32
          %reduce_or3A_139 = vector.broadcast %reduce_or3A : f32 to vector<16xf32>
          %reduce_or3A_140 = vector.broadcast %reduce_or3A_138 : f32 to vector<16xf32>
          %reduce_or3A_141 = arith.select %while3A_136, %reduce_or3A_139, %reduce_or3A_140 : vector<16xi1>, vector<16xf32>
          %reduce_or3A_142 = arith.constant true
          %reduce_or3A_143 = vector.broadcast %reduce_or3A_142 : i1 to vector<16xi1>
          %reduce_or3A_144 = tpu.scan <max>, %reduce_or3A_141 masked %reduce_or3A_143 : vector<16xf32>, vector<16xi1> -> vector<16xf32>
          %reduce_or3A_145 = vector.extract %reduce_or3A_144[15] : f32 from vector<16xf32>
          %reduce_or3A_146 = arith.constant 0.000000e+00 : f32
          %reduce_or3A_147 = arith.cmpf ogt, %reduce_or3A_145, %reduce_or3A_146 : f32
          scf.condition(%reduce_or3A_147) %while3A_136, %while3A_137 : vector<16xi1>, i32
        } do {
        ^bb0(%while3A_136: vector<16xi1>, %while3A_137: i32):
          %all_reduce_ffs3A = tpu.all_reduce %while3A_136 {dim = 0 : i64, kind = #tpu.reduction_kind<find_first_set>} : vector<16xi1> -> vector<16xi32>
          %eq3A_138 = arith.cmpi eq, %iota3A, %all_reduce_ffs3A : vector<16xi32>
          %shift_right_logical3A_139 = arith.constant 14 : i32
          %shift_right_logical3A_140 = vector.broadcast %shift_right_logical3A_139 : i32 to vector<16xi32>
          %shift_right_logical3A_141 = arith.shrui %get3A_130, %shift_right_logical3A_140 : vector<16xi32>
          %and3A_142 = arith.constant 255 : i32
          %and3A_143 = vector.broadcast %and3A_142 : i32 to vector<16xi32>
          %and3A_144 = arith.andi %shift_right_logical3A_141, %and3A_143 : vector<16xi32>
          %jit3A_145 = arith.constant 0 : i32
          %broadcast_in_dim3A_146 = vector.broadcast %jit3A_145 : i32 to vector<16xi32>
          %select_n3A_147 = arith.select %eq3A_138, %and3A_144, %broadcast_in_dim3A_146 : vector<16xi1>, vector<16xi32>
          %reduce_sum3A = arith.constant true
          %reduce_sum3A_148 = vector.broadcast %reduce_sum3A : i1 to vector<16xi1>
          %reduce_sum3A_149 = tpu.scan <sum>, %select_n3A_147 masked %reduce_sum3A_148 : vector<16xi32>, vector<16xi1> -> vector<16xi32>
          %reduce_sum3A_150 = vector.extract %reduce_sum3A_149[15] : i32 from vector<16xi32>
          %and3A_151 = arith.constant 16383 : i32
          %and3A_152 = vector.broadcast %and3A_151 : i32 to vector<16xi32>
          %and3A_153 = arith.andi %get3A_130, %and3A_152 : vector<16xi32>
          %jit3A_154 = arith.constant 0 : i32
          %broadcast_in_dim3A_155 = vector.broadcast %jit3A_154 : i32 to vector<16xi32>
          %select_n3A_156 = arith.select %eq3A_138, %and3A_153, %broadcast_in_dim3A_155 : vector<16xi1>, vector<16xi32>
          %reduce_sum3A_157 = arith.constant true
          %reduce_sum3A_158 = vector.broadcast %reduce_sum3A_157 : i1 to vector<16xi1>
          %reduce_sum3A_159 = tpu.scan <sum>, %select_n3A_156 masked %reduce_sum3A_158 : vector<16xi32>, vector<16xi1> -> vector<16xi32>
          %reduce_sum3A_160 = vector.extract %reduce_sum3A_159[15] : i32 from vector<16xi32>
          %broadcast_in_dim3A_161 = arith.constant 0 : i32
          %broadcast_in_dim3A_162 = vector.broadcast %broadcast_in_dim3A_161 : i32 to vector<16xi32>
          %add3A_163 = vector.broadcast %reduce_sum3A_150 : i32 to vector<16xi32>
          %add3A_164 = arith.addi %broadcast_in_dim3A_162, %add3A_163 : vector<16xi32>
          %broadcast_in_dim3A_165 = arith.constant 0 : i32
          %broadcast_in_dim3A_166 = vector.broadcast %broadcast_in_dim3A_165 : i32 to vector<16xi32>
          %add3A_167 = vector.broadcast %while3A_137 : i32 to vector<16xi32>
          %add3A_168 = arith.addi %broadcast_in_dim3A_166, %add3A_167 : vector<16xi32>
          %add3A_169 = arith.constant 0 : i32
          %add3A_170 = vector.broadcast %add3A_169 : i32 to vector<16xi32>
          %add3A_171 = arith.addi %iota3A, %add3A_170 : vector<16xi32>
          %gather3A = tpu.vector_load_idx %arg9[%add3A_171, %add3A_164] : memref<64x256xf32, #tpu.memory_space<vmem>>[vector<16xi32>, vector<16xi32>], vector<16xf32>,
          %add3A_172 = arith.constant 0 : i32
          %add3A_173 = vector.broadcast %add3A_172 : i32 to vector<16xi32>
          %add3A_174 = arith.addi %iota3A, %add3A_173 : vector<16xi32>
          tpu.vector_store_idx %arg17[%add3A_168, %add3A_174], %gather3A : memref<112x128xf32, #tpu.memory_space<vmem>>[vector<16xi32>, vector<16xi32>], vector<16xf32>,
          %add3A_175 = arith.constant 16 : i32
          %add3A_176 = vector.broadcast %add3A_175 : i32 to vector<16xi32>
          %add3A_177 = arith.addi %iota3A, %add3A_176 : vector<16xi32>
          %gather3A_178 = tpu.vector_load_idx %arg9[%add3A_177, %add3A_164] : memref<64x256xf32, #tpu.memory_space<vmem>>[vector<16xi32>, vector<16xi32>], vector<16xf32>,
          %add3A_179 = arith.constant 16 : i32
          %add3A_180 = vector.broadcast %add3A_179 : i32 to vector<16xi32>
          %add3A_181 = arith.addi %iota3A, %add3A_180 : vector<16xi32>
          tpu.vector_store_idx %arg17[%add3A_168, %add3A_181], %gather3A_178 : memref<112x128xf32, #tpu.memory_space<vmem>>[vector<16xi32>, vector<16xi32>], vector<16xf32>,
          %add3A_182 = arith.constant 32 : i32
          %add3A_183 = vector.broadcast %add3A_182 : i32 to vector<16xi32>
          %add3A_184 = arith.addi %iota3A, %add3A_183 : vector<16xi32>
          %gather3A_185 = tpu.vector_load_idx %arg9[%add3A_184, %add3A_164] : memref<64x256xf32, #tpu.memory_space<vmem>>[vector<16xi32>, vector<16xi32>], vector<16xf32>,
          %add3A_186 = arith.constant 32 : i32
          %add3A_187 = vector.broadcast %add3A_186 : i32 to vector<16xi32>
          %add3A_188 = arith.addi %iota3A, %add3A_187 : vector<16xi32>
          tpu.vector_store_idx %arg17[%add3A_168, %add3A_188], %gather3A_185 : memref<112x128xf32, #tpu.memory_space<vmem>>[vector<16xi32>, vector<16xi32>], vector<16xf32>,
          %add3A_189 = arith.constant 48 : i32
          %add3A_190 = vector.broadcast %add3A_189 : i32 to vector<16xi32>
          %add3A_191 = arith.addi %iota3A, %add3A_190 : vector<16xi32>
          %gather3A_192 = tpu.vector_load_idx %arg9[%add3A_191, %add3A_164] : memref<64x256xf32, #tpu.memory_space<vmem>>[vector<16xi32>, vector<16xi32>], vector<16xf32>,
          %add3A_193 = arith.constant 48 : i32
          %add3A_194 = vector.broadcast %add3A_193 : i32 to vector<16xi32>
          %add3A_195 = arith.addi %iota3A, %add3A_194 : vector<16xi32>
          tpu.vector_store_idx %arg17[%add3A_168, %add3A_195], %gather3A_192 : memref<112x128xf32, #tpu.memory_space<vmem>>[vector<16xi32>, vector<16xi32>], vector<16xf32>,
          %add3A_196 = arith.constant 0 : i32
          %add3A_197 = vector.broadcast %add3A_196 : i32 to vector<16xi32>
          %add3A_198 = arith.addi %iota3A, %add3A_197 : vector<16xi32>
          %gather3A_199 = tpu.vector_load_idx %arg13[%add3A_198, %add3A_164] : memref<32x256xf32, #tpu.memory_space<vmem>>[vector<16xi32>, vector<16xi32>], vector<16xf32>,
          %add3A_200 = arith.constant 64 : i32
          %add3A_201 = vector.broadcast %add3A_200 : i32 to vector<16xi32>
          %add3A_202 = arith.addi %iota3A, %add3A_201 : vector<16xi32>
          tpu.vector_store_idx %arg17[%add3A_168, %add3A_202], %gather3A_199 : memref<112x128xf32, #tpu.memory_space<vmem>>[vector<16xi32>, vector<16xi32>], vector<16xf32>,
          %add3A_203 = arith.constant 16 : i32
          %add3A_204 = vector.broadcast %add3A_203 : i32 to vector<16xi32>
          %add3A_205 = arith.addi %iota3A, %add3A_204 : vector<16xi32>
          %gather3A_206 = tpu.vector_load_idx %arg13[%add3A_205, %add3A_164] : memref<32x256xf32, #tpu.memory_space<vmem>>[vector<16xi32>, vector<16xi32>], vector<16xf32>,
          %add3A_207 = arith.constant 80 : i32
          %add3A_208 = vector.broadcast %add3A_207 : i32 to vector<16xi32>
          %add3A_209 = arith.addi %iota3A, %add3A_208 : vector<16xi32>
          tpu.vector_store_idx %arg17[%add3A_168, %add3A_209], %gather3A_206 : memref<112x128xf32, #tpu.memory_space<vmem>>[vector<16xi32>, vector<16xi32>], vector<16xf32>,
          %broadcast_in_dim3A_210 = arith.constant 0 : i32
          %broadcast_in_dim3A_211 = vector.broadcast %broadcast_in_dim3A_210 : i32 to vector<16xi32>
          %add3A_212 = vector.broadcast %reduce_sum3A_160 : i32 to vector<16xi32>
          %add3A_213 = arith.addi %broadcast_in_dim3A_211, %add3A_212 : vector<16xi32>
          %eq3A_214 = arith.constant 0 : i32
          %eq3A_215 = vector.broadcast %eq3A_214 : i32 to vector<16xi32>
          %eq3A_216 = arith.cmpi eq, %iota3A, %eq3A_215 : vector<16xi32>
          tpu.vector_store_idx %arg18[%add3A_168], %add3A_213 masked %eq3A_216 : memref<112xi32, #tpu.memory_space<vmem>>[vector<16xi32>], vector<16xi32>, vector<16xi1>
          %add3A_217 = arith.constant 1 : i32
          %add3A_218 = arith.addi %while3A_137, %add3A_217 : i32
          %eq3A_219 = arith.constant 112 : i32
          %eq3A_220 = arith.cmpi eq, %add3A_218, %eq3A_219 : i32
          %convert_element_type3A_221 = arith.extui %eq3A_220 : i1 to i32
          %cond3A_222 = arith.constant 0 : i32
          %cond3A_223 = arith.cmpi ne, %convert_element_type3A_221, %cond3A_222 : i32
          scf.if %cond3A_223 {
            %dma_start3A_230 = arith.constant 0 : i32
            %dma_start3A_231 = arith.constant 0 : i32
            %dma_start3A_232 = tpu.memref_slice %arg7[%dma_start3A_230, %dma_start3A_231] : memref<16416x128xf32, #tpu.memory_space<hbm>> -> memref<16416x128xf32, #tpu.memory_space<hbm>>
            tpu.enqueue_indirect_dma source(%arg17 : memref<112x128xf32, #tpu.memory_space<vmem>>) target(%dma_start3A_232 : memref<16416x128xf32, #tpu.memory_space<hbm>>) offsets(%arg18 : memref<112xi32, #tpu.memory_space<vmem>>) semaphore(%arg23 : memref<!tpu.dma_semaphore, #tpu.memory_space<semaphore_mem>>)
            %dma_wait3A_233 = arith.constant 0 : i32
            %dma_wait3A_234 = arith.constant 0 : i32
            %dma_wait3A_235 = tpu.memref_slice %arg7[%dma_wait3A_233, %dma_wait3A_234] : memref<16416x128xf32, #tpu.memory_space<hbm>> -> memref<16416x128xf32, #tpu.memory_space<hbm>>
            tpu.wait_indirect_dma semaphore(%arg23 : memref<!tpu.dma_semaphore, #tpu.memory_space<semaphore_mem>>) src(%arg17 : memref<112x128xf32, #tpu.memory_space<vmem>>) dst(%dma_wait3A_235 : memref<16416x128xf32, #tpu.memory_space<hbm>>)
            %broadcast_in_dim3A_236 = vector.broadcast %add3A_28 : i32 to vector<16xi32>
            %swap3A_237 = arith.constant 0 : index
            %swap3A_238 = tpu.vector_load %arg18[%swap3A_237] {strides = array<i32>} : memref<112xi32, #tpu.memory_space<vmem>>, vector<16xi32>,
            tpu.vector_store %arg18[%swap3A_237], %broadcast_in_dim3A_236 {strides = array<i32>} : memref<112xi32, #tpu.memory_space<vmem>>, vector<16xi32>,
            %broadcast_in_dim3A_239 = vector.broadcast %add3A_28 : i32 to vector<16xi32>
            %swap3A_240 = arith.constant 16 : index
            %swap3A_241 = tpu.vector_load %arg18[%swap3A_240] {strides = array<i32>} : memref<112xi32, #tpu.memory_space<vmem>>, vector<16xi32>,
            tpu.vector_store %arg18[%swap3A_240], %broadcast_in_dim3A_239 {strides = array<i32>} : memref<112xi32, #tpu.memory_space<vmem>>, vector<16xi32>,
            %broadcast_in_dim3A_242 = vector.broadcast %add3A_28 : i32 to vector<16xi32>
            %swap3A_243 = arith.constant 32 : index
            %swap3A_244 = tpu.vector_load %arg18[%swap3A_243] {strides = array<i32>} : memref<112xi32, #tpu.memory_space<vmem>>, vector<16xi32>,
            tpu.vector_store %arg18[%swap3A_243], %broadcast_in_dim3A_242 {strides = array<i32>} : memref<112xi32, #tpu.memory_space<vmem>>, vector<16xi32>,
            %broadcast_in_dim3A_245 = vector.broadcast %add3A_28 : i32 to vector<16xi32>
            %swap3A_246 = arith.constant 48 : index
            %swap3A_247 = tpu.vector_load %arg18[%swap3A_246] {strides = array<i32>} : memref<112xi32, #tpu.memory_space<vmem>>, vector<16xi32>,
            tpu.vector_store %arg18[%swap3A_246], %broadcast_in_dim3A_245 {strides = array<i32>} : memref<112xi32, #tpu.memory_space<vmem>>, vector<16xi32>,
            %broadcast_in_dim3A_248 = vector.broadcast %add3A_28 : i32 to vector<16xi32>
            %swap3A_249 = arith.constant 64 : index
            %swap3A_250 = tpu.vector_load %arg18[%swap3A_249] {strides = array<i32>} : memref<112xi32, #tpu.memory_space<vmem>>, vector<16xi32>,
            tpu.vector_store %arg18[%swap3A_249], %broadcast_in_dim3A_248 {strides = array<i32>} : memref<112xi32, #tpu.memory_space<vmem>>, vector<16xi32>,
            %broadcast_in_dim3A_251 = vector.broadcast %add3A_28 : i32 to vector<16xi32>
            %swap3A_252 = arith.constant 80 : index
            %swap3A_253 = tpu.vector_load %arg18[%swap3A_252] {strides = array<i32>} : memref<112xi32, #tpu.memory_space<vmem>>, vector<16xi32>,
            tpu.vector_store %arg18[%swap3A_252], %broadcast_in_dim3A_251 {strides = array<i32>} : memref<112xi32, #tpu.memory_space<vmem>>, vector<16xi32>,
            %broadcast_in_dim3A_254 = vector.broadcast %add3A_28 : i32 to vector<16xi32>
            %swap3A_255 = arith.constant 96 : index
            %swap3A_256 = tpu.vector_load %arg18[%swap3A_255] {strides = array<i32>} : memref<112xi32, #tpu.memory_space<vmem>>, vector<16xi32>,
            tpu.vector_store %arg18[%swap3A_255], %broadcast_in_dim3A_254 {strides = array<i32>} : memref<112xi32, #tpu.memory_space<vmem>>, vector<16xi32>,
          } else {
          }
          %eq3A_224 = arith.constant 112 : i32
          %eq3A_225 = arith.cmpi eq, %add3A_218, %eq3A_224 : i32
          %jit3A_226 = arith.constant 0 : i32
          %select_n3A_227 = arith.select %eq3A_225, %jit3A_226, %add3A_218 : i32
          %not3A = arith.constant dense<true> : vector<16xi1>
          %not3A_228 = arith.xori %eq3A_138, %not3A : vector<16xi1>
          %and3A_229 = arith.andi %while3A_136, %not3A_228 : vector<16xi1>
          scf.yield %and3A_229, %select_n3A_227 : vector<16xi1>, i32
        }
        scf.yield %while3A_135#1 : i32
      }
      %while3A_124 = arith.constant 1 : i32
      %while3A_125 = scf.for %while3A_126 = %while3A_121 to %while3A_117 step %while3A_124 iter_args(%while3A_127 = %while3A_123) -> (i32)  : i32 {
        %mul3A_128 = arith.constant 16 : i32
        %mul3A_129 = arith.muli %while3A_126, %mul3A_128 : i32
        %multiple_of3A = tpu.assume_multiple %mul3A_129, 16 : i32
        %get3A = arith.index_cast %multiple_of3A : i32 to index
        %get3A_130 = tpu.vector_load %arg8[%get3A] {strides = array<i32>} : memref<16400xi32, #tpu.memory_space<vmem>>, vector<16xi32>,
        %shift_right_logical3A = arith.constant 22 : i32
        %shift_right_logical3A_131 = vector.broadcast %shift_right_logical3A : i32 to vector<16xi32>
        %shift_right_logical3A_132 = arith.shrui %get3A_130, %shift_right_logical3A_131 : vector<16xi32>
        %eq3A_133 = vector.broadcast %shift_right_arithmetic3A_115 : i32 to vector<16xi32>
        %eq3A_134 = arith.cmpi eq, %shift_right_logical3A_132, %eq3A_133 : vector<16xi32>
        %while3A_135:2 = scf.while (%while3A_136 = %eq3A_134, %while3A_137 = %while3A_127) : (vector<16xi1>, i32) -> (vector<16xi1>, i32) {
          %reduce_or3A = arith.constant 1.000000e+00 : f32
          %reduce_or3A_138 = arith.constant 0.000000e+00 : f32
          %reduce_or3A_139 = vector.broadcast %reduce_or3A : f32 to vector<16xf32>
          %reduce_or3A_140 = vector.broadcast %reduce_or3A_138 : f32 to vector<16xf32>
          %reduce_or3A_141 = arith.select %while3A_136, %reduce_or3A_139, %reduce_or3A_140 : vector<16xi1>, vector<16xf32>
          %reduce_or3A_142 = arith.constant true
          %reduce_or3A_143 = vector.broadcast %reduce_or3A_142 : i1 to vector<16xi1>
          %reduce_or3A_144 = tpu.scan <max>, %reduce_or3A_141 masked %reduce_or3A_143 : vector<16xf32>, vector<16xi1> -> vector<16xf32>
          %reduce_or3A_145 = vector.extract %reduce_or3A_144[15] : f32 from vector<16xf32>
          %reduce_or3A_146 = arith.constant 0.000000e+00 : f32
          %reduce_or3A_147 = arith.cmpf ogt, %reduce_or3A_145, %reduce_or3A_146 : f32
          scf.condition(%reduce_or3A_147) %while3A_136, %while3A_137 : vector<16xi1>, i32
        } do {
        ^bb0(%while3A_136: vector<16xi1>, %while3A_137: i32):
          %all_reduce_ffs3A = tpu.all_reduce %while3A_136 {dim = 0 : i64, kind = #tpu.reduction_kind<find_first_set>} : vector<16xi1> -> vector<16xi32>
          %eq3A_138 = arith.cmpi eq, %iota3A, %all_reduce_ffs3A : vector<16xi32>
          %shift_right_logical3A_139 = arith.constant 14 : i32
          %shift_right_logical3A_140 = vector.broadcast %shift_right_logical3A_139 : i32 to vector<16xi32>
          %shift_right_logical3A_141 = arith.shrui %get3A_130, %shift_right_logical3A_140 : vector<16xi32>
          %and3A_142 = arith.constant 255 : i32
          %and3A_143 = vector.broadcast %and3A_142 : i32 to vector<16xi32>
          %and3A_144 = arith.andi %shift_right_logical3A_141, %and3A_143 : vector<16xi32>
          %jit3A_145 = arith.constant 0 : i32
          %broadcast_in_dim3A_146 = vector.broadcast %jit3A_145 : i32 to vector<16xi32>
          %select_n3A_147 = arith.select %eq3A_138, %and3A_144, %broadcast_in_dim3A_146 : vector<16xi1>, vector<16xi32>
          %reduce_sum3A = arith.constant true
          %reduce_sum3A_148 = vector.broadcast %reduce_sum3A : i1 to vector<16xi1>
          %reduce_sum3A_149 = tpu.scan <sum>, %select_n3A_147 masked %reduce_sum3A_148 : vector<16xi32>, vector<16xi1> -> vector<16xi32>
          %reduce_sum3A_150 = vector.extract %reduce_sum3A_149[15] : i32 from vector<16xi32>
          %and3A_151 = arith.constant 16383 : i32
          %and3A_152 = vector.broadcast %and3A_151 : i32 to vector<16xi32>
          %and3A_153 = arith.andi %get3A_130, %and3A_152 : vector<16xi32>
          %jit3A_154 = arith.constant 0 : i32
          %broadcast_in_dim3A_155 = vector.broadcast %jit3A_154 : i32 to vector<16xi32>
          %select_n3A_156 = arith.select %eq3A_138, %and3A_153, %broadcast_in_dim3A_155 : vector<16xi1>, vector<16xi32>
          %reduce_sum3A_157 = arith.constant true
          %reduce_sum3A_158 = vector.broadcast %reduce_sum3A_157 : i1 to vector<16xi1>
          %reduce_sum3A_159 = tpu.scan <sum>, %select_n3A_156 masked %reduce_sum3A_158 : vector<16xi32>, vector<16xi1> -> vector<16xi32>
          %reduce_sum3A_160 = vector.extract %reduce_sum3A_159[15] : i32 from vector<16xi32>
          %broadcast_in_dim3A_161 = arith.constant 0 : i32
          %broadcast_in_dim3A_162 = vector.broadcast %broadcast_in_dim3A_161 : i32 to vector<16xi32>
          %add3A_163 = vector.broadcast %reduce_sum3A_150 : i32 to vector<16xi32>
          %add3A_164 = arith.addi %broadcast_in_dim3A_162, %add3A_163 : vector<16xi32>
          %broadcast_in_dim3A_165 = arith.constant 0 : i32
          %broadcast_in_dim3A_166 = vector.broadcast %broadcast_in_dim3A_165 : i32 to vector<16xi32>
          %add3A_167 = vector.broadcast %while3A_137 : i32 to vector<16xi32>
          %add3A_168 = arith.addi %broadcast_in_dim3A_166, %add3A_167 : vector<16xi32>
          %add3A_169 = arith.constant 0 : i32
          %add3A_170 = vector.broadcast %add3A_169 : i32 to vector<16xi32>
          %add3A_171 = arith.addi %iota3A, %add3A_170 : vector<16xi32>
          %gather3A = tpu.vector_load_idx %arg9[%add3A_171, %add3A_164] : memref<64x256xf32, #tpu.memory_space<vmem>>[vector<16xi32>, vector<16xi32>], vector<16xf32>,
          %add3A_172 = arith.constant 0 : i32
          %add3A_173 = vector.broadcast %add3A_172 : i32 to vector<16xi32>
          %add3A_174 = arith.addi %iota3A, %add3A_173 : vector<16xi32>
          tpu.vector_store_idx %arg17[%add3A_168, %add3A_174], %gather3A : memref<112x128xf32, #tpu.memory_space<vmem>>[vector<16xi32>, vector<16xi32>], vector<16xf32>,
          %add3A_175 = arith.constant 16 : i32
          %add3A_176 = vector.broadcast %add3A_175 : i32 to vector<16xi32>
          %add3A_177 = arith.addi %iota3A, %add3A_176 : vector<16xi32>
          %gather3A_178 = tpu.vector_load_idx %arg9[%add3A_177, %add3A_164] : memref<64x256xf32, #tpu.memory_space<vmem>>[vector<16xi32>, vector<16xi32>], vector<16xf32>,
          %add3A_179 = arith.constant 16 : i32
          %add3A_180 = vector.broadcast %add3A_179 : i32 to vector<16xi32>
          %add3A_181 = arith.addi %iota3A, %add3A_180 : vector<16xi32>
          tpu.vector_store_idx %arg17[%add3A_168, %add3A_181], %gather3A_178 : memref<112x128xf32, #tpu.memory_space<vmem>>[vector<16xi32>, vector<16xi32>], vector<16xf32>,
          %add3A_182 = arith.constant 32 : i32
          %add3A_183 = vector.broadcast %add3A_182 : i32 to vector<16xi32>
          %add3A_184 = arith.addi %iota3A, %add3A_183 : vector<16xi32>
          %gather3A_185 = tpu.vector_load_idx %arg9[%add3A_184, %add3A_164] : memref<64x256xf32, #tpu.memory_space<vmem>>[vector<16xi32>, vector<16xi32>], vector<16xf32>,
          %add3A_186 = arith.constant 32 : i32
          %add3A_187 = vector.broadcast %add3A_186 : i32 to vector<16xi32>
          %add3A_188 = arith.addi %iota3A, %add3A_187 : vector<16xi32>
          tpu.vector_store_idx %arg17[%add3A_168, %add3A_188], %gather3A_185 : memref<112x128xf32, #tpu.memory_space<vmem>>[vector<16xi32>, vector<16xi32>], vector<16xf32>,
          %add3A_189 = arith.constant 48 : i32
          %add3A_190 = vector.broadcast %add3A_189 : i32 to vector<16xi32>
          %add3A_191 = arith.addi %iota3A, %add3A_190 : vector<16xi32>
          %gather3A_192 = tpu.vector_load_idx %arg9[%add3A_191, %add3A_164] : memref<64x256xf32, #tpu.memory_space<vmem>>[vector<16xi32>, vector<16xi32>], vector<16xf32>,
          %add3A_193 = arith.constant 48 : i32
          %add3A_194 = vector.broadcast %add3A_193 : i32 to vector<16xi32>
          %add3A_195 = arith.addi %iota3A, %add3A_194 : vector<16xi32>
          tpu.vector_store_idx %arg17[%add3A_168, %add3A_195], %gather3A_192 : memref<112x128xf32, #tpu.memory_space<vmem>>[vector<16xi32>, vector<16xi32>], vector<16xf32>,
          %add3A_196 = arith.constant 0 : i32
          %add3A_197 = vector.broadcast %add3A_196 : i32 to vector<16xi32>
          %add3A_198 = arith.addi %iota3A, %add3A_197 : vector<16xi32>
          %gather3A_199 = tpu.vector_load_idx %arg13[%add3A_198, %add3A_164] : memref<32x256xf32, #tpu.memory_space<vmem>>[vector<16xi32>, vector<16xi32>], vector<16xf32>,
          %add3A_200 = arith.constant 64 : i32
          %add3A_201 = vector.broadcast %add3A_200 : i32 to vector<16xi32>
          %add3A_202 = arith.addi %iota3A, %add3A_201 : vector<16xi32>
          tpu.vector_store_idx %arg17[%add3A_168, %add3A_202], %gather3A_199 : memref<112x128xf32, #tpu.memory_space<vmem>>[vector<16xi32>, vector<16xi32>], vector<16xf32>,
          %add3A_203 = arith.constant 16 : i32
          %add3A_204 = vector.broadcast %add3A_203 : i32 to vector<16xi32>
          %add3A_205 = arith.addi %iota3A, %add3A_204 : vector<16xi32>
          %gather3A_206 = tpu.vector_load_idx %arg13[%add3A_205, %add3A_164] : memref<32x256xf32, #tpu.memory_space<vmem>>[vector<16xi32>, vector<16xi32>], vector<16xf32>,
          %add3A_207 = arith.constant 80 : i32
          %add3A_208 = vector.broadcast %add3A_207 : i32 to vector<16xi32>
          %add3A_209 = arith.addi %iota3A, %add3A_208 : vector<16xi32>
          tpu.vector_store_idx %arg17[%add3A_168, %add3A_209], %gather3A_206 : memref<112x128xf32, #tpu.memory_space<vmem>>[vector<16xi32>, vector<16xi32>], vector<16xf32>,
          %broadcast_in_dim3A_210 = arith.constant 0 : i32
          %broadcast_in_dim3A_211 = vector.broadcast %broadcast_in_dim3A_210 : i32 to vector<16xi32>
          %add3A_212 = vector.broadcast %reduce_sum3A_160 : i32 to vector<16xi32>
          %add3A_213 = arith.addi %broadcast_in_dim3A_211, %add3A_212 : vector<16xi32>
          %eq3A_214 = arith.constant 0 : i32
          %eq3A_215 = vector.broadcast %eq3A_214 : i32 to vector<16xi32>
          %eq3A_216 = arith.cmpi eq, %iota3A, %eq3A_215 : vector<16xi32>
          tpu.vector_store_idx %arg18[%add3A_168], %add3A_213 masked %eq3A_216 : memref<112xi32, #tpu.memory_space<vmem>>[vector<16xi32>], vector<16xi32>, vector<16xi1>
          %add3A_217 = arith.constant 1 : i32
          %add3A_218 = arith.addi %while3A_137, %add3A_217 : i32
          %eq3A_219 = arith.constant 112 : i32
          %eq3A_220 = arith.cmpi eq, %add3A_218, %eq3A_219 : i32
          %convert_element_type3A_221 = arith.extui %eq3A_220 : i1 to i32
          %cond3A_222 = arith.constant 0 : i32
          %cond3A_223 = arith.cmpi ne, %convert_element_type3A_221, %cond3A_222 : i32
          scf.if %cond3A_223 {
            %dma_start3A_230 = arith.constant 0 : i32
            %dma_start3A_231 = arith.constant 0 : i32
            %dma_start3A_232 = tpu.memref_slice %arg7[%dma_start3A_230, %dma_start3A_231] : memref<16416x128xf32, #tpu.memory_space<hbm>> -> memref<16416x128xf32, #tpu.memory_space<hbm>>
            tpu.enqueue_indirect_dma source(%arg17 : memref<112x128xf32, #tpu.memory_space<vmem>>) target(%dma_start3A_232 : memref<16416x128xf32, #tpu.memory_space<hbm>>) offsets(%arg18 : memref<112xi32, #tpu.memory_space<vmem>>) semaphore(%arg23 : memref<!tpu.dma_semaphore, #tpu.memory_space<semaphore_mem>>)
            %dma_wait3A_233 = arith.constant 0 : i32
            %dma_wait3A_234 = arith.constant 0 : i32
            %dma_wait3A_235 = tpu.memref_slice %arg7[%dma_wait3A_233, %dma_wait3A_234] : memref<16416x128xf32, #tpu.memory_space<hbm>> -> memref<16416x128xf32, #tpu.memory_space<hbm>>
            tpu.wait_indirect_dma semaphore(%arg23 : memref<!tpu.dma_semaphore, #tpu.memory_space<semaphore_mem>>) src(%arg17 : memref<112x128xf32, #tpu.memory_space<vmem>>) dst(%dma_wait3A_235 : memref<16416x128xf32, #tpu.memory_space<hbm>>)
            %broadcast_in_dim3A_236 = vector.broadcast %add3A_28 : i32 to vector<16xi32>
            %swap3A_237 = arith.constant 0 : index
            %swap3A_238 = tpu.vector_load %arg18[%swap3A_237] {strides = array<i32>} : memref<112xi32, #tpu.memory_space<vmem>>, vector<16xi32>,
            tpu.vector_store %arg18[%swap3A_237], %broadcast_in_dim3A_236 {strides = array<i32>} : memref<112xi32, #tpu.memory_space<vmem>>, vector<16xi32>,
            %broadcast_in_dim3A_239 = vector.broadcast %add3A_28 : i32 to vector<16xi32>
            %swap3A_240 = arith.constant 16 : index
            %swap3A_241 = tpu.vector_load %arg18[%swap3A_240] {strides = array<i32>} : memref<112xi32, #tpu.memory_space<vmem>>, vector<16xi32>,
            tpu.vector_store %arg18[%swap3A_240], %broadcast_in_dim3A_239 {strides = array<i32>} : memref<112xi32, #tpu.memory_space<vmem>>, vector<16xi32>,
            %broadcast_in_dim3A_242 = vector.broadcast %add3A_28 : i32 to vector<16xi32>
            %swap3A_243 = arith.constant 32 : index
            %swap3A_244 = tpu.vector_load %arg18[%swap3A_243] {strides = array<i32>} : memref<112xi32, #tpu.memory_space<vmem>>, vector<16xi32>,
            tpu.vector_store %arg18[%swap3A_243], %broadcast_in_dim3A_242 {strides = array<i32>} : memref<112xi32, #tpu.memory_space<vmem>>, vector<16xi32>,
            %broadcast_in_dim3A_245 = vector.broadcast %add3A_28 : i32 to vector<16xi32>
            %swap3A_246 = arith.constant 48 : index
            %swap3A_247 = tpu.vector_load %arg18[%swap3A_246] {strides = array<i32>} : memref<112xi32, #tpu.memory_space<vmem>>, vector<16xi32>,
            tpu.vector_store %arg18[%swap3A_246], %broadcast_in_dim3A_245 {strides = array<i32>} : memref<112xi32, #tpu.memory_space<vmem>>, vector<16xi32>,
            %broadcast_in_dim3A_248 = vector.broadcast %add3A_28 : i32 to vector<16xi32>
            %swap3A_249 = arith.constant 64 : index
            %swap3A_250 = tpu.vector_load %arg18[%swap3A_249] {strides = array<i32>} : memref<112xi32, #tpu.memory_space<vmem>>, vector<16xi32>,
            tpu.vector_store %arg18[%swap3A_249], %broadcast_in_dim3A_248 {strides = array<i32>} : memref<112xi32, #tpu.memory_space<vmem>>, vector<16xi32>,
            %broadcast_in_dim3A_251 = vector.broadcast %add3A_28 : i32 to vector<16xi32>
            %swap3A_252 = arith.constant 80 : index
            %swap3A_253 = tpu.vector_load %arg18[%swap3A_252] {strides = array<i32>} : memref<112xi32, #tpu.memory_space<vmem>>, vector<16xi32>,
            tpu.vector_store %arg18[%swap3A_252], %broadcast_in_dim3A_251 {strides = array<i32>} : memref<112xi32, #tpu.memory_space<vmem>>, vector<16xi32>,
            %broadcast_in_dim3A_254 = vector.broadcast %add3A_28 : i32 to vector<16xi32>
            %swap3A_255 = arith.constant 96 : index
            %swap3A_256 = tpu.vector_load %arg18[%swap3A_255] {strides = array<i32>} : memref<112xi32, #tpu.memory_space<vmem>>, vector<16xi32>,
            tpu.vector_store %arg18[%swap3A_255], %broadcast_in_dim3A_254 {strides = array<i32>} : memref<112xi32, #tpu.memory_space<vmem>>, vector<16xi32>,
          } else {
          }
          %eq3A_224 = arith.constant 112 : i32
          %eq3A_225 = arith.cmpi eq, %add3A_218, %eq3A_224 : i32
          %jit3A_226 = arith.constant 0 : i32
          %select_n3A_227 = arith.select %eq3A_225, %jit3A_226, %add3A_218 : i32
          %not3A = arith.constant dense<true> : vector<16xi1>
          %not3A_228 = arith.xori %eq3A_138, %not3A : vector<16xi1>
          %and3A_229 = arith.andi %while3A_136, %not3A_228 : vector<16xi1>
          scf.yield %and3A_229, %select_n3A_227 : vector<16xi1>, i32
        }
        scf.yield %while3A_135#1 : i32
      }
      scf.yield %while3A_125 : i32
    } else {
      scf.yield %scan3A_103 : i32
    }
    %dma_start3A = arith.constant 0 : i32
    %dma_start3A_109 = arith.constant 0 : i32
    %dma_start3A_110 = tpu.memref_slice %arg7[%dma_start3A, %dma_start3A_109] : memref<16416x128xf32, #tpu.memory_space<hbm>> -> memref<16416x128xf32, #tpu.memory_space<hbm>>
    tpu.enqueue_indirect_dma source(%arg17 : memref<112x128xf32, #tpu.memory_space<vmem>>) target(%dma_start3A_110 : memref<16416x128xf32, #tpu.memory_space<hbm>>) offsets(%arg18 : memref<112xi32, #tpu.memory_space<vmem>>) semaphore(%arg23 : memref<!tpu.dma_semaphore, #tpu.memory_space<semaphore_mem>>)
    %dma_wait3A = arith.constant 0 : i32
    %dma_wait3A_111 = arith.constant 0 : i32
    %dma_wait3A_112 = tpu.memref_slice %arg7[%dma_wait3A, %dma_wait3A_111] : memref<16416x128xf32, #tpu.memory_space<hbm>> -> memref<16416x128xf32, #tpu.memory_space<hbm>>
    tpu.wait_indirect_dma semaphore(%arg23 : memref<!tpu.dma_semaphore, #tpu.memory_space<semaphore_mem>>) src(%arg17 : memref<112x128xf32, #tpu.memory_space<vmem>>) dst(%dma_wait3A_112 : memref<16416x128xf32, #tpu.memory_space<hbm>>)
    return
  }
}

</mosaic_0001>

<sc_bundles>
// kernel: kernel.3.cloned.1.call-start
scs
__scs_entry_jumppad:
0x0: {  	(pc) =	sbr.rel $0x88, $3  }
0x1: {  	(tag) =	ssettag $0x0;
	lr =	simm.s32 $0x1  }
0x2: {  	[smem:$0x3F9E] =	sst lr;
	_ =	strace $0xD0000000  }
0x3: {  	_ = 	snop  }
0x4: {  	_ = 	snop  }
0x5: {  	_ = 	snop  }
0x6: {  	_ = 	snop  }
0x7: {  	_ = 	snop  }
__scs_overlays_trampoline_lowered:
0x8: {  	[smem:$0x3FAD] =	sst s0  }
0x9: {  	[smem:$0x3FAE] =	sst s1  }
0xa: {  	[smem:$0x3FAF] =	sst s2  }
0xb: {  	[smem:$0x3FB0] =	sst s3  }
0xc: {  	[smem:$0x3FB1] =	sst s4  }
0xd: {  	[smem:$0x3FB2] =	sst s5  }
0xe: {  	[smem:$0x3FB3] =	sst s6  }
0xf: {  	[smem:$0x3FB4] =	sst s7  }
0x10: {  	[smem:$0x3FB5] =	sst s8  }
0x11: {  	[smem:$0x3FB6] =	sst s9;
	s0 =	simm.s32 @!p0 $0x0  }
0x12: {  	s1 =	sld [smem:$0x3F9C];
	s0 =	simm.s32 @p0 $0x1  }
0x13: {  	[smem:$0x3FB7] =	sst s0;
	s0 =	simm.s32 @!p1 $0x0  }
0x14: {  	s2 =	sld [smem:$0x3F9B];
	s0 =	simm.s32 @p1 $0x1  }
0x15: {  	[smem:$0x3FB8] =	sst s0;
	s0 =	simm.s32 @!p2 $0x0  }
0x16: {  	s3 =	sld [smem:$0x3FDB];
	s0 =	simm.s32 @p2 $0x1  }
0x17: {  	s4 =	simm.s32 $0x1BF5;
	[smem:$0x3FBA] =	sst s0  }
0x18: {  	s0 =	sld [smem:$0x3F9D];
	_ =	swait.ge [sflag:s4], $0x0  }
0x19: {  	s7 =	sld [smem:$0x3F9E]  }
0x1a: {  	s8 =	sadd.s32 $0xFFFFE003, lr  }
0x1b: {  	s9 =	sadd.s32 $0xFFFFFEF7, lr;
	s5 =	simm.s32 $0xFFFFFFFF;
	p2 =	slt.u32 s8, $0xFFFFF086  }
0x1c: {  	p1 =	slt.u32 s9, $0xF7A;
	s5 =	simm.s32 @!p2 $0x0  }
0x1d: {  	s5 =	simm.s32 @p1 $0x1;
	p0 =	seq.s32 s7, s2  }
0x1e: {  	s7 =	smul.u32 @!p0 $0xF7A, s2;
	p2 =	seq.s32 @!p0 s5, $0x0  }
0x1f: {  	s9 =	smul.u32 $0xF7A, s1;
	s8 =	simm.s32 @!p0 $0x1BF5;
	p2 =	por !p2, p0  }
0x20: {  	[sflag:s8] =	ssyncset.s32 @!p0 $0xFFFFF086;
	s6 =	sadd.s32 @!p0 s3, s7;
	s7 =	simm.s32 @!p0 $0x108  }
0x21: {  	s3 =	sadd.s32 s3, s9;
	s6 =	sadd.s32 @!p0 $0x88, s6;
	s7 =	simm.s32 @p2 $0x1082  }
0x22: {  	[simem:s7], [sflag:s8] =	dma.local @!p0 [hbm:s6], $0xF7A  }
0x23: {  	s9 =	sor.u32 $0xD0000000, s2;
	s6 =	simm.s32 $0x108;
	_ =	swait.ge @!p0 [sflag:s8], $0x0  }
0x24: {  	s3 =	sadd.s32 $0x88, s3;
	s6 =	simm.s32 @!p1 $0x1082;
	[sflag:s4] =	ssyncset.s32 $0xFFFFF086  }
0x25: {  	[simem:s6], [sflag:s4] =	dma.local [hbm:s3], $0xF7A  }
0x26: {  	[smem:$0x3F9E] =	sst s1;
	(tag) =	ssettag s2;
	_ =	strace s9  }
0x27: {  	s1 =	sld [smem:$0x3FAE]  }
0x28: {  	s2 =	sld [smem:$0x3FAF]  }
0x29: {  	s4 =	sld [smem:$0x3FB1]  }
0x2a: {  	p0 =	seq.s32 s5, $0x0;
	s5 =	sld [smem:$0x3FB2]  }
0x2b: {  	s6 =	sld [smem:$0x3FB3]  }
0x2c: {  	s7 =	sld [smem:$0x3FB4]  }
0x2d: {  	s3 =	simm.s32 $0x108;
	s8 =	sld [smem:$0x3FB5]  }
0x2e: {  	s3 =	simm.s32 @!p0 $0x1082;
	s9 =	sld [smem:$0x3FB6]  }
0x2f: {  	lr =	sadd.s32 s0, s3;
	s0 =	sld [smem:$0x3FAD]  }
0x30: {  	s3 =	sld [smem:$0x3FB0]  }
0x31: {  	[smem:$0x3FB9] =	sst s10  }
0x32: {  	s10 =	sld [smem:$0x3FB7];
	_ =	sdelay $0x3  }
0x33: {  	p0 =	seq.s32 s10, $0x1;
	s10 =	sld [smem:$0x3FB9];
	_ =	sdelay $0x3  }
0x34: {  	[smem:$0x3FB9] =	sst s10  }
0x35: {  	s10 =	sld [smem:$0x3FB8];
	_ =	sdelay $0x3  }
0x36: {  	p1 =	seq.s32 s10, $0x1;
	s10 =	sld [smem:$0x3FB9];
	_ =	sdelay $0x3  }
0x37: {  	[smem:$0x3FB9] =	sst s10  }
0x38: {  	s10 =	sld [smem:$0x3FBA]  }
0x39: {  	_ = 	snop;
	(pc) =	sbr.ind lr, $3  }
0x3a: {  	_ = 	snop  }
0x3b: {  	_ = 	snop  }
0x3c: {  	p2 =	seq.s32 s10, $0x1;
	s10 =	sld [smem:$0x3FB9]  }
0x3d: {  	_ =	shalt  }
0x3e: {  	_ =	shalt  }
0x3f: {  	_ =	shalt  }
0x40: {  	_ =	shalt  }
0x41: {  	_ =	shalt  }
0x42: {  	_ =	shalt  }
0x43: {  	_ =	shalt  }
0x44: {  	_ =	shalt  }
0x45: {  	_ =	shalt  }
0x46: {  	_ =	shalt  }
0x47: {  	_ =	shalt  }
0x48: {  	_ =	shalt  }
0x49: {  	_ =	shalt  }
0x4a: {  	_ =	shalt  }
0x4b: {  	_ =	shalt  }
0x4c: {  	_ =	shalt  }
0x4d: {  	_ =	shalt  }
0x4e: {  	_ =	shalt  }
0x4f: {  	_ =	shalt  }
0x50: {  	_ =	shalt  }
0x51: {  	_ =	shalt  }
0x52: {  	_ =	shalt  }
0x53: {  	_ =	shalt  }
0x54: {  	_ =	shalt  }
0x55: {  	_ =	shalt  }
0x56: {  	_ =	shalt  }
0x57: {  	_ =	shalt  }
0x58: {  	_ =	shalt  }
0x59: {  	_ =	shalt  }
0x5a: {  	_ =	shalt  }
0x5b: {  	_ =	shalt  }
0x5c: {  	_ =	shalt  }
0x5d: {  	_ =	shalt  }
0x5e: {  	_ =	shalt  }
0x5f: {  	_ =	shalt  }
0x60: {  	_ =	shalt  }
0x61: {  	_ =	shalt  }
0x62: {  	_ =	shalt  }
0x63: {  	_ =	shalt  }
0x64: {  	_ =	shalt  }
0x65: {  	_ =	shalt  }
0x66: {  	_ =	shalt  }
0x67: {  	_ =	shalt  }
0x68: {  	_ =	shalt  }
0x69: {  	_ =	shalt  }
0x6a: {  	_ =	shalt  }
0x6b: {  	_ =	shalt  }
0x6c: {  	_ =	shalt  }
0x6d: {  	_ =	shalt  }
0x6e: {  	_ =	shalt  }
0x6f: {  	_ =	shalt  }
0x70: {  	_ =	shalt  }
0x71: {  	_ =	shalt  }
0x72: {  	_ =	shalt  }
0x73: {  	_ =	shalt  }
0x74: {  	_ =	shalt  }
0x75: {  	_ =	shalt  }
0x76: {  	_ =	shalt  }
0x77: {  	_ =	shalt  }
0x78: {  	_ =	shalt  }
0x79: {  	_ =	shalt  }
0x7a: {  	_ =	shalt  }
0x7b: {  	_ =	shalt  }
0x7c: {  	_ =	shalt  }
0x7d: {  	_ =	shalt  }
0x7e: {  	_ =	shalt  }
0x7f: {  	_ =	shalt  }
0x80: {  	_ =	shalt  }
0x81: {  	_ =	shalt  }
0x82: {  	_ =	shalt  }
0x83: {  	_ =	shalt  }
0x84: {  	_ =	shalt  }
0x85: {  	_ =	shalt  }
0x86: {  	_ =	shalt  }
0x87: {  	_ =	shalt  }
.Lfunc_end0:
.L_simem_size_0:
called_computation_lowered:
.L_overlay_start_0:
0x88: {  	s2 =	sld [smem:$0x3FD9]  }
0x89: {  	s3 =	sld [smem:$0x3FFE];
	_ =	sdelay $0x1  }
0x8a: {  	s1 =	srdreg.scid  }
0x8b: {  	s0 =	sand.u32 $0x1, s1  }
0x8c: {  	s14 =	sshll.u32 s0, $0xA;
	s2 =	sadd.s32 s3, s2  }
0x8d: {  	s2 =	sadd.s32 s2, s14  }
0x8e: {  	[smem:$0x3FC5] =	sst s2  }
0x8f: {  	_ = 	snop  }
0x90: {  	s2 =	sld [smem:$0x3FD0]  }
0x91: {  	s15 =	sld [smem:$0x3FC9]  }
0x92: {  	s4 =	sld [smem:$0x3FC8]  }
0x93: {  	s6 =	simm.s32 $0xA;
	s7 =	simm.s32 $0x10;
	s5 =	sld [smem:$0x3FC7]  }
0x94: {  	[smem:s7], [sflag:s6] =	dma.local [hbm:s2], $0x1  }
0x95: {  	_ =	swait.eq [sflag:s6], $0x1  }
0x96: {  	[sflag:s6] =	ssyncset.done $0x0  }
0x97: {  	s16 =	sld [smem:$0x10];
	[sflag:s6] =	ssyncadd.s32 $0xFFFFFFFF  }
0x98: {  	s17 =	sld [smem:$0x11];
	(tm) =	ssettm $0x1  }
0x99: {  	s18 =	sld [smem:$0x3FFB];
	_ =	sdelay $0x3  }
0x9a: {  	_ =	strace s18  }
0x9b: {  	s7 =	sld [smem:$0x3FFC];
	_ =	sdelay $0x3  }
0x9c: {  	_ =	strace s7  }
0x9d: {  	s7 =	sld [smem:$0x3FFD];
	_ =	sdelay $0x3  }
0x9e: {  	_ =	strace s7  }
0x9f: {  	_ =	strace $0x8FFFFFFF  }
0xa0: {  	s19 =	sld [smem:$0x3FDB];
	_ =	sdelay $0x1  }
0xa1: {  	s8 =	simm.s32 $_scs_section_size  }
0xa2: {  	s9 =	simm.s32 $_size__tile_overlayer_lowered;
	s10 =	simm.s32 $_tile_overlayer_lowered  }
0xa3: {  	s22 =	simm.s32 $0x1BFF;
	s21 =	sshll.u32 s10, $0x1;
	s7 =	sadd.s32 s8, s19  }
0xa4: {  	s11 =	simm.s32 $0x0;
	s20 =	sshll.u32 s9, $0x1;
	s9 =	sadd.s32 s21, s7  }
0xa5: {  	[timem:s11], [sflag:s22] =	dma.local [hbm:s9], s20  }
0xa6: {  	_ =	swait.ge [sflag:s22], s20  }
0xa7: {  	s8 =	ssub.s32 $0x0, s20;
	[sflag:s22] =	ssyncset.done $0x0  }
0xa8: {  	[sflag:s22] =	ssyncadd.s32 s8;
	_ =	sdelay $0x1  }
0xa9: {  	s23 =	simm.s32 $0x1B8B  }
0xaa: {  	_ =	swait.ge [sflag:s23], $0x1  }
0xab: {  	[sflag:s23] =	ssyncset.done $0x0  }
0xac: {  	s25 =	simm.s32 $0x1B8E;
	s24 =	sld [smem:$0x3FFE];
	[sflag:s23] =	ssyncadd.s32 $0xFFFFFFFF  }
0xad: {  	s26 =	simm.s32 $execute0_lowered;
	[smem:$0x3FD2] =	sst s25  }
0xae: {  	s9 =	sshll.u32 s26, $0x1;
	_ =	strace $0x80000046;
	[dreg:$0x1] =	wrdreg $0xFFFFFFFF  }
0xaf: {  	s28 =	simm.s32 $_size_execute0_lowered;
	s7 =	sadd.s32 s7, s9;
	[dreg:$0x0] =	wrdreg $0x0  }
0xb0: {  	s9 =	sshll.u32 s28, $0x1;
	[dreg:$0x2] =	wrdreg s7  }
0xb1: {  	[dreg:$0x3] =	wrdreg s9  }
0xb2: {  	[dreg:$0x4] =	wrdreg $0xC0  }
0xb3: {  	_ =	task [dreg:s11], $0x5FFFF  }
0xb4: {  	[dreg:$0x1] =	wrdreg $0xFFFFFFFF  }
0xb5: {  	[dreg:$0x0] =	wrdreg $0x60  }
0xb6: {  	[dreg:$0x2] =	wrdreg s15  }
0xb7: {  	[dreg:$0x3] =	wrdreg s4  }
0xb8: {  	[dreg:$0x4] =	wrdreg s17  }
0xb9: {  	[dreg:$0x5] =	wrdreg s16  }
0xba: {  	[dreg:$0x6] =	wrdreg s5  }
0xbb: {  	[dreg:$0x7] =	wrdreg s24  }
0xbc: {  	[dreg:$0x8] =	wrdreg $0x9  }
0xbd: {  	_ =	task.clear_ibuf [dreg:s11], $0x9FFFF;
	_ =	strace $0x90000046  }
0xbe: {  	s29 =	simm.s32 $0x9;
	_ =	strace $0x80000048  }
0xbf: {  	_ =	swait.ge [sflag:s29], $0x1  }
0xc0: {  	[sflag:s29] =	ssyncadd.s32 $0xFFFFFFFF  }
0xc1: {  	_ =	strace $0x90000048  }
0xc2: {  	_ =	sfence  }
0xc3: {  	s30 =	sld [smem:$0x0];
	_ =	sdelay $0x2  }
0xc4: {  	s31 =	sshll.u32 s1, $0xD;
	s1 =	sshrl.u32 s1, $0x2  }
0xc5: {  	s3 =	sand.u32 $0x4000, s31;
	s1 =	sadd.s32 s1, s30  }
0xc6: {  	s0 =	sor.u32 s3, s0;
	s1 =	sshll.u32 s1, $0x11  }
0xc7: {  	s0 =	sor.u32 s1, s0  }
0xc8: {  	s0 =	sadd.s32 $0x8F2B, s0  }
0xc9: {  	[sflag:s0] =	ssyncadd.remote.s32 $0x1  }
0xca: {  	_ =	sfence.sel $0xFFFF  }
0xcb: {  	[dreg:$0x0] =	wrdreg $0xFFFFFFFF;
	(pc) =	sbr.abs _section_cstart, $3  }
0xcc: {  	[dreg:$0x1] =	wrdreg $0xFFFFFFFF  }
0xcd: {  	_ =	task.clear_ibuf [dreg:s11], $0x2FFFF;
	_ =	strace $0x9FFFFFFF  }
0xce: {  	(tm) =	ssettm $0x7FFFFFFF  }
0xcf: {  	_ =	shalt  }
tec
execute0_lowered:
.L_overlay_start_1:
0x0: {  	(tag) =	ssettag $0x1  }
0x1: {  	v0 =	vimm.s32 $0xB80  }
0x2: {  	vm14 =	vcmask $0x300;
	vm13 =	vcmask $0x704;
	vm12 =	vcmask $0xB08  }
0x3: {  	s0 =	srdreg.scid;
	vm11 =	vcmask $0xF0C;
	vm10 =	vcmask $0x1310;
	vm9 =	vcmask $0x1714  }
0x4: {  	s1 =	stileid.u32;
	vm8 =	vcmask $0x1B18;
	vm7 =	vcmask $0x1F1C;
	vm5 =	vcmask $0x2320;
	s11 =	rddreg [dreg:$0x2]  }
0x5: {  	vm6 =	vcmask $0x2724;
	vm3 =	vcmask $0x2B28;
	s14 =	rddreg [dreg:$0x5];
	s4 =	sand.u32 $0x1, s0;
	s12 =	sshll.u32 s1, $0x1;
	v0 =	vsel vm14, $0x0, v0  }
0x6: {  	vm4 =	vcmask $0x2F2C;
	vm2 =	vcmask $0x3330;
	s7 =	simm.s32 $0x0;
	s1 =	rddreg [dreg:$0x0];
	s0 =	sor.u32 s4, s12;
	v0 =	vsel vm13, $0x80, v0  }
0x7: {  	vm1 =	vcmask $0x3734;
	vm0 =	vcmask $0x3B38;
	[smem:$0x7FF] =	sst s7;
	s13 =	smul.u32 $0xF6, s0;
	v0 =	vsel vm12, $0x100, v0  }
0x8: {  	v8 =	vimm.s32 $0x1B80;
	v9 =	vimm.s32 $0x2B80;
	s12 =	rddreg [dreg:$0x3];
	s4 =	ssub.s32 $0x2, s4;
	p0 =	seq.s32 s0, $0x1F;
	v0 =	vsel vm11, $0x180, v0  }
0x9: {  	v10 =	vimm.s32 $0x3B80;
	v8 =	vsel vm14, $0x1000, v8;
	s10 =	sshrl.u32 s4, $0x1;
	s8 =	smul.u32 $0x3D800, s0;
	s2 =	smin.u32 s13, $0x1D8E;
	v0 =	vsel vm10, $0x200, v0  }
0xa: {  	v9 =	vsel vm14, $0x2000, v9;
	v10 =	vsel vm14, $0x3000, v10;
	s6 =	smul.u32 $0x7B00, s0;
	s4 =	ssub.s32 s4, s10;
	s2 =	sadd.s32 $0xF6, s2;
	v0 =	vsel vm9, $0x280, v0  }
0xb: {  	v8 =	vsel vm13, $0x1080, v8;
	v9 =	vsel vm13, $0x2080, v9;
	s16 =	sshrl.u32 s8, $0x3;
	s3 =	ssub.s32 s2, s13;
	v1 =	vsel vm8, $0x300, v0;
	s2 =	simm.s32 @p0 $0x1E85  }
0xc: {  	v10 =	vsel vm13, $0x3080, v10;
	s15 =	sadd.s32 s1, s6;
	s17 =	sadd.s32 $0x100, s16;
	v2 =	vsel vm7, $0x380, v1;
	v1 =	vmov s2;
	s2 =	rddreg [dreg:$0x1]  }
0xd: {  	v8 =	vsel vm12, $0x1100, v8;
	v9 =	vsel vm12, $0x2100, v9;
	v0 =	vmov s13;
	s13 =	sadd.s32 s1, s17;
	_ =	strace $0x80000047;
	[dreg:$0x7] =	wrdreg s15  }
0xe: {  	s29 =	simm.s32 $0x6;
	v10 =	vsel vm12, $0x3100, v10;
	v8 =	vsel vm11, $0x1180, v8;
	v9 =	vsel vm11, $0x2180, v9;
	s4 =	smax.u32 s4, $0x1;
	[dreg:$0x9] =	wrdreg s13  }
0xf: {  	s30 =	simm.s32 $0x4080;
	s19 =	sadd.s32 $0x80, s11;
	v10 =	vsel vm11, $0x3180, v10;
	v8 =	vsel vm10, $0x1200, v8;
	v9 =	vsel vm10, $0x2200, v9;
	[dreg:$0xd] =	wrdreg s4  }
0x10: {  	s31 =	simm.s32 $0x1C080;
	s20 =	sadd.s32 $0x100, s11;
	v10 =	vsel vm10, $0x3200, v10;
	v8 =	vsel vm9, $0x1280, v8;
	v9 =	vsel vm9, $0x2280, v9;
	[dreg:$0xe] =	wrdreg s19  }
0x11: {  	s9 =	sadd.s32 $0xC00, s14;
	s21 =	sadd.s32 $0x180, s11;
	v10 =	vsel vm9, $0x3280, v10;
	v8 =	vsel vm8, $0x1300, v8;
	v9 =	vsel vm8, $0x2300, v9;
	[dreg:$0xf] =	wrdreg s20  }
0x12: {  	s22 =	sadd.s32 $0x200, s11;
	s5 =	sor.u32 $0x4000, s0;
	v10 =	vsel vm8, $0x3300, v10;
	v8 =	vsel vm7, $0x1380, v8;
	[dreg:$0x10] =	wrdreg s21;
	v9 =	vsel vm7, $0x2380, v9  }
0x13: {  	s23 =	sadd.s32 $0x280, s11;
	s24 =	sadd.s32 $0x300, s11;
	[dreg:$0x11] =	wrdreg s22;
	v10 =	vsel vm7, $0x3380, v10;
	v3 =	vsel vm5, $0x800, v2;
	v2 =	vmov s5  }
0x14: {  	s25 =	sadd.s32 $0x380, s11;
	s11 =	simm.s32 $0x18080;
	[dreg:$0x12] =	wrdreg s23;
	v8 =	vsel vm5, $0x1800, v8;
	v9 =	vsel vm5, $0x2800, v9;
	v10 =	vsel vm5, $0x3800, v10  }
0x15: {  	s14 =	simm.s32 $0x5;
	s26 =	sadd.s32 $0x80, s12;
	[dreg:$0x13] =	wrdreg s24;
	v4 =	vsel vm6, $0x880, v3;
	v3 =	vimm.s32 $0x0;
	v8 =	vsel vm6, $0x1880, v8  }
0x16: {  	s28 =	sadd.s32 $0x180, s12;
	s10 =	sshra.s32 s3, $0x1;
	[dreg:$0x14] =	wrdreg s25;
	v9 =	vsel vm6, $0x2880, v9;
	v10 =	vsel vm6, $0x3880, v10;
	v5 =	vsel vm3, $0x900, v4  }
0x17: {  	[dreg:$0x15] =	wrdreg s26;
	s26 =	sadd.s32 $0x100, s12;
	s4 =	simm.s32 $0x16080;
	v4 =	vlaneseq.u32;
	v8 =	vsel vm3, $0x1900, v8;
	v9 =	vsel vm3, $0x2900, v9  }
0x18: {  	s12 =	simm.s32 $0x10080;
	s13 =	simm.s32 $0x1A080;
	s15 =	simm.s32 $0x0;
	v10 =	vsel vm3, $0x3900, v10;
	v6 =	vsel vm4, $0x980, v5;
	v5 =	vimm.s32 $0xFFFFFFFF  }
0x19: {  	s6 =	sadd.s32 s2, s6;
	s5 =	sadd.s32 $0x200, s16;
	p0 =	slt.s32 s10, $0x1;
	v8 =	vsel vm4, $0x1980, v8;
	v9 =	vsel vm4, $0x2980, v9;
	v10 =	vsel vm4, $0x3980, v10  }
0x1a: {  	[dreg:$0x8] =	wrdreg s6;
	s6 =	sadd.s32 s2, s17;
	s18 =	sadd.s32 s1, s5;
	v13 =	vor.u32 $0x30, v4;
	v14 =	vor.u32 $0x40, v4;
	v15 =	vor.u32 $0x50, v4  }
.Ltmp0:
0x1b: {  	p2 =	seq.s32 @!p0 s3, $0x2;
	[dreg:$0xa] =	wrdreg s6;
	v6 =	vsel vm2, $0xA00, v6;
	v8 =	vsel vm2, $0x1A00, v8;
	v11 =	vsel vm2, $0x2A00, v9;
	(pc) =	sbr.rel .LBB2_1-.Ltmp0, $4  }
0x1c: {  	s5 =	sadd.s32 s2, s5;
	[dreg:$0xb] =	wrdreg s18;
	p1 =	por p2, p0;
	v10 =	vsel vm2, $0x3A00, v10;
	v9 =	vor.u32 $0x10, v4;
	v7 =	vsel vm1, $0xA80, v6  }
0x1d: {  	s3 =	simm.s32 $0xC080;
	[dreg:$0xc] =	wrdreg s5;
	p3 =	slt.u32 @!p1 s10, $0x3;
	v6 =	vimm.f32 $0.0e+00;
	v8 =	vsel vm1, $0x1A80, v8;
	v11 =	vsel vm1, $0x2A80, v11  }
0x1e: {  	s6 =	simm.s32 $0x14080;
	s5 =	simm.s32 $0x8080;
	p3 =	por @!p0 p3, p2;
	v12 =	vsel vm1, $0x3A80, v10;
	v7 =	vsel vm0, $0xB00, v7;
	v8 =	vsel vm0, $0x1B00, v8  }
0x1f: {  	p2 =	sne.s32 s0, $0x1F;
	s0 =	simm.s32 $0x1F880;
	p3 =	por p3, p0;
	v10 =	vsel vm0, $0x2B00, v11;
	v11 =	vor.u32 $0x20, v4;
	v12 =	vsel vm0, $0x3B00, v12  }
.LBB2_38:
0x20: {  	s16 =	simm.s32 $0x70  }
0x21: {  	[hbm4b:s9+s16] =	stream.indirect.scatter [tilespmem:s31], [sflag:$0x5], $0x80, s0, s16, $0xb8;
	[tilespmem:$0x1F900] =	vst v63  }
0x22: {  	_ =	swait.ge [sflag:s14], $0x3800  }
0x23: {  	s15 =	sadd.s32 $0x1, s15;
	s25 =	rddreg [dreg:$0xd]  }
0x24: {  	p4 =	sne.s32 s15, s25  }
.Ltmp1:
0x25: {  	_ = 	snop;
	(pc) =	sbr.rel @!p4 .LBB2_39-.Ltmp1, $3  }
0x26: {  	_ =	sdelay $0x1  }
0x27: {  	[sflag:s14] =	ssyncset.done $0x0  }
0x28: {  	[sflag:s14] =	ssyncadd.s32 $0xFFFFC800  }
.LBB2_1:
0x29: {  	s16 =	rddreg [dreg:$0x4]  }
0x2a: {  	[tilespmem:s7], [sflag:$0x6] =	stream.linear.gather [hbm4b:s16+s7], $0x4000, $0x38;
	[tilespmem:$0x1F900] =	vst v63  }
0x2b: {  	_ =	swait.ge [sflag:s29], $0x4000  }
0x2c: {  	[sflag:s29] =	ssyncset.done $0x0  }
0x2d: {  	[sflag:s29] =	ssyncadd.s32 $0xFFFFC000  }
0x2e: {  	v16 =	vld [tilespmem:s7+$0x0];
	_ =	sdelay $0x4  }
0x2f: {  	v17 =	vshrl.u32 v16, $0x7  }
0x30: {  	vm0 =	vge.u32 v17, v0;
	vm1 =	vlt.u32 v17, v1  }
0x31: {  	vm0 =	vmand vm0, vm1  }
0x32: {  	v18 =	vsel vm0, $0x1, v3  }
0x33: {  	(xrf0) =	vadd.scan.msk.s32 $0xffff, v18  }
0x34: {  	s20 =	simm.s32 $0x20;
	s17 =	simm.s32 $0x0  }
0x35: {  	s19 =	simm.s32 $0x0;
	s18 =	simm.s32 $0x0;
	s16 =	simm.s32 $0x10  }
.LBB2_2:
0x36: {  	p4 =	sne.s32 s20, $0x3FF0;
	v18 =	vmov s17  }
0x37: {  	v18 =	vadd.s32 $0xFFFFFFFF, v18  }
0x38: {  	v18 =	vbroadcast v18, $0x0  }
0x39: {  	v19, _, _ =	vpop (xrf0)  }
0x3a: {  	v17 =	vsub.s32 v17, v0;
	v16 =	vshll.u32 v16, $0xE;
	v18 =	vadd.s32 v19, v18  }
0x3b: {  	v17 =	vshll.u32 v17, $0x15;
	v16 =	vand.u32 $0x1FC000, v16;
	(v2sf) =	vpush v19, $0xF  }
0x3c: {  	v16 =	vor.u32 v16, v17  }
0x3d: {  	v16 =	vadd.s32 s19, v16;
	s19 =	smov.u32 s16;
	s16 =	smov.u32 s20  }
0x3e: {  	v16 =	vadd.s32 v4, v16  }
0x3f: {  	s18 =	sadd.s32 $0x10, s18;
	[tilespmem:v18+s7+$0x0] =	vst.idx.msk vm0, v16  }
0x40: {  	v16 =	vld [tilespmem:s18+$0x0];
	_ =	sdelay $0x4  }
0x41: {  	v17 =	vshrl.u32 v16, $0x7  }
0x42: {  	vm0 =	vge.u32 v17, v0;
	vm1 =	vlt.u32 v17, v1  }
.Ltmp2:
0x43: {  	vm0 =	vmand vm0, vm1;
	(pc) =	sbr.rel @p4 .LBB2_2-.Ltmp2, $4  }
0x44: {  	v18 =	vsel vm0, $0x1, v3  }
0x45: {  	(xrf0) =	vadd.scan.msk.s32 $0xffff, v18  }
0x46: {  	s21 =	spop (v2sf)  }
0x47: {  	s20 =	sadd.s32 $0x10, s20;
	s17 =	sadd.s32 s17, s21  }
0x48: {  	v18 =	vmov s17  }
0x49: {  	v18 =	vadd.s32 $0xFFFFFFFF, v18  }
0x4a: {  	v18 =	vbroadcast v18, $0x0  }
0x4b: {  	v19, _, _ =	vpop (xrf0)  }
0x4c: {  	v17 =	vsub.s32 v17, v0;
	v16 =	vshll.u32 v16, $0xE;
	v18 =	vadd.s32 v19, v18  }
0x4d: {  	v17 =	vshll.u32 v17, $0x15;
	v16 =	vand.u32 $0x1FC000, v16  }
0x4e: {  	v16 =	vor.u32 v16, v17  }
0x4f: {  	v16 =	vadd.s32 s19, v16  }
0x50: {  	v16 =	vadd.s32 v4, v16  }
0x51: {  	s18 =	sadd.s32 $0x10, s18;
	[tilespmem:v18+s7+$0x0] =	vst.idx.msk vm0, v16  }
0x52: {  	v16 =	vld [tilespmem:s18+$0x0];
	_ =	sdelay $0x4  }
0x53: {  	v17 =	vshrl.u32 v16, $0x7  }
0x54: {  	vm15 =	vge.u32 v17, v0;
	vm1 =	vlt.u32 v17, v1  }
0x55: {  	vm0 =	vmand vm15, vm1  }
0x56: {  	v61 =	vsel vm0, $0x1, v3  }
0x57: {  	(xrf0) =	vadd.scan.msk.s32 $0xffff, v61;
	_ =	sdelay $0x1  }
0x58: {  	(v2sf) =	vpush v19, $0xF;
	_ =	sdelay $0x3  }
0x59: {  	v18, _, _ =	vpop (xrf0)  }
0x5a: {  	(v2sf) =	vpush v18, $0xF;
	_ =	sdelay $0x9  }
0x5b: {  	s20 =	spop (v2sf)  }
0x5c: {  	s21 =	sadd.s32 s17, s20  }
0x5d: {  	v62 =	vmov s21  }
0x5e: {  	v19 =	vadd.s32 $0xFFFFFFFF, v62  }
0x5f: {  	v19 =	vbroadcast v19, $0x0  }
0x60: {  	s22 =	spop (v2sf)  }
0x61: {  	v16 =	vshll.u32 v16, $0xE;
	v17 =	vsub.s32 v17, v0;
	v18 =	vadd.s32 v18, v19;
	s17 =	sadd.s32 s21, s22  }
0x62: {  	v16 =	vand.u32 $0x1FC000, v16;
	v17 =	vshll.u32 v17, $0x15;
	v63 =	vadd.s32 s17, v4  }
0x63: {  	v16 =	vor.u32 v16, v17  }
0x64: {  	v16 =	vadd.s32 s16, v16  }
0x65: {  	v16 =	vadd.s32 v4, v16  }
0x66: {  	[tilespmem:v18+s7+$0x0] =	vst.idx.msk vm0, v16  }
0x67: {  	[tilespmem:v63+s7+$0x0] =	vst.idx.msk $0xffff, v5  }
0x68: {  	[tilespmem:$0x1F880] =	vst v2  }
0x69: {  	[tilespmem:$0x1F890] =	vst v2  }
0x6a: {  	[tilespmem:$0x1F8A0] =	vst v2  }
0x6b: {  	[tilespmem:$0x1F8B0] =	vst v2  }
0x6c: {  	[tilespmem:$0x1F8C0] =	vst v2  }
0x6d: {  	s19 =	simm.s32 @!p0 $0x4080;
	s18 =	simm.s32 @!p0 $0x7A1400;
	[tilespmem:$0x1F8D0] =	vst v2  }
0x6e: {  	s16 =	simm.s32 @!p0 $0x800;
	s20 =	rddreg [dreg:$0x7];
	s17 =	sadd.s32 $0xF, s17;
	[tilespmem:$0x1F8E0] =	vst v2  }
0x6f: {  	[tilespmem:s19], [sflag:$0x1] =	stream.strided.gather @!p0 [hbm4b:s20+s16], $0x4000, s18, s16, $0x38;
	[tilespmem:$0x1F900] =	vst v63  }
0x70: {  	s23 =	sand.u32 $0xF, s17;
	s19 =	simm.s32 @!p0 $0x14080;
	s20 =	rddreg [dreg:$0x8]  }
0x71: {  	[tilespmem:s19], [sflag:$0x1] =	stream.strided.gather @!p0 [hbm4b:s20+s16], $0x2000, s18, s16, $0x38;
	[tilespmem:$0x1F900] =	vst v63  }
0x72: {  	s24 =	sshra.s32 s17, $0x1F;
	p4 =	slt.s32 s17, $0x1;
	s16 =	simm.s32 @!p1 $0x800  }
0x73: {  	s18 =	simm.s32 @!p1 $0x7A1400;
	s19 =	simm.s32 @!p1 $0x8080;
	s20 =	rddreg [dreg:$0x9]  }
0x74: {  	[tilespmem:s19], [sflag:$0x2] =	stream.strided.gather @!p1 [hbm4b:s20+s16], $0x4000, s18, s16, $0x38;
	[tilespmem:$0x1F900] =	vst v63  }
0x75: {  	p5 =	sne.s32 s23, $0x0;
	s19 =	simm.s32 @!p1 $0x16080;
	s20 =	rddreg [dreg:$0xa]  }
0x76: {  	[tilespmem:s19], [sflag:$0x2] =	stream.strided.gather @!p1 [hbm4b:s20+s16], $0x2000, s18, s16, $0x38;
	[tilespmem:$0x1F900] =	vst v63  }
0x77: {  	s25 =	sshrl.u32 s24, $0x1C;
	p4 =	por !p4, !p5;
	s16 =	simm.s32 @!p3 $0x800  }
0x78: {  	s18 =	simm.s32 @!p3 $0x7A1400;
	s19 =	simm.s32 @!p3 $0xC080;
	s20 =	rddreg [dreg:$0xb]  }
0x79: {  	[tilespmem:s19], [sflag:$0x3] =	stream.strided.gather @!p3 [hbm4b:s20+s16], $0x4000, s18, s16, $0x38;
	[tilespmem:$0x1F900] =	vst v63  }
.Ltmp3:
0x7a: {  	s19 =	simm.s32 @!p3 $0x18080;
	s20 =	rddreg [dreg:$0xc];
	(pc) =	sbr.rel .LBB2_4-.Ltmp3, $4  }
0x7b: {  	[tilespmem:s19], [sflag:$0x3] =	stream.strided.gather @!p3 [hbm4b:s20+s16], $0x2000, s18, s16, $0x38;
	[tilespmem:$0x1F900] =	vst v63  }
0x7c: {  	p4 =	por !p4, !p4;
	s16 =	sadd.s32 s25, s17;
	s17 =	simm.s32 $0x1  }
0x7d: {  	s16 =	sshra.s32 s16, $0x4;
	s17 =	simm.s32 @!p4 $0x0  }
0x7e: {  	s18 =	simm.s32 $0x0;
	s16 =	ssub.s32 s16, s17;
	s17 =	simm.s32 $0x0  }
.LBB2_26:
0x7f: {  	s17 =	smov.u32 @p4 s17  }
.LBB2_32:
0x80: {  	s18 =	sadd.s32 $0x1, s18  }
0x81: {  	p4 =	sne.s32 s18, $0x1F  }
.Ltmp4:
0x82: {  	_ = 	snop;
	(pc) =	sbr.rel @!p4 .LBB2_33-.Ltmp4, $1  }
0x83: {  	_ =	sdelay $0x3  }
.LBB2_4:
0x84: {  	s19 =	sshll.u32 s18, $0x2  }
0x85: {  	p4 =	sle.s32 s10, s19  }
0x86: {  	s20 =	simm.s32 @!p4 $0x1;
	s21 =	sor.u32 @!p4 $0x3, s19  }
0x87: {  	_ =	swait.ge @!p4 [sflag:s20], $0x4000;
	p5 =	sle.u32 @!p4 s10, s21  }
0x88: {  	[sflag:s20] =	ssyncset.done @!p4 $0x0;
	p5 =	por p5, p4  }
0x89: {  	[sflag:s20] =	ssyncadd.s32 @!p4 $0xFFFFC000;
	s21 =	sshll.u32 @!p5 s21, $0xB  }
0x8a: {  	s22 =	simm.s32 @!p5 $0x800;
	_ =	swait.ge @!p4 [sflag:s20], $0x2000;
	s21 =	sadd.s32 @!p5 s8, s21  }
0x8b: {  	s23 =	simm.s32 @!p5 $0x7A1400;
	[sflag:s20] =	ssyncset.done @!p4 $0x0;
	s21 =	sshrl.u32 @!p5 s21, $0x3  }
0x8c: {  	s24 =	simm.s32 @!p5 $0x10080;
	[sflag:s20] =	ssyncadd.s32 @!p4 $0xFFFFE000;
	s20 =	sadd.s32 @!p5 s1, s21  }
0x8d: {  	[tilespmem:s24], [sflag:$0x4] =	stream.strided.gather @!p5 [hbm4b:s20+s22], $0x4000, s23, s22, $0x38;
	[tilespmem:$0x1F900] =	vst v63  }
0x8e: {  	s20 =	sadd.s32 @!p5 s2, s21;
	s21 =	simm.s32 @!p5 $0x1A080  }
0x8f: {  	[tilespmem:s21], [sflag:$0x4] =	stream.strided.gather @!p5 [hbm4b:s20+s22], $0x2000, s23, s22, $0x38;
	[tilespmem:$0x1F900] =	vst v63  }
0x90: {  	p5 =	slt.s32 @!p4 s16, $0x1  }
0x91: {  	p5 =	por p4, p5  }
.Ltmp5:
0x92: {  	_ = 	snop;
	(pc) =	sbr.rel @p5 .LBB2_5-.Ltmp5, $1  }
0x93: {  	_ =	sdelay $0x3  }
.Ltmp6:
0x94: {  	(pc) =	sbr.rel .LBB2_7-.Ltmp6, $2  }
0x95: {  	_ =	sdelay $0x2  }
0x96: {  	v16 =	vmov s19;
	s20 =	simm.s32 $0x0  }
.LBB2_10:
0x97: {  	s20 =	sadd.s32 $0x1, s20  }
0x98: {  	p4 =	sne.s32 s20, s16  }
.Ltmp7:
0x99: {  	_ = 	snop;
	(pc) =	sbr.rel @!p4 .LBB2_11-.Ltmp7, $1  }
0x9a: {  	_ =	sdelay $0x3  }
.LBB2_7:
0x9b: {  	s21 =	sshll.u32 s20, $0x6  }
0x9c: {  	s21 =	sshra.s32 s21, $0x2  }
0x9d: {  	v18 =	vld [tilespmem:s21+$0x0];
	_ =	sdelay $0x4  }
0x9e: {  	v17 =	vshrl.u32 v18, $0x16  }
0x9f: {  	vm0 =	veq.s32 v17, v16  }
0xa0: {  	v17 =	vsel vm0, $0x3F800000, v6  }
0xa1: {  	(xrf0) =	vmax.scan.msk.f32 $0xffff, v17;
	_ =	sdelay $0x5  }
0xa2: {  	v17, _, _ =	vpop (xrf0)  }
0xa3: {  	(v2sf) =	vpush v17, $0xF;
	_ =	sdelay $0xe  }
0xa4: {  	s25 =	spop (v2sf)  }
0xa5: {  	p4 =	sgt.f32 s25, $0.0e+00  }
.Ltmp8:
0xa6: {  	_ = 	snop;
	(pc) =	sbr.rel @!p4 .LBB2_10-.Ltmp8, $1  }
0xa7: {  	_ =	sdelay $0x3  }
0xa8: {  	v17 =	vshrl.u32 v18, $0xE  }
0xa9: {  	v18 =	vand.u32 $0x3FFF, v18;
	v17 =	vand.u32 $0xFF, v17  }
.LBB2_9:
0xaa: {  	v19 =	vmctz.xlane vm0;
	_ =	sdelay $0x1  }
0xab: {  	vm1 =	vne.s32 v19, v4  }
0xac: {  	v19 =	vsel vm1, $0x0, v17  }
0xad: {  	(xrf0) =	vadd.scan.msk.s32 $0xffff, v19;
	_ =	sdelay $0x5  }
0xae: {  	v19, _, _ =	vpop (xrf0)  }
0xaf: {  	v19 =	vbroadcast v19, $0xF;
	_ =	sdelay $0x1  }
0xb0: {  	v20 =	vshll.u32 v19, $0x3  }
0xb1: {  	v19 =	vand.u32 $0x7F, v19;
	v20 =	vand.u32 $0xFFFFFC00, v20  }
0xb2: {  	v19 =	vor.u32 v19, v20  }
0xb3: {  	v20 =	vadd.s32 v7, v19;
	_ =	sdelay $0x2  }
0xb4: {  	v21 =	vmov s17  }
0xb5: {  	v22 =	vshll.u32 v21, $0x7  }
0xb6: {  	v24 =	vor.u32 v4, v22;
	v23 =	vld.idx.msk [tilespmem:v20+s30+$0x0], $0xffff  }
0xb7: {  	v25 =	vadd.s32 v8, v19;
	_ =	sdelay $0x3  }
0xb8: {  	[tilespmem:v24+s31+$0x0] =	vst.idx.msk $0xffff, v23  }
0xb9: {  	v59 =	vor.u32 v9, v22;
	v23 =	vld.idx.msk [tilespmem:v25+s30+$0x0], $0xffff  }
0xba: {  	v26 =	vadd.s32 v10, v19;
	_ =	sdelay $0x3  }
0xbb: {  	[tilespmem:v59+s31+$0x0] =	vst.idx.msk $0xffff, v23  }
0xbc: {  	v60 =	vor.u32 v11, v22;
	v23 =	vld.idx.msk [tilespmem:v26+s30+$0x0], $0xffff  }
0xbd: {  	v19 =	vadd.s32 v12, v19;
	_ =	sdelay $0x3  }
0xbe: {  	[tilespmem:v60+s31+$0x0] =	vst.idx.msk $0xffff, v23  }
0xbf: {  	v61 =	vor.u32 v13, v22;
	v19 =	vld.idx.msk [tilespmem:v19+s30+$0x0], $0xffff;
	_ =	sdelay $0x4  }
0xc0: {  	[tilespmem:v61+s31+$0x0] =	vst.idx.msk $0xffff, v19  }
0xc1: {  	v19 =	vld.idx.msk [tilespmem:v20+s6+$0x0], $0xffff;
	v20 =	vor.u32 v14, v22;
	_ =	sdelay $0x1  }
0xc2: {  	v62 =	vsel vm1, $0x0, v18  }
0xc3: {  	(xrf0) =	vadd.scan.msk.s32 $0xffff, v62;
	_ =	sdelay $0x1  }
0xc4: {  	[tilespmem:v20+s31+$0x0] =	vst.idx.msk $0xffff, v19  }
0xc5: {  	v20 =	vor.u32 v15, v22;
	v19 =	vld.idx.msk [tilespmem:v25+s6+$0x0], $0xffff;
	_ =	sdelay $0x2  }
0xc6: {  	v63, _, _ =	vpop (xrf0)  }
0xc7: {  	s17 =	sadd.s32 $0x1, s17;
	v22 =	vbroadcast v63, $0xF  }
0xc8: {  	p4 =	sne.s32 s17, $0x70;
	[tilespmem:v20+s31+$0x0] =	vst.idx.msk $0xffff, v19  }
0xc9: {  	s21 =	simm.s32 @!p4 $0x70;
	s22 =	simm.s32 @!p4 $0x1F880;
	s23 =	simm.s32 @!p4 $0x1C080;
	[tilespmem:v21+s0+$0x0] =	vst.idx.msk $0x1, v22  }
0xca: {  	[hbm4b:s9+s21] =	stream.indirect.scatter @!p4 [tilespmem:s23], [sflag:$0x5], $0x80, s22, s21, $0xb8;
	[tilespmem:$0x1F900] =	vst v63  }
0xcb: {  	vm0 =	vmand vm0, vm1;
	s21 =	simm.s32 @!p4 $0x5  }
0xcc: {  	v19 =	vsel vm0, $0x3F800000, v6;
	_ =	swait.ge @!p4 [sflag:s21], $0x3800  }
0xcd: {  	(xrf0) =	vmax.scan.msk.f32 $0xffff, v19;
	_ =	sdelay $0x5  }
0xce: {  	v19, _, _ =	vpop (xrf0)  }
0xcf: {  	(v2sf) =	vpush v19, $0xF;
	_ =	sdelay $0xc  }
0xd0: {  	[sflag:s21] =	ssyncset.done @!p4 $0x0  }
0xd1: {  	[sflag:s21] =	ssyncadd.s32 @!p4 $0xFFFFC800  }
0xd2: {  	[tilespmem:$0x1F880] =	vst @!p4 v2;
	s25 =	spop (v2sf)  }
0xd3: {  	[tilespmem:$0x1F890] =	vst @!p4 v2;
	p5 =	sgt.f32 s25, $0.0e+00  }
.Ltmp9:
0xd4: {  	[tilespmem:$0x1F8A0] =	vst @!p4 v2;
	(pc) =	sbr.rel @p5 .LBB2_9-.Ltmp9, $4  }
0xd5: {  	[tilespmem:$0x1F8B0] =	vst @!p4 v2  }
0xd6: {  	[tilespmem:$0x1F8C0] =	vst @!p4 v2  }
0xd7: {  	[tilespmem:$0x1F8D0] =	vst @!p4 v2  }
0xd8: {  	s17 =	simm.s32 @!p4 $0x0;
	[tilespmem:$0x1F8E0] =	vst @!p4 v2  }
.Ltmp10:
0xd9: {  	_ = 	snop;
	(pc) =	sbr.rel .LBB2_10-.Ltmp10, $1  }
0xda: {  	_ =	sdelay $0x3  }
.LBB2_5:
0xdb: {  	s17 =	smov.u32 @p4 s17  }
.LBB2_11:
0xdc: {  	s20 =	sor.u32 $0x1, s19  }
0xdd: {  	p4 =	sle.s32 s10, s20  }
0xde: {  	s21 =	simm.s32 @!p4 $0x2;
	s22 =	sadd.s32 @!p4 $0x4, s19  }
0xdf: {  	_ =	swait.ge @!p4 [sflag:s21], $0x4000;
	p5 =	sle.s32 @!p4 s10, s22  }
0xe0: {  	[sflag:s21] =	ssyncset.done @!p4 $0x0;
	p5 =	por p5, p4  }
0xe1: {  	[sflag:s21] =	ssyncadd.s32 @!p4 $0xFFFFC000;
	s22 =	sshll.u32 @!p5 s22, $0xB  }
0xe2: {  	s23 =	simm.s32 @!p5 $0x800;
	_ =	swait.ge @!p4 [sflag:s21], $0x2000;
	s22 =	sadd.s32 @!p5 s8, s22  }
0xe3: {  	s24 =	simm.s32 @!p5 $0x7A1400;
	[sflag:s21] =	ssyncset.done @!p4 $0x0;
	s22 =	sshrl.u32 @!p5 s22, $0x3  }
0xe4: {  	s25 =	simm.s32 @!p5 $0x4080;
	[sflag:s21] =	ssyncadd.s32 @!p4 $0xFFFFE000;
	s21 =	sadd.s32 @!p5 s1, s22  }
0xe5: {  	[tilespmem:s25], [sflag:$0x1] =	stream.strided.gather @!p5 [hbm4b:s21+s23], $0x4000, s24, s23, $0x38;
	[tilespmem:$0x1F900] =	vst v63  }
0xe6: {  	s21 =	sadd.s32 @!p5 s2, s22;
	s22 =	simm.s32 @!p5 $0x14080  }
0xe7: {  	[tilespmem:s22], [sflag:$0x1] =	stream.strided.gather @!p5 [hbm4b:s21+s23], $0x2000, s24, s23, $0x38;
	[tilespmem:$0x1F900] =	vst v63  }
0xe8: {  	p5 =	slt.s32 @!p4 s16, $0x1  }
0xe9: {  	p5 =	por p4, p5  }
.Ltmp11:
0xea: {  	_ = 	snop;
	(pc) =	sbr.rel @p5 .LBB2_12-.Ltmp11, $1  }
0xeb: {  	_ =	sdelay $0x3  }
.Ltmp12:
0xec: {  	(pc) =	sbr.rel .LBB2_14-.Ltmp12, $2  }
0xed: {  	_ =	sdelay $0x2  }
0xee: {  	v16 =	vmov s20;
	s20 =	simm.s32 $0x0  }
.LBB2_17:
0xef: {  	s20 =	sadd.s32 $0x1, s20  }
0xf0: {  	p4 =	sne.s32 s20, s16  }
.Ltmp13:
0xf1: {  	_ = 	snop;
	(pc) =	sbr.rel @!p4 .LBB2_18-.Ltmp13, $1  }
0xf2: {  	_ =	sdelay $0x3  }
.LBB2_14:
0xf3: {  	s21 =	sshll.u32 s20, $0x6  }
0xf4: {  	s21 =	sshra.s32 s21, $0x2  }
0xf5: {  	v18 =	vld [tilespmem:s21+$0x0];
	_ =	sdelay $0x4  }
0xf6: {  	v17 =	vshrl.u32 v18, $0x16  }
0xf7: {  	vm0 =	veq.s32 v17, v16  }
0xf8: {  	v17 =	vsel vm0, $0x3F800000, v6  }
0xf9: {  	(xrf0) =	vmax.scan.msk.f32 $0xffff, v17;
	_ =	sdelay $0x5  }
0xfa: {  	v17, _, _ =	vpop (xrf0)  }
0xfb: {  	(v2sf) =	vpush v17, $0xF;
	_ =	sdelay $0xe  }
0xfc: {  	s25 =	spop (v2sf)  }
0xfd: {  	p4 =	sgt.f32 s25, $0.0e+00  }
.Ltmp14:
0xfe: {  	_ = 	snop;
	(pc) =	sbr.rel @!p4 .LBB2_17-.Ltmp14, $1  }
0xff: {  	_ =	sdelay $0x3  }
0x100: {  	v17 =	vshrl.u32 v18, $0xE  }
0x101: {  	v18 =	vand.u32 $0x3FFF, v18;
	v17 =	vand.u32 $0xFF, v17  }
.LBB2_16:
0x102: {  	v19 =	vmctz.xlane vm0;
	_ =	sdelay $0x1  }
0x103: {  	vm1 =	vne.s32 v19, v4  }
0x104: {  	v19 =	vsel vm1, $0x0, v17  }
0x105: {  	(xrf0) =	vadd.scan.msk.s32 $0xffff, v19;
	_ =	sdelay $0x5  }
0x106: {  	v19, _, _ =	vpop (xrf0)  }
0x107: {  	v19 =	vbroadcast v19, $0xF;
	_ =	sdelay $0x1  }
0x108: {  	v20 =	vshll.u32 v19, $0x3  }
0x109: {  	v19 =	vand.u32 $0x7F, v19;
	v20 =	vand.u32 $0xFFFFFC00, v20  }
0x10a: {  	v19 =	vor.u32 v19, v20  }
0x10b: {  	v20 =	vadd.s32 v7, v19;
	_ =	sdelay $0x2  }
0x10c: {  	v21 =	vmov s17  }
0x10d: {  	v22 =	vshll.u32 v21, $0x7  }
0x10e: {  	v24 =	vor.u32 v4, v22;
	v23 =	vld.idx.msk [tilespmem:v20+s5+$0x0], $0xffff  }
0x10f: {  	v25 =	vadd.s32 v8, v19;
	_ =	sdelay $0x3  }
0x110: {  	[tilespmem:v24+s31+$0x0] =	vst.idx.msk $0xffff, v23  }
0x111: {  	v59 =	vor.u32 v9, v22;
	v23 =	vld.idx.msk [tilespmem:v25+s5+$0x0], $0xffff  }
0x112: {  	v26 =	vadd.s32 v10, v19;
	_ =	sdelay $0x3  }
0x113: {  	[tilespmem:v59+s31+$0x0] =	vst.idx.msk $0xffff, v23  }
0x114: {  	v60 =	vor.u32 v11, v22;
	v23 =	vld.idx.msk [tilespmem:v26+s5+$0x0], $0xffff  }
0x115: {  	v19 =	vadd.s32 v12, v19;
	_ =	sdelay $0x3  }
0x116: {  	[tilespmem:v60+s31+$0x0] =	vst.idx.msk $0xffff, v23  }
0x117: {  	v61 =	vor.u32 v13, v22;
	v19 =	vld.idx.msk [tilespmem:v19+s5+$0x0], $0xffff;
	_ =	sdelay $0x4  }
0x118: {  	[tilespmem:v61+s31+$0x0] =	vst.idx.msk $0xffff, v19  }
0x119: {  	v19 =	vld.idx.msk [tilespmem:v20+s4+$0x0], $0xffff;
	v20 =	vor.u32 v14, v22;
	_ =	sdelay $0x1  }
0x11a: {  	v62 =	vsel vm1, $0x0, v18  }
0x11b: {  	(xrf0) =	vadd.scan.msk.s32 $0xffff, v62;
	_ =	sdelay $0x1  }
0x11c: {  	[tilespmem:v20+s31+$0x0] =	vst.idx.msk $0xffff, v19  }
0x11d: {  	v20 =	vor.u32 v15, v22;
	v19 =	vld.idx.msk [tilespmem:v25+s4+$0x0], $0xffff;
	_ =	sdelay $0x2  }
0x11e: {  	v63, _, _ =	vpop (xrf0)  }
0x11f: {  	s17 =	sadd.s32 $0x1, s17;
	v22 =	vbroadcast v63, $0xF  }
0x120: {  	p4 =	sne.s32 s17, $0x70;
	[tilespmem:v20+s31+$0x0] =	vst.idx.msk $0xffff, v19  }
0x121: {  	s21 =	simm.s32 @!p4 $0x70;
	s22 =	simm.s32 @!p4 $0x1F880;
	s23 =	simm.s32 @!p4 $0x1C080;
	[tilespmem:v21+s0+$0x0] =	vst.idx.msk $0x1, v22  }
0x122: {  	[hbm4b:s9+s21] =	stream.indirect.scatter @!p4 [tilespmem:s23], [sflag:$0x5], $0x80, s22, s21, $0xb8;
	[tilespmem:$0x1F900] =	vst v63  }
0x123: {  	vm0 =	vmand vm0, vm1;
	s21 =	simm.s32 @!p4 $0x5  }
0x124: {  	v19 =	vsel vm0, $0x3F800000, v6;
	_ =	swait.ge @!p4 [sflag:s21], $0x3800  }
0x125: {  	(xrf0) =	vmax.scan.msk.f32 $0xffff, v19;
	_ =	sdelay $0x5  }
0x126: {  	v19, _, _ =	vpop (xrf0)  }
0x127: {  	(v2sf) =	vpush v19, $0xF;
	_ =	sdelay $0xc  }
0x128: {  	[sflag:s21] =	ssyncset.done @!p4 $0x0  }
0x129: {  	[sflag:s21] =	ssyncadd.s32 @!p4 $0xFFFFC800  }
0x12a: {  	[tilespmem:$0x1F880] =	vst @!p4 v2;
	s25 =	spop (v2sf)  }
0x12b: {  	[tilespmem:$0x1F890] =	vst @!p4 v2;
	p5 =	sgt.f32 s25, $0.0e+00  }
.Ltmp15:
0x12c: {  	[tilespmem:$0x1F8A0] =	vst @!p4 v2;
	(pc) =	sbr.rel @p5 .LBB2_16-.Ltmp15, $4  }
0x12d: {  	[tilespmem:$0x1F8B0] =	vst @!p4 v2  }
0x12e: {  	[tilespmem:$0x1F8C0] =	vst @!p4 v2  }
0x12f: {  	[tilespmem:$0x1F8D0] =	vst @!p4 v2  }
0x130: {  	s17 =	simm.s32 @!p4 $0x0;
	[tilespmem:$0x1F8E0] =	vst @!p4 v2  }
.Ltmp16:
0x131: {  	_ = 	snop;
	(pc) =	sbr.rel .LBB2_17-.Ltmp16, $1  }
0x132: {  	_ =	sdelay $0x3  }
.LBB2_12:
0x133: {  	s17 =	smov.u32 @p4 s17  }
.LBB2_18:
0x134: {  	s20 =	sor.u32 $0x2, s19  }
0x135: {  	p4 =	sle.s32 s10, s20  }
0x136: {  	s21 =	simm.s32 @!p4 $0x3;
	s22 =	sadd.s32 @!p4 $0x5, s19  }
0x137: {  	_ =	swait.ge @!p4 [sflag:s21], $0x4000;
	p5 =	sle.s32 @!p4 s10, s22  }
0x138: {  	[sflag:s21] =	ssyncset.done @!p4 $0x0;
	p5 =	por p5, p4  }
0x139: {  	[sflag:s21] =	ssyncadd.s32 @!p4 $0xFFFFC000;
	s22 =	sshll.u32 @!p5 s22, $0xB  }
0x13a: {  	s23 =	simm.s32 @!p5 $0x800;
	_ =	swait.ge @!p4 [sflag:s21], $0x2000;
	s22 =	sadd.s32 @!p5 s8, s22  }
0x13b: {  	s24 =	simm.s32 @!p5 $0x7A1400;
	[sflag:s21] =	ssyncset.done @!p4 $0x0;
	s22 =	sshrl.u32 @!p5 s22, $0x3  }
0x13c: {  	s25 =	simm.s32 @!p5 $0x8080;
	[sflag:s21] =	ssyncadd.s32 @!p4 $0xFFFFE000;
	s21 =	sadd.s32 @!p5 s1, s22  }
0x13d: {  	[tilespmem:s25], [sflag:$0x2] =	stream.strided.gather @!p5 [hbm4b:s21+s23], $0x4000, s24, s23, $0x38;
	[tilespmem:$0x1F900] =	vst v63  }
0x13e: {  	s21 =	sadd.s32 @!p5 s2, s22;
	s22 =	simm.s32 @!p5 $0x16080  }
0x13f: {  	[tilespmem:s22], [sflag:$0x2] =	stream.strided.gather @!p5 [hbm4b:s21+s23], $0x2000, s24, s23, $0x38;
	[tilespmem:$0x1F900] =	vst v63  }
0x140: {  	p5 =	slt.s32 @!p4 s16, $0x1  }
0x141: {  	p5 =	por p4, p5  }
.Ltmp17:
0x142: {  	_ = 	snop;
	(pc) =	sbr.rel @p5 .LBB2_19-.Ltmp17, $1  }
0x143: {  	_ =	sdelay $0x3  }
.Ltmp18:
0x144: {  	(pc) =	sbr.rel .LBB2_21-.Ltmp18, $2  }
0x145: {  	_ =	sdelay $0x2  }
0x146: {  	v16 =	vmov s20;
	s20 =	simm.s32 $0x0  }
.LBB2_24:
0x147: {  	s20 =	sadd.s32 $0x1, s20  }
0x148: {  	p4 =	sne.s32 s20, s16  }
.Ltmp19:
0x149: {  	_ = 	snop;
	(pc) =	sbr.rel @!p4 .LBB2_25-.Ltmp19, $1  }
0x14a: {  	_ =	sdelay $0x3  }
.LBB2_21:
0x14b: {  	s21 =	sshll.u32 s20, $0x6  }
0x14c: {  	s21 =	sshra.s32 s21, $0x2  }
0x14d: {  	v18 =	vld [tilespmem:s21+$0x0];
	_ =	sdelay $0x4  }
0x14e: {  	v17 =	vshrl.u32 v18, $0x16  }
0x14f: {  	vm0 =	veq.s32 v17, v16  }
0x150: {  	v17 =	vsel vm0, $0x3F800000, v6  }
0x151: {  	(xrf0) =	vmax.scan.msk.f32 $0xffff, v17;
	_ =	sdelay $0x5  }
0x152: {  	v17, _, _ =	vpop (xrf0)  }
0x153: {  	(v2sf) =	vpush v17, $0xF;
	_ =	sdelay $0xe  }
0x154: {  	s25 =	spop (v2sf)  }
0x155: {  	p4 =	sgt.f32 s25, $0.0e+00  }
.Ltmp20:
0x156: {  	_ = 	snop;
	(pc) =	sbr.rel @!p4 .LBB2_24-.Ltmp20, $1  }
0x157: {  	_ =	sdelay $0x3  }
0x158: {  	v17 =	vshrl.u32 v18, $0xE  }
0x159: {  	v18 =	vand.u32 $0x3FFF, v18;
	v17 =	vand.u32 $0xFF, v17  }
.LBB2_23:
0x15a: {  	v19 =	vmctz.xlane vm0;
	_ =	sdelay $0x1  }
0x15b: {  	vm1 =	vne.s32 v19, v4  }
0x15c: {  	v19 =	vsel vm1, $0x0, v17  }
0x15d: {  	(xrf0) =	vadd.scan.msk.s32 $0xffff, v19;
	_ =	sdelay $0x5  }
0x15e: {  	v19, _, _ =	vpop (xrf0)  }
0x15f: {  	v19 =	vbroadcast v19, $0xF;
	_ =	sdelay $0x1  }
0x160: {  	v20 =	vshll.u32 v19, $0x3  }
0x161: {  	v19 =	vand.u32 $0x7F, v19;
	v20 =	vand.u32 $0xFFFFFC00, v20  }
0x162: {  	v19 =	vor.u32 v19, v20  }
0x163: {  	v20 =	vadd.s32 v7, v19;
	_ =	sdelay $0x2  }
0x164: {  	v21 =	vmov s17  }
0x165: {  	v22 =	vshll.u32 v21, $0x7  }
0x166: {  	v24 =	vor.u32 v4, v22;
	v23 =	vld.idx.msk [tilespmem:v20+s3+$0x0], $0xffff  }
0x167: {  	v25 =	vadd.s32 v8, v19;
	_ =	sdelay $0x3  }
0x168: {  	[tilespmem:v24+s31+$0x0] =	vst.idx.msk $0xffff, v23  }
0x169: {  	v59 =	vor.u32 v9, v22;
	v23 =	vld.idx.msk [tilespmem:v25+s3+$0x0], $0xffff  }
0x16a: {  	v26 =	vadd.s32 v10, v19;
	_ =	sdelay $0x3  }
0x16b: {  	[tilespmem:v59+s31+$0x0] =	vst.idx.msk $0xffff, v23  }
0x16c: {  	v60 =	vor.u32 v11, v22;
	v23 =	vld.idx.msk [tilespmem:v26+s3+$0x0], $0xffff  }
0x16d: {  	v19 =	vadd.s32 v12, v19;
	_ =	sdelay $0x3  }
0x16e: {  	[tilespmem:v60+s31+$0x0] =	vst.idx.msk $0xffff, v23  }
0x16f: {  	v61 =	vor.u32 v13, v22;
	v19 =	vld.idx.msk [tilespmem:v19+s3+$0x0], $0xffff;
	_ =	sdelay $0x4  }
0x170: {  	[tilespmem:v61+s31+$0x0] =	vst.idx.msk $0xffff, v19  }
0x171: {  	v19 =	vld.idx.msk [tilespmem:v20+s11+$0x0], $0xffff;
	v20 =	vor.u32 v14, v22;
	_ =	sdelay $0x1  }
0x172: {  	v62 =	vsel vm1, $0x0, v18  }
0x173: {  	(xrf0) =	vadd.scan.msk.s32 $0xffff, v62;
	_ =	sdelay $0x1  }
0x174: {  	[tilespmem:v20+s31+$0x0] =	vst.idx.msk $0xffff, v19  }
0x175: {  	v20 =	vor.u32 v15, v22;
	v19 =	vld.idx.msk [tilespmem:v25+s11+$0x0], $0xffff;
	_ =	sdelay $0x2  }
0x176: {  	v63, _, _ =	vpop (xrf0)  }
0x177: {  	s17 =	sadd.s32 $0x1, s17;
	v22 =	vbroadcast v63, $0xF  }
0x178: {  	p4 =	sne.s32 s17, $0x70;
	[tilespmem:v20+s31+$0x0] =	vst.idx.msk $0xffff, v19  }
0x179: {  	s21 =	simm.s32 @!p4 $0x70;
	s22 =	simm.s32 @!p4 $0x1F880;
	s23 =	simm.s32 @!p4 $0x1C080;
	[tilespmem:v21+s0+$0x0] =	vst.idx.msk $0x1, v22  }
0x17a: {  	[hbm4b:s9+s21] =	stream.indirect.scatter @!p4 [tilespmem:s23], [sflag:$0x5], $0x80, s22, s21, $0xb8;
	[tilespmem:$0x1F900] =	vst v63  }
0x17b: {  	vm0 =	vmand vm0, vm1;
	s21 =	simm.s32 @!p4 $0x5  }
0x17c: {  	v19 =	vsel vm0, $0x3F800000, v6;
	_ =	swait.ge @!p4 [sflag:s21], $0x3800  }
0x17d: {  	(xrf0) =	vmax.scan.msk.f32 $0xffff, v19;
	_ =	sdelay $0x5  }
0x17e: {  	v19, _, _ =	vpop (xrf0)  }
0x17f: {  	(v2sf) =	vpush v19, $0xF;
	_ =	sdelay $0xc  }
0x180: {  	[sflag:s21] =	ssyncset.done @!p4 $0x0  }
0x181: {  	[sflag:s21] =	ssyncadd.s32 @!p4 $0xFFFFC800  }
0x182: {  	[tilespmem:$0x1F880] =	vst @!p4 v2;
	s25 =	spop (v2sf)  }
0x183: {  	[tilespmem:$0x1F890] =	vst @!p4 v2;
	p5 =	sgt.f32 s25, $0.0e+00  }
.Ltmp21:
0x184: {  	[tilespmem:$0x1F8A0] =	vst @!p4 v2;
	(pc) =	sbr.rel @p5 .LBB2_23-.Ltmp21, $4  }
0x185: {  	[tilespmem:$0x1F8B0] =	vst @!p4 v2  }
0x186: {  	[tilespmem:$0x1F8C0] =	vst @!p4 v2  }
0x187: {  	[tilespmem:$0x1F8D0] =	vst @!p4 v2  }
0x188: {  	s17 =	simm.s32 @!p4 $0x0;
	[tilespmem:$0x1F8E0] =	vst @!p4 v2  }
.Ltmp22:
0x189: {  	_ = 	snop;
	(pc) =	sbr.rel .LBB2_24-.Ltmp22, $1  }
0x18a: {  	_ =	sdelay $0x3  }
.LBB2_19:
0x18b: {  	s17 =	smov.u32 @p4 s17  }
.LBB2_25:
0x18c: {  	s20 =	sor.u32 $0x3, s19  }
0x18d: {  	p4 =	sle.s32 s10, s20  }
0x18e: {  	s21 =	simm.s32 @!p4 $0x4;
	s19 =	sadd.s32 @!p4 $0x6, s19  }
0x18f: {  	_ =	swait.ge @!p4 [sflag:s21], $0x4000;
	p5 =	sle.s32 @!p4 s10, s19  }
0x190: {  	[sflag:s21] =	ssyncset.done @!p4 $0x0;
	p5 =	por p5, p4  }
0x191: {  	[sflag:s21] =	ssyncadd.s32 @!p4 $0xFFFFC000;
	s19 =	sshll.u32 @!p5 s19, $0xB  }
0x192: {  	s22 =	simm.s32 @!p5 $0x800;
	_ =	swait.ge @!p4 [sflag:s21], $0x2000;
	s19 =	sadd.s32 @!p5 s8, s19  }
0x193: {  	s23 =	simm.s32 @!p5 $0x7A1400;
	[sflag:s21] =	ssyncset.done @!p4 $0x0;
	s19 =	sshrl.u32 @!p5 s19, $0x3  }
0x194: {  	s24 =	simm.s32 @!p5 $0xC080;
	[sflag:s21] =	ssyncadd.s32 @!p4 $0xFFFFE000;
	s21 =	sadd.s32 @!p5 s1, s19  }
0x195: {  	[tilespmem:s24], [sflag:$0x3] =	stream.strided.gather @!p5 [hbm4b:s21+s22], $0x4000, s23, s22, $0x38;
	[tilespmem:$0x1F900] =	vst v63  }
0x196: {  	s19 =	sadd.s32 @!p5 s2, s19;
	s21 =	simm.s32 @!p5 $0x18080  }
0x197: {  	[tilespmem:s21], [sflag:$0x3] =	stream.strided.gather @!p5 [hbm4b:s19+s22], $0x2000, s23, s22, $0x38;
	[tilespmem:$0x1F900] =	vst v63  }
0x198: {  	p5 =	slt.s32 @!p4 s16, $0x1  }
0x199: {  	p5 =	por p4, p5  }
.Ltmp23:
0x19a: {  	_ = 	snop;
	(pc) =	sbr.rel @p5 .LBB2_26-.Ltmp23, $1  }
0x19b: {  	_ =	sdelay $0x3  }
.Ltmp24:
0x19c: {  	(pc) =	sbr.rel .LBB2_28-.Ltmp24, $2  }
0x19d: {  	_ =	sdelay $0x2  }
0x19e: {  	v16 =	vmov s20;
	s19 =	simm.s32 $0x0  }
.LBB2_31:
0x19f: {  	s19 =	sadd.s32 $0x1, s19  }
0x1a0: {  	p4 =	sne.s32 s19, s16  }
.Ltmp25:
0x1a1: {  	_ = 	snop;
	(pc) =	sbr.rel @!p4 .LBB2_32-.Ltmp25, $1  }
0x1a2: {  	_ =	sdelay $0x3  }
.LBB2_28:
0x1a3: {  	s20 =	sshll.u32 s19, $0x6  }
0x1a4: {  	s20 =	sshra.s32 s20, $0x2  }
0x1a5: {  	v18 =	vld [tilespmem:s20+$0x0];
	_ =	sdelay $0x4  }
0x1a6: {  	v17 =	vshrl.u32 v18, $0x16  }
0x1a7: {  	vm0 =	veq.s32 v17, v16  }
0x1a8: {  	v17 =	vsel vm0, $0x3F800000, v6  }
0x1a9: {  	(xrf0) =	vmax.scan.msk.f32 $0xffff, v17;
	_ =	sdelay $0x5  }
0x1aa: {  	v17, _, _ =	vpop (xrf0)  }
0x1ab: {  	(v2sf) =	vpush v17, $0xF;
	_ =	sdelay $0xe  }
0x1ac: {  	s25 =	spop (v2sf)  }
0x1ad: {  	p4 =	sgt.f32 s25, $0.0e+00  }
.Ltmp26:
0x1ae: {  	_ = 	snop;
	(pc) =	sbr.rel @!p4 .LBB2_31-.Ltmp26, $1  }
0x1af: {  	_ =	sdelay $0x3  }
0x1b0: {  	v17 =	vshrl.u32 v18, $0xE  }
0x1b1: {  	v18 =	vand.u32 $0x3FFF, v18;
	v17 =	vand.u32 $0xFF, v17  }
.LBB2_30:
0x1b2: {  	v19 =	vmctz.xlane vm0;
	_ =	sdelay $0x1  }
0x1b3: {  	vm1 =	vne.s32 v19, v4  }
0x1b4: {  	v19 =	vsel vm1, $0x0, v17  }
0x1b5: {  	(xrf0) =	vadd.scan.msk.s32 $0xffff, v19;
	_ =	sdelay $0x5  }
0x1b6: {  	v19, _, _ =	vpop (xrf0)  }
0x1b7: {  	v19 =	vbroadcast v19, $0xF;
	_ =	sdelay $0x1  }
0x1b8: {  	v20 =	vshll.u32 v19, $0x3  }
0x1b9: {  	v19 =	vand.u32 $0x7F, v19;
	v20 =	vand.u32 $0xFFFFFC00, v20  }
0x1ba: {  	v19 =	vor.u32 v19, v20  }
0x1bb: {  	v20 =	vadd.s32 v7, v19;
	_ =	sdelay $0x2  }
0x1bc: {  	v21 =	vmov s17  }
0x1bd: {  	v22 =	vshll.u32 v21, $0x7  }
0x1be: {  	v24 =	vor.u32 v4, v22;
	v23 =	vld.idx.msk [tilespmem:v20+s12+$0x0], $0xffff  }
0x1bf: {  	v25 =	vadd.s32 v8, v19;
	_ =	sdelay $0x3  }
0x1c0: {  	[tilespmem:v24+s31+$0x0] =	vst.idx.msk $0xffff, v23  }
0x1c1: {  	v59 =	vor.u32 v9, v22;
	v23 =	vld.idx.msk [tilespmem:v25+s12+$0x0], $0xffff  }
0x1c2: {  	v26 =	vadd.s32 v10, v19;
	_ =	sdelay $0x3  }
0x1c3: {  	[tilespmem:v59+s31+$0x0] =	vst.idx.msk $0xffff, v23  }
0x1c4: {  	v60 =	vor.u32 v11, v22;
	v23 =	vld.idx.msk [tilespmem:v26+s12+$0x0], $0xffff  }
0x1c5: {  	v19 =	vadd.s32 v12, v19;
	_ =	sdelay $0x3  }
0x1c6: {  	[tilespmem:v60+s31+$0x0] =	vst.idx.msk $0xffff, v23  }
0x1c7: {  	v61 =	vor.u32 v13, v22;
	v19 =	vld.idx.msk [tilespmem:v19+s12+$0x0], $0xffff;
	_ =	sdelay $0x4  }
0x1c8: {  	[tilespmem:v61+s31+$0x0] =	vst.idx.msk $0xffff, v19  }
0x1c9: {  	v19 =	vld.idx.msk [tilespmem:v20+s13+$0x0], $0xffff;
	v20 =	vor.u32 v14, v22;
	_ =	sdelay $0x1  }
0x1ca: {  	v62 =	vsel vm1, $0x0, v18  }
0x1cb: {  	(xrf0) =	vadd.scan.msk.s32 $0xffff, v62;
	_ =	sdelay $0x1  }
0x1cc: {  	[tilespmem:v20+s31+$0x0] =	vst.idx.msk $0xffff, v19  }
0x1cd: {  	v20 =	vor.u32 v15, v22;
	v19 =	vld.idx.msk [tilespmem:v25+s13+$0x0], $0xffff;
	_ =	sdelay $0x2  }
0x1ce: {  	v63, _, _ =	vpop (xrf0)  }
0x1cf: {  	s17 =	sadd.s32 $0x1, s17;
	v22 =	vbroadcast v63, $0xF  }
0x1d0: {  	p4 =	sne.s32 s17, $0x70;
	[tilespmem:v20+s31+$0x0] =	vst.idx.msk $0xffff, v19  }
0x1d1: {  	s20 =	simm.s32 @!p4 $0x70;
	s21 =	simm.s32 @!p4 $0x1F880;
	s22 =	simm.s32 @!p4 $0x1C080;
	[tilespmem:v21+s0+$0x0] =	vst.idx.msk $0x1, v22  }
0x1d2: {  	[hbm4b:s9+s20] =	stream.indirect.scatter @!p4 [tilespmem:s22], [sflag:$0x5], $0x80, s21, s20, $0xb8;
	[tilespmem:$0x1F900] =	vst v63  }
0x1d3: {  	vm0 =	vmand vm0, vm1;
	s20 =	simm.s32 @!p4 $0x5  }
0x1d4: {  	v19 =	vsel vm0, $0x3F800000, v6;
	_ =	swait.ge @!p4 [sflag:s20], $0x3800  }
0x1d5: {  	(xrf0) =	vmax.scan.msk.f32 $0xffff, v19;
	_ =	sdelay $0x5  }
0x1d6: {  	v19, _, _ =	vpop (xrf0)  }
0x1d7: {  	(v2sf) =	vpush v19, $0xF;
	_ =	sdelay $0xc  }
0x1d8: {  	[sflag:s20] =	ssyncset.done @!p4 $0x0  }
0x1d9: {  	[sflag:s20] =	ssyncadd.s32 @!p4 $0xFFFFC800  }
0x1da: {  	[tilespmem:$0x1F880] =	vst @!p4 v2;
	s25 =	spop (v2sf)  }
0x1db: {  	[tilespmem:$0x1F890] =	vst @!p4 v2;
	p5 =	sgt.f32 s25, $0.0e+00  }
.Ltmp27:
0x1dc: {  	[tilespmem:$0x1F8A0] =	vst @!p4 v2;
	(pc) =	sbr.rel @p5 .LBB2_30-.Ltmp27, $4  }
0x1dd: {  	[tilespmem:$0x1F8B0] =	vst @!p4 v2  }
0x1de: {  	[tilespmem:$0x1F8C0] =	vst @!p4 v2  }
0x1df: {  	[tilespmem:$0x1F8D0] =	vst @!p4 v2  }
0x1e0: {  	s17 =	simm.s32 @!p4 $0x0;
	[tilespmem:$0x1F8E0] =	vst @!p4 v2  }
.Ltmp28:
0x1e1: {  	_ = 	snop;
	(pc) =	sbr.rel .LBB2_31-.Ltmp28, $1  }
0x1e2: {  	_ =	sdelay $0x3  }
.LBB2_33:
0x1e3: {  	s18 =	simm.s32 @!p2 $0x0;
	s19 =	simm.s32 @!p2 $0x4080;
	s20 =	rddreg [dreg:$0x2]  }
0x1e4: {  	[tilespmem:s19], [sflag:$0x6] =	stream.linear.gather @!p2 [hbm4b:s20+s18], $0x400, $0x38;
	[tilespmem:$0x1F900] =	vst v63  }
0x1e5: {  	s19 =	simm.s32 @!p2 $0x4880;
	s20 =	rddreg [dreg:$0xe]  }
0x1e6: {  	[tilespmem:s19], [sflag:$0x6] =	stream.linear.gather @!p2 [hbm4b:s20+s18], $0x400, $0x38;
	[tilespmem:$0x1F900] =	vst v63  }
0x1e7: {  	s19 =	simm.s32 @!p2 $0x5080;
	s20 =	rddreg [dreg:$0xf]  }
0x1e8: {  	[tilespmem:s19], [sflag:$0x6] =	stream.linear.gather @!p2 [hbm4b:s20+s18], $0x400, $0x38;
	[tilespmem:$0x1F900] =	vst v63  }
0x1e9: {  	s19 =	simm.s32 @!p2 $0x5880;
	s20 =	rddreg [dreg:$0x10]  }
0x1ea: {  	[tilespmem:s19], [sflag:$0x6] =	stream.linear.gather @!p2 [hbm4b:s20+s18], $0x400, $0x38;
	[tilespmem:$0x1F900] =	vst v63  }
0x1eb: {  	s19 =	simm.s32 @!p2 $0x6080;
	s20 =	rddreg [dreg:$0x11]  }
0x1ec: {  	[tilespmem:s19], [sflag:$0x6] =	stream.linear.gather @!p2 [hbm4b:s20+s18], $0x400, $0x38;
	[tilespmem:$0x1F900] =	vst v63  }
0x1ed: {  	s19 =	simm.s32 @!p2 $0x6880;
	s20 =	rddreg [dreg:$0x12]  }
0x1ee: {  	[tilespmem:s19], [sflag:$0x6] =	stream.linear.gather @!p2 [hbm4b:s20+s18], $0x400, $0x38;
	[tilespmem:$0x1F900] =	vst v63  }
0x1ef: {  	s19 =	simm.s32 @!p2 $0x7080;
	s20 =	rddreg [dreg:$0x13]  }
0x1f0: {  	[tilespmem:s19], [sflag:$0x6] =	stream.linear.gather @!p2 [hbm4b:s20+s18], $0x400, $0x38;
	[tilespmem:$0x1F900] =	vst v63  }
0x1f1: {  	s19 =	simm.s32 @!p2 $0x7880;
	s20 =	rddreg [dreg:$0x14]  }
0x1f2: {  	[tilespmem:s19], [sflag:$0x6] =	stream.linear.gather @!p2 [hbm4b:s20+s18], $0x400, $0x38;
	[tilespmem:$0x1F900] =	vst v63  }
0x1f3: {  	s19 =	simm.s32 @!p2 $0x6  }
0x1f4: {  	_ =	swait.ge @!p2 [sflag:s19], $0x2000  }
0x1f5: {  	[sflag:s19] =	ssyncset.done @!p2 $0x0  }
0x1f6: {  	[sflag:s19] =	ssyncadd.s32 @!p2 $0xFFFFE000  }
0x1f7: {  	s20 =	simm.s32 @!p2 $0x14080;
	s21 =	rddreg [dreg:$0x3]  }
0x1f8: {  	[tilespmem:s20], [sflag:$0x6] =	stream.linear.gather @!p2 [hbm4b:s21+s18], $0x400, $0x38;
	[tilespmem:$0x1F900] =	vst v63  }
0x1f9: {  	s20 =	simm.s32 @!p2 $0x14880;
	s21 =	rddreg [dreg:$0x15]  }
0x1fa: {  	[tilespmem:s20], [sflag:$0x6] =	stream.linear.gather @!p2 [hbm4b:s21+s18], $0x400, $0x38;
	[tilespmem:$0x1F900] =	vst v63  }
0x1fb: {  	p4 =	slt.s32 @!p2 s16, $0x1;
	s20 =	simm.s32 @!p2 $0x15080  }
0x1fc: {  	[tilespmem:s20], [sflag:$0x6] =	stream.linear.gather @!p2 [hbm4b:s26+s18], $0x400, $0x38;
	[tilespmem:$0x1F900] =	vst v63  }
0x1fd: {  	p4 =	por p2, p4;
	s20 =	simm.s32 @!p2 $0x15880  }
0x1fe: {  	[tilespmem:s20], [sflag:$0x6] =	stream.linear.gather @!p2 [hbm4b:s28+s18], $0x400, $0x38;
	[tilespmem:$0x1F900] =	vst v63  }
.Ltmp29:
0x1ff: {  	_ = 	snop;
	(pc) =	sbr.rel @!p4 .LBB2_34-.Ltmp29, $4  }
.Ltmp30:
0x200: {  	_ = 	snop;
	(pc) =	sbr.rel @p4 .LBB2_38-.Ltmp30, $4  }
0x201: {  	_ =	swait.ge @!p2 [sflag:s19], $0x1000  }
0x202: {  	[sflag:s19] =	ssyncset.done @!p2 $0x0  }
0x203: {  	[sflag:s19] =	ssyncadd.s32 @!p2 $0xFFFFF000  }
0x204: {  	_ = 	snop  }
.LBB2_37:
0x205: {  	s18 =	sadd.s32 $0x1, s18  }
0x206: {  	p4 =	sne.s32 s18, s16  }
.Ltmp31:
0x207: {  	_ = 	snop;
	(pc) =	sbr.rel @!p4 .LBB2_38-.Ltmp31, $1  }
0x208: {  	_ =	sdelay $0x3  }
.LBB2_34:
0x209: {  	s19 =	sshll.u32 s18, $0x6  }
0x20a: {  	s19 =	sshra.s32 s19, $0x2  }
0x20b: {  	v17 =	vld [tilespmem:s19+$0x0];
	_ =	sdelay $0x4  }
0x20c: {  	v16 =	vand.u32 $0xFFC00000, v17  }
0x20d: {  	vm0 =	veq.s32 v16, $0x17400000  }
0x20e: {  	v16 =	vsel vm0, $0x3F800000, v6  }
0x20f: {  	(xrf0) =	vmax.scan.msk.f32 $0xffff, v16;
	_ =	sdelay $0x5  }
0x210: {  	v16, _, _ =	vpop (xrf0)  }
0x211: {  	(v2sf) =	vpush v16, $0xF;
	_ =	sdelay $0xe  }
0x212: {  	s25 =	spop (v2sf)  }
0x213: {  	p4 =	sgt.f32 s25, $0.0e+00  }
.Ltmp32:
0x214: {  	_ = 	snop;
	(pc) =	sbr.rel @!p4 .LBB2_37-.Ltmp32, $1  }
0x215: {  	_ =	sdelay $0x3  }
0x216: {  	v16 =	vshrl.u32 v17, $0xE  }
0x217: {  	v17 =	vand.u32 $0x3FFF, v17;
	v16 =	vand.u32 $0xFF, v16  }
.LBB2_36:
0x218: {  	v18 =	vmctz.xlane vm0;
	_ =	sdelay $0x1  }
0x219: {  	vm1 =	vne.s32 v18, v4  }
0x21a: {  	v18 =	vsel vm1, $0x0, v16  }
0x21b: {  	(xrf0) =	vadd.scan.msk.s32 $0xffff, v18;
	_ =	sdelay $0x5  }
0x21c: {  	v18, _, _ =	vpop (xrf0)  }
0x21d: {  	v18 =	vbroadcast v18, $0xF;
	_ =	sdelay $0x1  }
0x21e: {  	v19 =	vshll.u32 v18, $0x3  }
0x21f: {  	v18 =	vand.u32 $0x7F, v18;
	v19 =	vand.u32 $0xFFFFFC00, v19  }
0x220: {  	v18 =	vor.u32 v18, v19  }
0x221: {  	v19 =	vadd.s32 v7, v18;
	_ =	sdelay $0x2  }
0x222: {  	v20 =	vmov s17  }
0x223: {  	v21 =	vshll.u32 v20, $0x7  }
0x224: {  	v23 =	vor.u32 v4, v21;
	v22 =	vld.idx.msk [tilespmem:v19+s30+$0x0], $0xffff  }
0x225: {  	v24 =	vadd.s32 v8, v18;
	_ =	sdelay $0x3  }
0x226: {  	[tilespmem:v23+s31+$0x0] =	vst.idx.msk $0xffff, v22  }
0x227: {  	v59 =	vor.u32 v9, v21;
	v22 =	vld.idx.msk [tilespmem:v24+s30+$0x0], $0xffff  }
0x228: {  	v25 =	vadd.s32 v10, v18;
	_ =	sdelay $0x3  }
0x229: {  	[tilespmem:v59+s31+$0x0] =	vst.idx.msk $0xffff, v22  }
0x22a: {  	v60 =	vor.u32 v11, v21;
	v22 =	vld.idx.msk [tilespmem:v25+s30+$0x0], $0xffff  }
0x22b: {  	v18 =	vadd.s32 v12, v18;
	_ =	sdelay $0x3  }
0x22c: {  	[tilespmem:v60+s31+$0x0] =	vst.idx.msk $0xffff, v22  }
0x22d: {  	v61 =	vor.u32 v13, v21;
	v18 =	vld.idx.msk [tilespmem:v18+s30+$0x0], $0xffff;
	_ =	sdelay $0x4  }
0x22e: {  	[tilespmem:v61+s31+$0x0] =	vst.idx.msk $0xffff, v18  }
0x22f: {  	v18 =	vld.idx.msk [tilespmem:v19+s6+$0x0], $0xffff;
	v19 =	vor.u32 v14, v21;
	_ =	sdelay $0x1  }
0x230: {  	v62 =	vsel vm1, $0x0, v17  }
0x231: {  	(xrf0) =	vadd.scan.msk.s32 $0xffff, v62;
	_ =	sdelay $0x1  }
0x232: {  	[tilespmem:v19+s31+$0x0] =	vst.idx.msk $0xffff, v18  }
0x233: {  	v19 =	vor.u32 v15, v21;
	v18 =	vld.idx.msk [tilespmem:v24+s6+$0x0], $0xffff;
	_ =	sdelay $0x2  }
0x234: {  	v63, _, _ =	vpop (xrf0)  }
0x235: {  	s17 =	sadd.s32 $0x1, s17;
	v21 =	vbroadcast v63, $0xF  }
0x236: {  	p4 =	sne.s32 s17, $0x70;
	[tilespmem:v19+s31+$0x0] =	vst.idx.msk $0xffff, v18  }
0x237: {  	s19 =	simm.s32 @!p4 $0x70;
	s20 =	simm.s32 @!p4 $0x1F880;
	s21 =	simm.s32 @!p4 $0x1C080;
	[tilespmem:v20+s0+$0x0] =	vst.idx.msk $0x1, v21  }
0x238: {  	[hbm4b:s9+s19] =	stream.indirect.scatter @!p4 [tilespmem:s21], [sflag:$0x5], $0x80, s20, s19, $0xb8;
	[tilespmem:$0x1F900] =	vst v63  }
0x239: {  	vm0 =	vmand vm0, vm1;
	s19 =	simm.s32 @!p4 $0x5  }
0x23a: {  	v18 =	vsel vm0, $0x3F800000, v6;
	_ =	swait.ge @!p4 [sflag:s19], $0x3800  }
0x23b: {  	(xrf0) =	vmax.scan.msk.f32 $0xffff, v18;
	_ =	sdelay $0x5  }
0x23c: {  	v18, _, _ =	vpop (xrf0)  }
0x23d: {  	(v2sf) =	vpush v18, $0xF;
	_ =	sdelay $0xc  }
0x23e: {  	[sflag:s19] =	ssyncset.done @!p4 $0x0  }
0x23f: {  	[sflag:s19] =	ssyncadd.s32 @!p4 $0xFFFFC800  }
0x240: {  	[tilespmem:$0x1F880] =	vst @!p4 v2;
	s25 =	spop (v2sf)  }
0x241: {  	[tilespmem:$0x1F890] =	vst @!p4 v2;
	p5 =	sgt.f32 s25, $0.0e+00  }
.Ltmp33:
0x242: {  	[tilespmem:$0x1F8A0] =	vst @!p4 v2;
	(pc) =	sbr.rel @p5 .LBB2_36-.Ltmp33, $4  }
0x243: {  	[tilespmem:$0x1F8B0] =	vst @!p4 v2  }
0x244: {  	[tilespmem:$0x1F8C0] =	vst @!p4 v2  }
0x245: {  	[tilespmem:$0x1F8D0] =	vst @!p4 v2  }
0x246: {  	s17 =	simm.s32 @!p4 $0x0;
	[tilespmem:$0x1F8E0] =	vst @!p4 v2  }
.Ltmp34:
0x247: {  	_ = 	snop;
	(pc) =	sbr.rel .LBB2_37-.Ltmp34, $1  }
0x248: {  	_ =	sdelay $0x3  }
.LBB2_39:
0x249: {  	_ =	sfence.sel $0x180000  }
0x24a: {  	[bflag:$0x0] =	sbarrier.arrive $0xFFFF  }
0x24b: {  	_ =	strace $0x90000047  }
0x24c: {  	s0 =	stileid.u32;
	[bflag:$0x2] =	sbarrier.arrive $0xFFFF  }
0x24d: {  	p0 =	sne.s32 s0, $0x0;
	s0 =	rddreg [dreg:$0x6]  }
0x24e: {  	s0 =	sadd.s32 @!p0 $0x100000, s0  }
0x24f: {  	[sflag:s0] =	ssyncadd.tile.s32 @!p0 $0x1;
	_ =	shalt  }
.Lfunc_end2:
_tile_overlayer_lowered:
.L_overlay_start_2:
0x250: {  	(tag) =	ssettag $0x2  }
0x251: {  	s0 =	rddreg [dreg:$0x0];
	s2 =	stileid.u32  }
0x252: {  	s1 =	rddreg [dreg:$0x1];
	p0 =	sne.s32 s2, $0x0  }
0x253: {  	s3 =	rddreg [dreg:$0x2];
	[bflag:$0x3] =	sbarrier.arrive $0xFFFF;
	s2 =	simm.s32 @!p0 $0x1C06  }
0x254: {  	[timem:s3], [sflag:s2] =	dma.local @!p0 [hbm:s0], s1  }
0x255: {  	s0 =	simm.s32 @!p0 $0x6  }
0x256: {  	_ =	swait.ge @!p0 [sflag:s0], s1  }
0x257: {  	s1 =	ssub.s32 @!p0 $0x0, s1;
	[sflag:s0] =	ssyncset.done @!p0 $0x0  }
0x258: {  	[sflag:s0] =	ssyncadd.s32 @!p0 s1  }
0x259: {  	[bflag:$0x3] =	sbarrier.arrive $0xFFFF  }
0x25a: {  	_ =	shalt  }

</sc_bundles>
